<compile_context>
chip_gen: v7x
topology: tpu7x:2x2x1
jax: 0.10.2.dev20260603
libtpu: 0.0.44.dev20260713+nightly
codegen_flags: <defaults>
</compile_context>

<pallas_src>
import functools
import jax
import jax.numpy as jnp
from jax import lax
from jax.experimental import pallas as pl
from jax.experimental.pallas import tpu as pltpu
from jax.experimental.pallas import tpu_sc as plsc

NX = 768
NF = 768
NX8 = NX // 8
NBITS = 8

NC, NS = 2, 16
NW = NC * NS
FPW = NF // NW
GV = NX8 // 16

_MAA = 0x00AA00AA
_MCC = 0x0000CCCC
_M0F = 0x0F0F0F0F
_MF0 = -252645136


def _sc_decode_body(codes_hbm, scale_hbm, wq_hbm,
                    codes_v, scale_v, out_v, slut_v):
    wid = lax.axis_index("s") * NC + lax.axis_index("c")
    f_base = wid * FPW
    pltpu.sync_copy(scale_hbm.at[pl.ds(f_base, FPW)], scale_v)
    pltpu.sync_copy(codes_hbm.at[:, pl.ds(f_base, FPW), :], codes_v)

    iota = lax.broadcasted_iota(jnp.int32, (16,), 0)
    iota8 = iota * 8

    def fl_body(fl):
        svvec = scale_v[fl, :]
        sv = [jnp.full((16,), svvec[i], jnp.float32) for i in range(NBITS)]
        lo = jnp.zeros((16,), jnp.float32)
        hi = jnp.zeros((16,), jnp.float32)
        for j in range(4):
            bit = (iota >> (3 - j)) & 1
            lo = lo + jnp.where(bit != 0, sv[4 + j], -sv[4 + j])
            hi = hi + jnp.where(bit != 0, sv[j], -sv[j])
        sbase = fl * 256
        for k in range(16):
            slut_v[pl.ds(sbase + k * 16, 16)] = lo + hi[k]

        flvec = jnp.full((16,), fl, jnp.int32)
        for gh in range(GV // 2):
            rows2 = []
            for gv in (2 * gh, 2 * gh + 1):
                gsl = pl.ds(gv * 16, 16)
                v = [codes_v[i, fl, gsl] for i in range(NBITS)]
                xw = (v[0] << 24) | (v[1] << 16) | (v[2] << 8) | v[3]
                yw = (v[4] << 24) | (v[5] << 16) | (v[6] << 8) | v[7]
                t = (xw ^ (xw >> 7)) & _MAA
                xw = xw ^ t ^ (t << 7)
                t = (yw ^ (yw >> 7)) & _MAA
                yw = yw ^ t ^ (t << 7)
                t = (xw ^ (xw >> 14)) & _MCC
                xw = xw ^ t ^ (t << 14)
                t = (yw ^ (yw >> 14)) & _MCC
                yw = yw ^ t ^ (t << 14)
                t = (xw & jnp.int32(_MF0)) | ((yw >> 4) & _M0F)
                yw = ((xw << 4) & jnp.int32(_MF0)) | (yw & _M0F)
                xw = t
                rows2.append([(xw >> 24) & 0xFF, (xw >> 16) & 0xFF,
                              (xw >> 8) & 0xFF, xw & 0xFF,
                              (yw >> 24) & 0xFF, (yw >> 16) & 0xFF,
                              (yw >> 8) & 0xFF, yw & 0xFF])
            vals2 = [[plsc.load_gather(slut_v, [rows2[h][p] + sbase])
                      for p in range(8)] for h in range(2)]
            for h in range(2):
                for p in range(8):
                    cidx = iota8 + (128 * (2 * gh + h) + p)
                    plsc.store_scatter(out_v, [flvec, cidx], vals2[h][p])

    plsc.parallel_loop(0, FPW, 1, unroll=2)(fl_body)
    pltpu.sync_copy(out_v, wq_hbm.at[pl.ds(f_base, FPW)])


def _tc_matmul_body(x_ref, wq_ref, bias_ref, out_ref):
    out = lax.dot_general(
        x_ref[0], wq_ref[...], (((1,), (1,)), ((), ())),
        preferred_element_type=jnp.float32,
    )
    out_ref[0] = out + bias_ref[...]


def kernel(x, scale, bias, binary):
    size_out = x.shape[:-1] + (NF,)
    x3 = x.reshape(1, -1, NX)
    tt = x3.shape[1]
    scale_pad = jnp.concatenate(
        [scale.reshape(NBITS, NF).T,
         jnp.zeros((NF, 16 - NBITS), jnp.float32)], axis=1)

    sc_decode = functools.partial(
        pl.kernel,
        out_type=jax.ShapeDtypeStruct((NF, NX), jnp.float32),
        mesh=plsc.VectorSubcoreMesh(
            core_axis_name="c", subcore_axis_name="s",
            num_cores=NC, num_subcores=NS,
        ),
        compiler_params=pltpu.CompilerParams(
            needs_layout_passes=False, use_tc_tiling_on_sc=True),
        scratch_types=[
            pltpu.VMEM((NBITS, FPW, NX8), jnp.int32),
            pltpu.VMEM((FPW, 16), jnp.float32),
            pltpu.VMEM((FPW, NX), jnp.float32),
            pltpu.VMEM((FPW * 256,), jnp.float32),
        ],
    )(_sc_decode_body)
    wq = sc_decode(binary, scale_pad)

    out = pl.pallas_call(
        _tc_matmul_body,
        out_shape=jax.ShapeDtypeStruct((1, tt, NF), jnp.float32),
    )(x3, wq, bias.reshape(1, NF))
    return out.reshape(size_out)

# --- scband reference (transcript-rebuilt; emitter-appended) ---
"""Pipeline reference for scband-bquant-conv1d-csr-10273561772171 (READ-ONLY COPY).

The authoritative reference and input builder live on the scoring server;
editing this copy changes nothing except your own understanding.
"""

import jax, jax.numpy as jnp
import numpy as np

NX = 768
NF = 768
BITS = 8

def _map4():
    return jnp.array([[1.0 if (j >> i) & 1 else -1.0 for j in range(16)] for i in range(3, -1, -1)], dtype=jnp.float32)

def _quantize(w0, bits):
    n, m = w0.shape
    binary_exp = jnp.array([2 ** k for k in range(7, -1, -1)], dtype=w0.dtype).reshape(1, 8, 1)
    scales = []
    bins = []
    for _ in range(bits):
        absw = jnp.abs(w0)
        sign = w0 > 0
        s = ((jnp.min(absw, axis=1) + jnp.max(absw, axis=1)) / 2.0).reshape(-1, 1)
        scales.append(s)
        b = jnp.where(sign, 1.0, 0.0).reshape(n, m // 8, 8)
        b = jnp.matmul(b, binary_exp).squeeze(2).astype(jnp.int32)
        bins.append(b)
        w0 = w0 - jnp.where(sign, s, -s)
    return jnp.stack(scales, axis=0), jnp.stack(bins, axis=0)

def setup_inputs(seed: int = 0):
    key = jax.random.key(seed)
    kx, kw, kb = jax.random.split(key, 3)
    x = jax.random.normal(kx, (1, 2048, NX), dtype=jnp.float32)
    w = jax.random.normal(kw, (NF, NX), dtype=jnp.float32) * 0.02
    bias = jax.random.normal(kb, (NF,), dtype=jnp.float32) * 0.01
    scale, binary = _quantize(w, BITS)
    return {"x": x, "scale": scale, "bias": bias, "binary": binary}

def reference(x, scale, bias, binary):
    nf = scale.shape[1]
    nx = x.shape[-1]
    nx8 = nx // 8
    size_out = x.shape[:-1] + (nf,)
    x2 = x.reshape(-1, nx)
    T = x2.shape[0]
    m4 = _map4()
    y = x2.reshape(T, nx8, 8)
    sub0 = jnp.matmul(y[:, :, 0:4], m4)[:, :, :, None]
    sub1 = jnp.matmul(y[:, :, 4:8], m4)[:, :, None, :]
    table = (sub0 + sub1).reshape(T, nx8 * 256).T
    offset = (jnp.arange(nx8, dtype=jnp.int32) * 256).reshape(1, -1)
    out = jnp.zeros((nf, T), dtype=jnp.float32)
    chunk = 128
    for i in range(binary.shape[0]):
        idx = binary[i] + offset
        for f0 in range(0, nf, chunk):
            rows = jnp.take(table, idx[f0:f0 + chunk].reshape(-1), axis=0)
            rows = rows.reshape(-1, nx8, T).sum(axis=1)
            out = out.at[f0:f0 + chunk].add(scale[i, f0:f0 + chunk] * rows)
    out = out.T + bias[None, :]
    return out.reshape(size_out)

if __name__ == "__main__":
    import jax
    _d = setup_inputs()
    print(jax.jit(kernel)(*tuple(_d.values())))

</pallas_src>

<mosaic_0001>
#map = affine_map<(d0, d1) -> (0, 0, 0)>
#map1 = affine_map<(d0, d1) -> (0, 0)>
module attributes {stable_mosaic.version = 14 : i64} {
  func.func @_sc_decode_body(%arg0: i32, %arg1: i32, %arg2: memref<8x768x96xi32, #tpu.memory_space<hbm>>, %arg3: memref<768x16xf32, #tpu.memory_space<hbm>>, %arg4: memref<768x768xf32, #tpu.memory_space<hbm>>, %arg5: memref<8x24x96xi32, #tpu.memory_space<vmem>>, %arg6: memref<24x16xf32, #tpu.memory_space<vmem>>, %arg7: memref<24x768xf32, #tpu.memory_space<vmem>>, %arg8: memref<6144xf32, #tpu.memory_space<vmem>>) attributes {dimension_semantics = [#tpu.dimension_semantics<core_parallel>, #tpu.dimension_semantics<subcore_parallel>], iteration_bounds = array<i64: 2, 16>, scalar_prefetch = 0 : i64, scratch_operands = 4 : i64, tpu.core_type = #tpu.core_type<sc_vector_subcore>, window_params = [{transform_indices = #map}, {transform_indices = #map1}, {transform_indices = #map1}]} {
    %mul3A = arith.constant 2 : i32
    %mul3A_0 = arith.muli %arg1, %mul3A : i32
    %add3A = arith.addi %mul3A_0, %arg0 : i32
    %mul3A_1 = arith.constant 24 : i32
    %mul3A_2 = arith.muli %add3A, %mul3A_1 : i32
    "tpu.region"() ({
      %run_scoped3A = tpu.sem_alloc : memref<!tpu.dma_semaphore, #tpu.memory_space<semaphore_mem>>
      %dma_start3A = arith.constant 0 : i32
      %dma_start3A_8 = tpu.memref_slice %arg3[%mul3A_2, %dma_start3A] : memref<768x16xf32, #tpu.memory_space<hbm>> -> memref<24x16xf32, #tpu.memory_space<hbm>>
      %dma_start3A_9 = arith.constant 0 : i32
      %dma_start3A_10 = tpu.memref_slice %arg3[%mul3A_2, %dma_start3A_9] : memref<768x16xf32, #tpu.memory_space<hbm>> -> memref<24x16xf32, #tpu.memory_space<hbm>>
      tpu.enqueue_dma source(%dma_start3A_10 : memref<24x16xf32, #tpu.memory_space<hbm>>) target(%arg6 : memref<24x16xf32, #tpu.memory_space<vmem>>) target_semaphore(%run_scoped3A : memref<!tpu.dma_semaphore, #tpu.memory_space<semaphore_mem>>)
      %dma_wait3A = arith.constant 0 : i32
      %dma_wait3A_11 = tpu.memref_slice %arg3[%mul3A_2, %dma_wait3A] : memref<768x16xf32, #tpu.memory_space<hbm>> -> memref<24x16xf32, #tpu.memory_space<hbm>>
      %dma_wait3A_12 = arith.constant 0 : i32
      %dma_wait3A_13 = tpu.memref_slice %arg3[%mul3A_2, %dma_wait3A_12] : memref<768x16xf32, #tpu.memory_space<hbm>> -> memref<24x16xf32, #tpu.memory_space<hbm>>
      tpu.wait_dma2 semaphore(%run_scoped3A : memref<!tpu.dma_semaphore, #tpu.memory_space<semaphore_mem>>) src(%dma_wait3A_13 : memref<24x16xf32, #tpu.memory_space<hbm>>) dst(%arg6 : memref<24x16xf32, #tpu.memory_space<vmem>>)
      tpu.yield
    }) : () -> ()
    "tpu.region"() ({
      %run_scoped3A = tpu.sem_alloc : memref<!tpu.dma_semaphore, #tpu.memory_space<semaphore_mem>>
      %dma_start3A = arith.constant 0 : i32
      %dma_start3A_8 = arith.constant 0 : i32
      %dma_start3A_9 = tpu.memref_slice %arg2[%dma_start3A, %mul3A_2, %dma_start3A_8] : memref<8x768x96xi32, #tpu.memory_space<hbm>> -> memref<8x24x96xi32, #tpu.memory_space<hbm>>
      %dma_start3A_10 = arith.constant 0 : i32
      %dma_start3A_11 = arith.constant 0 : i32
      %dma_start3A_12 = tpu.memref_slice %arg2[%dma_start3A_10, %mul3A_2, %dma_start3A_11] : memref<8x768x96xi32, #tpu.memory_space<hbm>> -> memref<8x24x96xi32, #tpu.memory_space<hbm>>
      tpu.enqueue_dma source(%dma_start3A_12 : memref<8x24x96xi32, #tpu.memory_space<hbm>>) target(%arg5 : memref<8x24x96xi32, #tpu.memory_space<vmem>>) target_semaphore(%run_scoped3A : memref<!tpu.dma_semaphore, #tpu.memory_space<semaphore_mem>>)
      %dma_wait3A = arith.constant 0 : i32
      %dma_wait3A_13 = arith.constant 0 : i32
      %dma_wait3A_14 = tpu.memref_slice %arg2[%dma_wait3A, %mul3A_2, %dma_wait3A_13] : memref<8x768x96xi32, #tpu.memory_space<hbm>> -> memref<8x24x96xi32, #tpu.memory_space<hbm>>
      %dma_wait3A_15 = arith.constant 0 : i32
      %dma_wait3A_16 = arith.constant 0 : i32
      %dma_wait3A_17 = tpu.memref_slice %arg2[%dma_wait3A_15, %mul3A_2, %dma_wait3A_16] : memref<8x768x96xi32, #tpu.memory_space<hbm>> -> memref<8x24x96xi32, #tpu.memory_space<hbm>>
      tpu.wait_dma2 semaphore(%run_scoped3A : memref<!tpu.dma_semaphore, #tpu.memory_space<semaphore_mem>>) src(%dma_wait3A_17 : memref<8x24x96xi32, #tpu.memory_space<hbm>>) dst(%arg5 : memref<8x24x96xi32, #tpu.memory_space<vmem>>)
      tpu.yield
    }) : () -> ()
    %iota3A = tpu.iota {dimensions = array<i32: 0>} : vector<16xi32>
    %mul3A_3 = arith.constant 8 : i32
    %mul3A_4 = vector.broadcast %mul3A_3 : i32 to vector<16xi32>
    %mul3A_5 = arith.muli %iota3A, %mul3A_4 : vector<16xi32>
    %parallel_loop3A = arith.constant 0 : i32
    %parallel_loop3A_6 = arith.constant 24 : i32
    %parallel_loop3A_7 = arith.constant 1 : i32
    scf.for %parallel_loop3A_8 = %parallel_loop3A to %parallel_loop3A_6 step %parallel_loop3A_7  : i32 {
      %parallel_loop3A_9 = arith.index_cast %parallel_loop3A_8 : i32 to index
      %parallel_loop3A_10 = arith.constant 0 : index
      %parallel_loop3A_11 = tpu.vector_load %arg6[%parallel_loop3A_9, %parallel_loop3A_10] {strides = array<i32>} : memref<24x16xf32, #tpu.memory_space<vmem>>, vector<16xf32>,
      %parallel_loop3A_12 = vector.extract_strided_slice %parallel_loop3A_11 {offsets = [0], sizes = [1], strides = [1]} : vector<16xf32> to vector<1xf32>
      %parallel_loop3A_13 = vector.extract %parallel_loop3A_12[0] : f32 from vector<1xf32>
      %parallel_loop3A_14 = vector.broadcast %parallel_loop3A_13 : f32 to vector<16xf32>
      %parallel_loop3A_15 = vector.extract_strided_slice %parallel_loop3A_11 {offsets = [1], sizes = [1], strides = [1]} : vector<16xf32> to vector<1xf32>
      %parallel_loop3A_16 = vector.extract %parallel_loop3A_15[0] : f32 from vector<1xf32>
      %parallel_loop3A_17 = vector.broadcast %parallel_loop3A_16 : f32 to vector<16xf32>
      %parallel_loop3A_18 = vector.extract_strided_slice %parallel_loop3A_11 {offsets = [2], sizes = [1], strides = [1]} : vector<16xf32> to vector<1xf32>
      %parallel_loop3A_19 = vector.extract %parallel_loop3A_18[0] : f32 from vector<1xf32>
      %parallel_loop3A_20 = vector.broadcast %parallel_loop3A_19 : f32 to vector<16xf32>
      %parallel_loop3A_21 = vector.extract_strided_slice %parallel_loop3A_11 {offsets = [3], sizes = [1], strides = [1]} : vector<16xf32> to vector<1xf32>
      %parallel_loop3A_22 = vector.extract %parallel_loop3A_21[0] : f32 from vector<1xf32>
      %parallel_loop3A_23 = vector.broadcast %parallel_loop3A_22 : f32 to vector<16xf32>
      %parallel_loop3A_24 = vector.extract_strided_slice %parallel_loop3A_11 {offsets = [4], sizes = [1], strides = [1]} : vector<16xf32> to vector<1xf32>
      %parallel_loop3A_25 = vector.extract %parallel_loop3A_24[0] : f32 from vector<1xf32>
      %parallel_loop3A_26 = vector.broadcast %parallel_loop3A_25 : f32 to vector<16xf32>
      %parallel_loop3A_27 = vector.extract_strided_slice %parallel_loop3A_11 {offsets = [5], sizes = [1], strides = [1]} : vector<16xf32> to vector<1xf32>
      %parallel_loop3A_28 = vector.extract %parallel_loop3A_27[0] : f32 from vector<1xf32>
      %parallel_loop3A_29 = vector.broadcast %parallel_loop3A_28 : f32 to vector<16xf32>
      %parallel_loop3A_30 = vector.extract_strided_slice %parallel_loop3A_11 {offsets = [6], sizes = [1], strides = [1]} : vector<16xf32> to vector<1xf32>
      %parallel_loop3A_31 = vector.extract %parallel_loop3A_30[0] : f32 from vector<1xf32>
      %parallel_loop3A_32 = vector.broadcast %parallel_loop3A_31 : f32 to vector<16xf32>
      %parallel_loop3A_33 = vector.extract_strided_slice %parallel_loop3A_11 {offsets = [7], sizes = [1], strides = [1]} : vector<16xf32> to vector<1xf32>
      %parallel_loop3A_34 = vector.extract %parallel_loop3A_33[0] : f32 from vector<1xf32>
      %parallel_loop3A_35 = vector.broadcast %parallel_loop3A_34 : f32 to vector<16xf32>
      %parallel_loop3A_36 = arith.constant 0.000000e+00 : f32
      %parallel_loop3A_37 = vector.broadcast %parallel_loop3A_36 : f32 to vector<16xf32>
      %parallel_loop3A_38 = arith.constant 0.000000e+00 : f32
      %parallel_loop3A_39 = vector.broadcast %parallel_loop3A_38 : f32 to vector<16xf32>
      %parallel_loop3A_40 = arith.constant 3 : i32
      %parallel_loop3A_41 = vector.broadcast %parallel_loop3A_40 : i32 to vector<16xi32>
      %parallel_loop3A_42 = arith.shrsi %iota3A, %parallel_loop3A_41 : vector<16xi32>
      %parallel_loop3A_43 = arith.constant 1 : i32
      %parallel_loop3A_44 = vector.broadcast %parallel_loop3A_43 : i32 to vector<16xi32>
      %parallel_loop3A_45 = arith.andi %parallel_loop3A_42, %parallel_loop3A_44 : vector<16xi32>
      %parallel_loop3A_46 = arith.constant 0 : i32
      %parallel_loop3A_47 = vector.broadcast %parallel_loop3A_46 : i32 to vector<16xi32>
      %parallel_loop3A_48 = arith.cmpi ne, %parallel_loop3A_45, %parallel_loop3A_47 : vector<16xi32>
      %parallel_loop3A_49 = arith.constant 0.000000e+00 : f32
      %parallel_loop3A_50 = vector.broadcast %parallel_loop3A_49 : f32 to vector<16xf32>
      %parallel_loop3A_51 = arith.subf %parallel_loop3A_50, %parallel_loop3A_26 : vector<16xf32>
      %parallel_loop3A_52 = arith.select %parallel_loop3A_48, %parallel_loop3A_26, %parallel_loop3A_51 : vector<16xi1>, vector<16xf32>
      %parallel_loop3A_53 = arith.addf %parallel_loop3A_37, %parallel_loop3A_52 : vector<16xf32>
      %parallel_loop3A_54 = arith.constant 0 : i32
      %parallel_loop3A_55 = vector.broadcast %parallel_loop3A_54 : i32 to vector<16xi32>
      %parallel_loop3A_56 = arith.cmpi ne, %parallel_loop3A_45, %parallel_loop3A_55 : vector<16xi32>
      %parallel_loop3A_57 = arith.constant 0.000000e+00 : f32
      %parallel_loop3A_58 = vector.broadcast %parallel_loop3A_57 : f32 to vector<16xf32>
      %parallel_loop3A_59 = arith.subf %parallel_loop3A_58, %parallel_loop3A_14 : vector<16xf32>
      %parallel_loop3A_60 = arith.select %parallel_loop3A_56, %parallel_loop3A_14, %parallel_loop3A_59 : vector<16xi1>, vector<16xf32>
      %parallel_loop3A_61 = arith.addf %parallel_loop3A_39, %parallel_loop3A_60 : vector<16xf32>
      %parallel_loop3A_62 = arith.constant 2 : i32
      %parallel_loop3A_63 = vector.broadcast %parallel_loop3A_62 : i32 to vector<16xi32>
      %parallel_loop3A_64 = arith.shrsi %iota3A, %parallel_loop3A_63 : vector<16xi32>
      %parallel_loop3A_65 = arith.constant 1 : i32
      %parallel_loop3A_66 = vector.broadcast %parallel_loop3A_65 : i32 to vector<16xi32>
      %parallel_loop3A_67 = arith.andi %parallel_loop3A_64, %parallel_loop3A_66 : vector<16xi32>
      %parallel_loop3A_68 = arith.constant 0 : i32
      %parallel_loop3A_69 = vector.broadcast %parallel_loop3A_68 : i32 to vector<16xi32>
      %parallel_loop3A_70 = arith.cmpi ne, %parallel_loop3A_67, %parallel_loop3A_69 : vector<16xi32>
      %parallel_loop3A_71 = arith.constant 0.000000e+00 : f32
      %parallel_loop3A_72 = vector.broadcast %parallel_loop3A_71 : f32 to vector<16xf32>
      %parallel_loop3A_73 = arith.subf %parallel_loop3A_72, %parallel_loop3A_29 : vector<16xf32>
      %parallel_loop3A_74 = arith.select %parallel_loop3A_70, %parallel_loop3A_29, %parallel_loop3A_73 : vector<16xi1>, vector<16xf32>
      %parallel_loop3A_75 = arith.addf %parallel_loop3A_53, %parallel_loop3A_74 : vector<16xf32>
      %parallel_loop3A_76 = arith.constant 0 : i32
      %parallel_loop3A_77 = vector.broadcast %parallel_loop3A_76 : i32 to vector<16xi32>
      %parallel_loop3A_78 = arith.cmpi ne, %parallel_loop3A_67, %parallel_loop3A_77 : vector<16xi32>
      %parallel_loop3A_79 = arith.constant 0.000000e+00 : f32
      %parallel_loop3A_80 = vector.broadcast %parallel_loop3A_79 : f32 to vector<16xf32>
      %parallel_loop3A_81 = arith.subf %parallel_loop3A_80, %parallel_loop3A_17 : vector<16xf32>
      %parallel_loop3A_82 = arith.select %parallel_loop3A_78, %parallel_loop3A_17, %parallel_loop3A_81 : vector<16xi1>, vector<16xf32>
      %parallel_loop3A_83 = arith.addf %parallel_loop3A_61, %parallel_loop3A_82 : vector<16xf32>
      %parallel_loop3A_84 = arith.constant 1 : i32
      %parallel_loop3A_85 = vector.broadcast %parallel_loop3A_84 : i32 to vector<16xi32>
      %parallel_loop3A_86 = arith.shrsi %iota3A, %parallel_loop3A_85 : vector<16xi32>
      %parallel_loop3A_87 = arith.constant 1 : i32
      %parallel_loop3A_88 = vector.broadcast %parallel_loop3A_87 : i32 to vector<16xi32>
      %parallel_loop3A_89 = arith.andi %parallel_loop3A_86, %parallel_loop3A_88 : vector<16xi32>
      %parallel_loop3A_90 = arith.constant 0 : i32
      %parallel_loop3A_91 = vector.broadcast %parallel_loop3A_90 : i32 to vector<16xi32>
      %parallel_loop3A_92 = arith.cmpi ne, %parallel_loop3A_89, %parallel_loop3A_91 : vector<16xi32>
      %parallel_loop3A_93 = arith.constant 0.000000e+00 : f32
      %parallel_loop3A_94 = vector.broadcast %parallel_loop3A_93 : f32 to vector<16xf32>
      %parallel_loop3A_95 = arith.subf %parallel_loop3A_94, %parallel_loop3A_32 : vector<16xf32>
      %parallel_loop3A_96 = arith.select %parallel_loop3A_92, %parallel_loop3A_32, %parallel_loop3A_95 : vector<16xi1>, vector<16xf32>
      %parallel_loop3A_97 = arith.addf %parallel_loop3A_75, %parallel_loop3A_96 : vector<16xf32>
      %parallel_loop3A_98 = arith.constant 0 : i32
      %parallel_loop3A_99 = vector.broadcast %parallel_loop3A_98 : i32 to vector<16xi32>
      %parallel_loop3A_100 = arith.cmpi ne, %parallel_loop3A_89, %parallel_loop3A_99 : vector<16xi32>
      %parallel_loop3A_101 = arith.constant 0.000000e+00 : f32
      %parallel_loop3A_102 = vector.broadcast %parallel_loop3A_101 : f32 to vector<16xf32>
      %parallel_loop3A_103 = arith.subf %parallel_loop3A_102, %parallel_loop3A_20 : vector<16xf32>
      %parallel_loop3A_104 = arith.select %parallel_loop3A_100, %parallel_loop3A_20, %parallel_loop3A_103 : vector<16xi1>, vector<16xf32>
      %parallel_loop3A_105 = arith.addf %parallel_loop3A_83, %parallel_loop3A_104 : vector<16xf32>
      %parallel_loop3A_106 = arith.constant 0 : i32
      %parallel_loop3A_107 = vector.broadcast %parallel_loop3A_106 : i32 to vector<16xi32>
      %parallel_loop3A_108 = arith.shrsi %iota3A, %parallel_loop3A_107 : vector<16xi32>
      %parallel_loop3A_109 = arith.constant 1 : i32
      %parallel_loop3A_110 = vector.broadcast %parallel_loop3A_109 : i32 to vector<16xi32>
      %parallel_loop3A_111 = arith.andi %parallel_loop3A_108, %parallel_loop3A_110 : vector<16xi32>
      %parallel_loop3A_112 = arith.constant 0 : i32
      %parallel_loop3A_113 = vector.broadcast %parallel_loop3A_112 : i32 to vector<16xi32>
      %parallel_loop3A_114 = arith.cmpi ne, %parallel_loop3A_111, %parallel_loop3A_113 : vector<16xi32>
      %parallel_loop3A_115 = arith.constant 0.000000e+00 : f32
      %parallel_loop3A_116 = vector.broadcast %parallel_loop3A_115 : f32 to vector<16xf32>
      %parallel_loop3A_117 = arith.subf %parallel_loop3A_116, %parallel_loop3A_35 : vector<16xf32>
      %parallel_loop3A_118 = arith.select %parallel_loop3A_114, %parallel_loop3A_35, %parallel_loop3A_117 : vector<16xi1>, vector<16xf32>
      %parallel_loop3A_119 = arith.addf %parallel_loop3A_97, %parallel_loop3A_118 : vector<16xf32>
      %parallel_loop3A_120 = arith.constant 0 : i32
      %parallel_loop3A_121 = vector.broadcast %parallel_loop3A_120 : i32 to vector<16xi32>
      %parallel_loop3A_122 = arith.cmpi ne, %parallel_loop3A_111, %parallel_loop3A_121 : vector<16xi32>
      %parallel_loop3A_123 = arith.constant 0.000000e+00 : f32
      %parallel_loop3A_124 = vector.broadcast %parallel_loop3A_123 : f32 to vector<16xf32>
      %parallel_loop3A_125 = arith.subf %parallel_loop3A_124, %parallel_loop3A_23 : vector<16xf32>
      %parallel_loop3A_126 = arith.select %parallel_loop3A_122, %parallel_loop3A_23, %parallel_loop3A_125 : vector<16xi1>, vector<16xf32>
      %parallel_loop3A_127 = arith.addf %parallel_loop3A_105, %parallel_loop3A_126 : vector<16xf32>
      %parallel_loop3A_128 = arith.constant 256 : i32
      %parallel_loop3A_129 = arith.muli %parallel_loop3A_8, %parallel_loop3A_128 : i32
      %parallel_loop3A_130 = vector.extract_strided_slice %parallel_loop3A_127 {offsets = [0], sizes = [1], strides = [1]} : vector<16xf32> to vector<1xf32>
      %parallel_loop3A_131 = vector.extract %parallel_loop3A_130[0] : f32 from vector<1xf32>
      %parallel_loop3A_132 = vector.broadcast %parallel_loop3A_131 : f32 to vector<16xf32>
      %parallel_loop3A_133 = arith.addf %parallel_loop3A_119, %parallel_loop3A_132 : vector<16xf32>
      %parallel_loop3A_134 = arith.constant 0 : i32
      %parallel_loop3A_135 = arith.addi %parallel_loop3A_129, %parallel_loop3A_134 : i32
      %parallel_loop3A_136 = arith.index_cast %parallel_loop3A_135 : i32 to index
      %parallel_loop3A_137 = tpu.vector_load %arg8[%parallel_loop3A_136] {strides = array<i32>} : memref<6144xf32, #tpu.memory_space<vmem>>, vector<16xf32>,
      tpu.vector_store %arg8[%parallel_loop3A_136], %parallel_loop3A_133 {strides = array<i32>} : memref<6144xf32, #tpu.memory_space<vmem>>, vector<16xf32>,
      %parallel_loop3A_138 = vector.extract_strided_slice %parallel_loop3A_127 {offsets = [1], sizes = [1], strides = [1]} : vector<16xf32> to vector<1xf32>
      %parallel_loop3A_139 = vector.extract %parallel_loop3A_138[0] : f32 from vector<1xf32>
      %parallel_loop3A_140 = vector.broadcast %parallel_loop3A_139 : f32 to vector<16xf32>
      %parallel_loop3A_141 = arith.addf %parallel_loop3A_119, %parallel_loop3A_140 : vector<16xf32>
      %parallel_loop3A_142 = arith.constant 16 : i32
      %parallel_loop3A_143 = arith.addi %parallel_loop3A_129, %parallel_loop3A_142 : i32
      %parallel_loop3A_144 = arith.index_cast %parallel_loop3A_143 : i32 to index
      %parallel_loop3A_145 = tpu.vector_load %arg8[%parallel_loop3A_144] {strides = array<i32>} : memref<6144xf32, #tpu.memory_space<vmem>>, vector<16xf32>,
      tpu.vector_store %arg8[%parallel_loop3A_144], %parallel_loop3A_141 {strides = array<i32>} : memref<6144xf32, #tpu.memory_space<vmem>>, vector<16xf32>,
      %parallel_loop3A_146 = vector.extract_strided_slice %parallel_loop3A_127 {offsets = [2], sizes = [1], strides = [1]} : vector<16xf32> to vector<1xf32>
      %parallel_loop3A_147 = vector.extract %parallel_loop3A_146[0] : f32 from vector<1xf32>
      %parallel_loop3A_148 = vector.broadcast %parallel_loop3A_147 : f32 to vector<16xf32>
      %parallel_loop3A_149 = arith.addf %parallel_loop3A_119, %parallel_loop3A_148 : vector<16xf32>
      %parallel_loop3A_150 = arith.constant 32 : i32
      %parallel_loop3A_151 = arith.addi %parallel_loop3A_129, %parallel_loop3A_150 : i32
      %parallel_loop3A_152 = arith.index_cast %parallel_loop3A_151 : i32 to index
      %parallel_loop3A_153 = tpu.vector_load %arg8[%parallel_loop3A_152] {strides = array<i32>} : memref<6144xf32, #tpu.memory_space<vmem>>, vector<16xf32>,
      tpu.vector_store %arg8[%parallel_loop3A_152], %parallel_loop3A_149 {strides = array<i32>} : memref<6144xf32, #tpu.memory_space<vmem>>, vector<16xf32>,
      %parallel_loop3A_154 = vector.extract_strided_slice %parallel_loop3A_127 {offsets = [3], sizes = [1], strides = [1]} : vector<16xf32> to vector<1xf32>
      %parallel_loop3A_155 = vector.extract %parallel_loop3A_154[0] : f32 from vector<1xf32>
      %parallel_loop3A_156 = vector.broadcast %parallel_loop3A_155 : f32 to vector<16xf32>
      %parallel_loop3A_157 = arith.addf %parallel_loop3A_119, %parallel_loop3A_156 : vector<16xf32>
      %parallel_loop3A_158 = arith.constant 48 : i32
      %parallel_loop3A_159 = arith.addi %parallel_loop3A_129, %parallel_loop3A_158 : i32
      %parallel_loop3A_160 = arith.index_cast %parallel_loop3A_159 : i32 to index
      %parallel_loop3A_161 = tpu.vector_load %arg8[%parallel_loop3A_160] {strides = array<i32>} : memref<6144xf32, #tpu.memory_space<vmem>>, vector<16xf32>,
      tpu.vector_store %arg8[%parallel_loop3A_160], %parallel_loop3A_157 {strides = array<i32>} : memref<6144xf32, #tpu.memory_space<vmem>>, vector<16xf32>,
      %parallel_loop3A_162 = vector.extract_strided_slice %parallel_loop3A_127 {offsets = [4], sizes = [1], strides = [1]} : vector<16xf32> to vector<1xf32>
      %parallel_loop3A_163 = vector.extract %parallel_loop3A_162[0] : f32 from vector<1xf32>
      %parallel_loop3A_164 = vector.broadcast %parallel_loop3A_163 : f32 to vector<16xf32>
      %parallel_loop3A_165 = arith.addf %parallel_loop3A_119, %parallel_loop3A_164 : vector<16xf32>
      %parallel_loop3A_166 = arith.constant 64 : i32
      %parallel_loop3A_167 = arith.addi %parallel_loop3A_129, %parallel_loop3A_166 : i32
      %parallel_loop3A_168 = arith.index_cast %parallel_loop3A_167 : i32 to index
      %parallel_loop3A_169 = tpu.vector_load %arg8[%parallel_loop3A_168] {strides = array<i32>} : memref<6144xf32, #tpu.memory_space<vmem>>, vector<16xf32>,
      tpu.vector_store %arg8[%parallel_loop3A_168], %parallel_loop3A_165 {strides = array<i32>} : memref<6144xf32, #tpu.memory_space<vmem>>, vector<16xf32>,
      %parallel_loop3A_170 = vector.extract_strided_slice %parallel_loop3A_127 {offsets = [5], sizes = [1], strides = [1]} : vector<16xf32> to vector<1xf32>
      %parallel_loop3A_171 = vector.extract %parallel_loop3A_170[0] : f32 from vector<1xf32>
      %parallel_loop3A_172 = vector.broadcast %parallel_loop3A_171 : f32 to vector<16xf32>
      %parallel_loop3A_173 = arith.addf %parallel_loop3A_119, %parallel_loop3A_172 : vector<16xf32>
      %parallel_loop3A_174 = arith.constant 80 : i32
      %parallel_loop3A_175 = arith.addi %parallel_loop3A_129, %parallel_loop3A_174 : i32
      %parallel_loop3A_176 = arith.index_cast %parallel_loop3A_175 : i32 to index
      %parallel_loop3A_177 = tpu.vector_load %arg8[%parallel_loop3A_176] {strides = array<i32>} : memref<6144xf32, #tpu.memory_space<vmem>>, vector<16xf32>,
      tpu.vector_store %arg8[%parallel_loop3A_176], %parallel_loop3A_173 {strides = array<i32>} : memref<6144xf32, #tpu.memory_space<vmem>>, vector<16xf32>,
      %parallel_loop3A_178 = vector.extract_strided_slice %parallel_loop3A_127 {offsets = [6], sizes = [1], strides = [1]} : vector<16xf32> to vector<1xf32>
      %parallel_loop3A_179 = vector.extract %parallel_loop3A_178[0] : f32 from vector<1xf32>
      %parallel_loop3A_180 = vector.broadcast %parallel_loop3A_179 : f32 to vector<16xf32>
      %parallel_loop3A_181 = arith.addf %parallel_loop3A_119, %parallel_loop3A_180 : vector<16xf32>
      %parallel_loop3A_182 = arith.constant 96 : i32
      %parallel_loop3A_183 = arith.addi %parallel_loop3A_129, %parallel_loop3A_182 : i32
      %parallel_loop3A_184 = arith.index_cast %parallel_loop3A_183 : i32 to index
      %parallel_loop3A_185 = tpu.vector_load %arg8[%parallel_loop3A_184] {strides = array<i32>} : memref<6144xf32, #tpu.memory_space<vmem>>, vector<16xf32>,
      tpu.vector_store %arg8[%parallel_loop3A_184], %parallel_loop3A_181 {strides = array<i32>} : memref<6144xf32, #tpu.memory_space<vmem>>, vector<16xf32>,
      %parallel_loop3A_186 = vector.extract_strided_slice %parallel_loop3A_127 {offsets = [7], sizes = [1], strides = [1]} : vector<16xf32> to vector<1xf32>
      %parallel_loop3A_187 = vector.extract %parallel_loop3A_186[0] : f32 from vector<1xf32>
      %parallel_loop3A_188 = vector.broadcast %parallel_loop3A_187 : f32 to vector<16xf32>
      %parallel_loop3A_189 = arith.addf %parallel_loop3A_119, %parallel_loop3A_188 : vector<16xf32>
      %parallel_loop3A_190 = arith.constant 112 : i32
      %parallel_loop3A_191 = arith.addi %parallel_loop3A_129, %parallel_loop3A_190 : i32
      %parallel_loop3A_192 = arith.index_cast %parallel_loop3A_191 : i32 to index
      %parallel_loop3A_193 = tpu.vector_load %arg8[%parallel_loop3A_192] {strides = array<i32>} : memref<6144xf32, #tpu.memory_space<vmem>>, vector<16xf32>,
      tpu.vector_store %arg8[%parallel_loop3A_192], %parallel_loop3A_189 {strides = array<i32>} : memref<6144xf32, #tpu.memory_space<vmem>>, vector<16xf32>,
      %parallel_loop3A_194 = vector.extract_strided_slice %parallel_loop3A_127 {offsets = [8], sizes = [1], strides = [1]} : vector<16xf32> to vector<1xf32>
      %parallel_loop3A_195 = vector.extract %parallel_loop3A_194[0] : f32 from vector<1xf32>
      %parallel_loop3A_196 = vector.broadcast %parallel_loop3A_195 : f32 to vector<16xf32>
      %parallel_loop3A_197 = arith.addf %parallel_loop3A_119, %parallel_loop3A_196 : vector<16xf32>
      %parallel_loop3A_198 = arith.constant 128 : i32
      %parallel_loop3A_199 = arith.addi %parallel_loop3A_129, %parallel_loop3A_198 : i32
      %parallel_loop3A_200 = arith.index_cast %parallel_loop3A_199 : i32 to index
      %parallel_loop3A_201 = tpu.vector_load %arg8[%parallel_loop3A_200] {strides = array<i32>} : memref<6144xf32, #tpu.memory_space<vmem>>, vector<16xf32>,
      tpu.vector_store %arg8[%parallel_loop3A_200], %parallel_loop3A_197 {strides = array<i32>} : memref<6144xf32, #tpu.memory_space<vmem>>, vector<16xf32>,
      %parallel_loop3A_202 = vector.extract_strided_slice %parallel_loop3A_127 {offsets = [9], sizes = [1], strides = [1]} : vector<16xf32> to vector<1xf32>
      %parallel_loop3A_203 = vector.extract %parallel_loop3A_202[0] : f32 from vector<1xf32>
      %parallel_loop3A_204 = vector.broadcast %parallel_loop3A_203 : f32 to vector<16xf32>
      %parallel_loop3A_205 = arith.addf %parallel_loop3A_119, %parallel_loop3A_204 : vector<16xf32>
      %parallel_loop3A_206 = arith.constant 144 : i32
      %parallel_loop3A_207 = arith.addi %parallel_loop3A_129, %parallel_loop3A_206 : i32
      %parallel_loop3A_208 = arith.index_cast %parallel_loop3A_207 : i32 to index
      %parallel_loop3A_209 = tpu.vector_load %arg8[%parallel_loop3A_208] {strides = array<i32>} : memref<6144xf32, #tpu.memory_space<vmem>>, vector<16xf32>,
      tpu.vector_store %arg8[%parallel_loop3A_208], %parallel_loop3A_205 {strides = array<i32>} : memref<6144xf32, #tpu.memory_space<vmem>>, vector<16xf32>,
      %parallel_loop3A_210 = vector.extract_strided_slice %parallel_loop3A_127 {offsets = [10], sizes = [1], strides = [1]} : vector<16xf32> to vector<1xf32>
      %parallel_loop3A_211 = vector.extract %parallel_loop3A_210[0] : f32 from vector<1xf32>
      %parallel_loop3A_212 = vector.broadcast %parallel_loop3A_211 : f32 to vector<16xf32>
      %parallel_loop3A_213 = arith.addf %parallel_loop3A_119, %parallel_loop3A_212 : vector<16xf32>
      %parallel_loop3A_214 = arith.constant 160 : i32
      %parallel_loop3A_215 = arith.addi %parallel_loop3A_129, %parallel_loop3A_214 : i32
      %parallel_loop3A_216 = arith.index_cast %parallel_loop3A_215 : i32 to index
      %parallel_loop3A_217 = tpu.vector_load %arg8[%parallel_loop3A_216] {strides = array<i32>} : memref<6144xf32, #tpu.memory_space<vmem>>, vector<16xf32>,
      tpu.vector_store %arg8[%parallel_loop3A_216], %parallel_loop3A_213 {strides = array<i32>} : memref<6144xf32, #tpu.memory_space<vmem>>, vector<16xf32>,
      %parallel_loop3A_218 = vector.extract_strided_slice %parallel_loop3A_127 {offsets = [11], sizes = [1], strides = [1]} : vector<16xf32> to vector<1xf32>
      %parallel_loop3A_219 = vector.extract %parallel_loop3A_218[0] : f32 from vector<1xf32>
      %parallel_loop3A_220 = vector.broadcast %parallel_loop3A_219 : f32 to vector<16xf32>
      %parallel_loop3A_221 = arith.addf %parallel_loop3A_119, %parallel_loop3A_220 : vector<16xf32>
      %parallel_loop3A_222 = arith.constant 176 : i32
      %parallel_loop3A_223 = arith.addi %parallel_loop3A_129, %parallel_loop3A_222 : i32
      %parallel_loop3A_224 = arith.index_cast %parallel_loop3A_223 : i32 to index
      %parallel_loop3A_225 = tpu.vector_load %arg8[%parallel_loop3A_224] {strides = array<i32>} : memref<6144xf32, #tpu.memory_space<vmem>>, vector<16xf32>,
      tpu.vector_store %arg8[%parallel_loop3A_224], %parallel_loop3A_221 {strides = array<i32>} : memref<6144xf32, #tpu.memory_space<vmem>>, vector<16xf32>,
      %parallel_loop3A_226 = vector.extract_strided_slice %parallel_loop3A_127 {offsets = [12], sizes = [1], strides = [1]} : vector<16xf32> to vector<1xf32>
      %parallel_loop3A_227 = vector.extract %parallel_loop3A_226[0] : f32 from vector<1xf32>
      %parallel_loop3A_228 = vector.broadcast %parallel_loop3A_227 : f32 to vector<16xf32>
      %parallel_loop3A_229 = arith.addf %parallel_loop3A_119, %parallel_loop3A_228 : vector<16xf32>
      %parallel_loop3A_230 = arith.constant 192 : i32
      %parallel_loop3A_231 = arith.addi %parallel_loop3A_129, %parallel_loop3A_230 : i32
      %parallel_loop3A_232 = arith.index_cast %parallel_loop3A_231 : i32 to index
      %parallel_loop3A_233 = tpu.vector_load %arg8[%parallel_loop3A_232] {strides = array<i32>} : memref<6144xf32, #tpu.memory_space<vmem>>, vector<16xf32>,
      tpu.vector_store %arg8[%parallel_loop3A_232], %parallel_loop3A_229 {strides = array<i32>} : memref<6144xf32, #tpu.memory_space<vmem>>, vector<16xf32>,
      %parallel_loop3A_234 = vector.extract_strided_slice %parallel_loop3A_127 {offsets = [13], sizes = [1], strides = [1]} : vector<16xf32> to vector<1xf32>
      %parallel_loop3A_235 = vector.extract %parallel_loop3A_234[0] : f32 from vector<1xf32>
      %parallel_loop3A_236 = vector.broadcast %parallel_loop3A_235 : f32 to vector<16xf32>
      %parallel_loop3A_237 = arith.addf %parallel_loop3A_119, %parallel_loop3A_236 : vector<16xf32>
      %parallel_loop3A_238 = arith.constant 208 : i32
      %parallel_loop3A_239 = arith.addi %parallel_loop3A_129, %parallel_loop3A_238 : i32
      %parallel_loop3A_240 = arith.index_cast %parallel_loop3A_239 : i32 to index
      %parallel_loop3A_241 = tpu.vector_load %arg8[%parallel_loop3A_240] {strides = array<i32>} : memref<6144xf32, #tpu.memory_space<vmem>>, vector<16xf32>,
      tpu.vector_store %arg8[%parallel_loop3A_240], %parallel_loop3A_237 {strides = array<i32>} : memref<6144xf32, #tpu.memory_space<vmem>>, vector<16xf32>,
      %parallel_loop3A_242 = vector.extract_strided_slice %parallel_loop3A_127 {offsets = [14], sizes = [1], strides = [1]} : vector<16xf32> to vector<1xf32>
      %parallel_loop3A_243 = vector.extract %parallel_loop3A_242[0] : f32 from vector<1xf32>
      %parallel_loop3A_244 = vector.broadcast %parallel_loop3A_243 : f32 to vector<16xf32>
      %parallel_loop3A_245 = arith.addf %parallel_loop3A_119, %parallel_loop3A_244 : vector<16xf32>
      %parallel_loop3A_246 = arith.constant 224 : i32
      %parallel_loop3A_247 = arith.addi %parallel_loop3A_129, %parallel_loop3A_246 : i32
      %parallel_loop3A_248 = arith.index_cast %parallel_loop3A_247 : i32 to index
      %parallel_loop3A_249 = tpu.vector_load %arg8[%parallel_loop3A_248] {strides = array<i32>} : memref<6144xf32, #tpu.memory_space<vmem>>, vector<16xf32>,
      tpu.vector_store %arg8[%parallel_loop3A_248], %parallel_loop3A_245 {strides = array<i32>} : memref<6144xf32, #tpu.memory_space<vmem>>, vector<16xf32>,
      %parallel_loop3A_250 = vector.extract_strided_slice %parallel_loop3A_127 {offsets = [15], sizes = [1], strides = [1]} : vector<16xf32> to vector<1xf32>
      %parallel_loop3A_251 = vector.extract %parallel_loop3A_250[0] : f32 from vector<1xf32>
      %parallel_loop3A_252 = vector.broadcast %parallel_loop3A_251 : f32 to vector<16xf32>
      %parallel_loop3A_253 = arith.addf %parallel_loop3A_119, %parallel_loop3A_252 : vector<16xf32>
      %parallel_loop3A_254 = arith.constant 240 : i32
      %parallel_loop3A_255 = arith.addi %parallel_loop3A_129, %parallel_loop3A_254 : i32
      %parallel_loop3A_256 = arith.index_cast %parallel_loop3A_255 : i32 to index
      %parallel_loop3A_257 = tpu.vector_load %arg8[%parallel_loop3A_256] {strides = array<i32>} : memref<6144xf32, #tpu.memory_space<vmem>>, vector<16xf32>,
      tpu.vector_store %arg8[%parallel_loop3A_256], %parallel_loop3A_253 {strides = array<i32>} : memref<6144xf32, #tpu.memory_space<vmem>>, vector<16xf32>,
      %parallel_loop3A_258 = vector.broadcast %parallel_loop3A_8 : i32 to vector<16xi32>
      %parallel_loop3A_259 = arith.constant 0 : i32
      %parallel_loop3A_260 = arith.index_cast %parallel_loop3A_259 : i32 to index
      %parallel_loop3A_261 = arith.index_cast %parallel_loop3A_8 : i32 to index
      %parallel_loop3A_262 = arith.constant 0 : index
      %parallel_loop3A_263 = tpu.vector_load %arg5[%parallel_loop3A_260, %parallel_loop3A_261, %parallel_loop3A_262] {strides = array<i32>} : memref<8x24x96xi32, #tpu.memory_space<vmem>>, vector<16xi32>,
      %parallel_loop3A_264 = arith.constant 1 : i32
      %parallel_loop3A_265 = arith.index_cast %parallel_loop3A_264 : i32 to index
      %parallel_loop3A_266 = arith.index_cast %parallel_loop3A_8 : i32 to index
      %parallel_loop3A_267 = arith.constant 0 : index
      %parallel_loop3A_268 = tpu.vector_load %arg5[%parallel_loop3A_265, %parallel_loop3A_266, %parallel_loop3A_267] {strides = array<i32>} : memref<8x24x96xi32, #tpu.memory_space<vmem>>, vector<16xi32>,
      %parallel_loop3A_269 = arith.constant 2 : i32
      %parallel_loop3A_270 = arith.index_cast %parallel_loop3A_269 : i32 to index
      %parallel_loop3A_271 = arith.index_cast %parallel_loop3A_8 : i32 to index
      %parallel_loop3A_272 = arith.constant 0 : index
      %parallel_loop3A_273 = tpu.vector_load %arg5[%parallel_loop3A_270, %parallel_loop3A_271, %parallel_loop3A_272] {strides = array<i32>} : memref<8x24x96xi32, #tpu.memory_space<vmem>>, vector<16xi32>,
      %parallel_loop3A_274 = arith.constant 3 : i32
      %parallel_loop3A_275 = arith.index_cast %parallel_loop3A_274 : i32 to index
      %parallel_loop3A_276 = arith.index_cast %parallel_loop3A_8 : i32 to index
      %parallel_loop3A_277 = arith.constant 0 : index
      %parallel_loop3A_278 = tpu.vector_load %arg5[%parallel_loop3A_275, %parallel_loop3A_276, %parallel_loop3A_277] {strides = array<i32>} : memref<8x24x96xi32, #tpu.memory_space<vmem>>, vector<16xi32>,
      %parallel_loop3A_279 = arith.constant 4 : i32
      %parallel_loop3A_280 = arith.index_cast %parallel_loop3A_279 : i32 to index
      %parallel_loop3A_281 = arith.index_cast %parallel_loop3A_8 : i32 to index
      %parallel_loop3A_282 = arith.constant 0 : index
      %parallel_loop3A_283 = tpu.vector_load %arg5[%parallel_loop3A_280, %parallel_loop3A_281, %parallel_loop3A_282] {strides = array<i32>} : memref<8x24x96xi32, #tpu.memory_space<vmem>>, vector<16xi32>,
      %parallel_loop3A_284 = arith.constant 5 : i32
      %parallel_loop3A_285 = arith.index_cast %parallel_loop3A_284 : i32 to index
      %parallel_loop3A_286 = arith.index_cast %parallel_loop3A_8 : i32 to index
      %parallel_loop3A_287 = arith.constant 0 : index
      %parallel_loop3A_288 = tpu.vector_load %arg5[%parallel_loop3A_285, %parallel_loop3A_286, %parallel_loop3A_287] {strides = array<i32>} : memref<8x24x96xi32, #tpu.memory_space<vmem>>, vector<16xi32>,
      %parallel_loop3A_289 = arith.constant 6 : i32
      %parallel_loop3A_290 = arith.index_cast %parallel_loop3A_289 : i32 to index
      %parallel_loop3A_291 = arith.index_cast %parallel_loop3A_8 : i32 to index
      %parallel_loop3A_292 = arith.constant 0 : index
      %parallel_loop3A_293 = tpu.vector_load %arg5[%parallel_loop3A_290, %parallel_loop3A_291, %parallel_loop3A_292] {strides = array<i32>} : memref<8x24x96xi32, #tpu.memory_space<vmem>>, vector<16xi32>,
      %parallel_loop3A_294 = arith.constant 7 : i32
      %parallel_loop3A_295 = arith.index_cast %parallel_loop3A_294 : i32 to index
      %parallel_loop3A_296 = arith.index_cast %parallel_loop3A_8 : i32 to index
      %parallel_loop3A_297 = arith.constant 0 : index
      %parallel_loop3A_298 = tpu.vector_load %arg5[%parallel_loop3A_295, %parallel_loop3A_296, %parallel_loop3A_297] {strides = array<i32>} : memref<8x24x96xi32, #tpu.memory_space<vmem>>, vector<16xi32>,
      %parallel_loop3A_299 = arith.constant 24 : i32
      %parallel_loop3A_300 = vector.broadcast %parallel_loop3A_299 : i32 to vector<16xi32>
      %parallel_loop3A_301 = arith.shli %parallel_loop3A_263, %parallel_loop3A_300 : vector<16xi32>
      %parallel_loop3A_302 = arith.constant 16 : i32
      %parallel_loop3A_303 = vector.broadcast %parallel_loop3A_302 : i32 to vector<16xi32>
      %parallel_loop3A_304 = arith.shli %parallel_loop3A_268, %parallel_loop3A_303 : vector<16xi32>
      %parallel_loop3A_305 = arith.ori %parallel_loop3A_301, %parallel_loop3A_304 : vector<16xi32>
      %parallel_loop3A_306 = arith.constant 8 : i32
      %parallel_loop3A_307 = vector.broadcast %parallel_loop3A_306 : i32 to vector<16xi32>
      %parallel_loop3A_308 = arith.shli %parallel_loop3A_273, %parallel_loop3A_307 : vector<16xi32>
      %parallel_loop3A_309 = arith.ori %parallel_loop3A_305, %parallel_loop3A_308 : vector<16xi32>
      %parallel_loop3A_310 = arith.ori %parallel_loop3A_309, %parallel_loop3A_278 : vector<16xi32>
      %parallel_loop3A_311 = arith.constant 24 : i32
      %parallel_loop3A_312 = vector.broadcast %parallel_loop3A_311 : i32 to vector<16xi32>
      %parallel_loop3A_313 = arith.shli %parallel_loop3A_283, %parallel_loop3A_312 : vector<16xi32>
      %parallel_loop3A_314 = arith.constant 16 : i32
      %parallel_loop3A_315 = vector.broadcast %parallel_loop3A_314 : i32 to vector<16xi32>
      %parallel_loop3A_316 = arith.shli %parallel_loop3A_288, %parallel_loop3A_315 : vector<16xi32>
      %parallel_loop3A_317 = arith.ori %parallel_loop3A_313, %parallel_loop3A_316 : vector<16xi32>
      %parallel_loop3A_318 = arith.constant 8 : i32
      %parallel_loop3A_319 = vector.broadcast %parallel_loop3A_318 : i32 to vector<16xi32>
      %parallel_loop3A_320 = arith.shli %parallel_loop3A_293, %parallel_loop3A_319 : vector<16xi32>
      %parallel_loop3A_321 = arith.ori %parallel_loop3A_317, %parallel_loop3A_320 : vector<16xi32>
      %parallel_loop3A_322 = arith.ori %parallel_loop3A_321, %parallel_loop3A_298 : vector<16xi32>
      %parallel_loop3A_323 = arith.constant 7 : i32
      %parallel_loop3A_324 = vector.broadcast %parallel_loop3A_323 : i32 to vector<16xi32>
      %parallel_loop3A_325 = arith.shrsi %parallel_loop3A_310, %parallel_loop3A_324 : vector<16xi32>
      %parallel_loop3A_326 = arith.xori %parallel_loop3A_310, %parallel_loop3A_325 : vector<16xi32>
      %parallel_loop3A_327 = arith.constant 11141290 : i32
      %parallel_loop3A_328 = vector.broadcast %parallel_loop3A_327 : i32 to vector<16xi32>
      %parallel_loop3A_329 = arith.andi %parallel_loop3A_326, %parallel_loop3A_328 : vector<16xi32>
      %parallel_loop3A_330 = arith.xori %parallel_loop3A_310, %parallel_loop3A_329 : vector<16xi32>
      %parallel_loop3A_331 = arith.constant 7 : i32
      %parallel_loop3A_332 = vector.broadcast %parallel_loop3A_331 : i32 to vector<16xi32>
      %parallel_loop3A_333 = arith.shli %parallel_loop3A_329, %parallel_loop3A_332 : vector<16xi32>
      %parallel_loop3A_334 = arith.xori %parallel_loop3A_330, %parallel_loop3A_333 : vector<16xi32>
      %parallel_loop3A_335 = arith.constant 7 : i32
      %parallel_loop3A_336 = vector.broadcast %parallel_loop3A_335 : i32 to vector<16xi32>
      %parallel_loop3A_337 = arith.shrsi %parallel_loop3A_322, %parallel_loop3A_336 : vector<16xi32>
      %parallel_loop3A_338 = arith.xori %parallel_loop3A_322, %parallel_loop3A_337 : vector<16xi32>
      %parallel_loop3A_339 = arith.constant 11141290 : i32
      %parallel_loop3A_340 = vector.broadcast %parallel_loop3A_339 : i32 to vector<16xi32>
      %parallel_loop3A_341 = arith.andi %parallel_loop3A_338, %parallel_loop3A_340 : vector<16xi32>
      %parallel_loop3A_342 = arith.xori %parallel_loop3A_322, %parallel_loop3A_341 : vector<16xi32>
      %parallel_loop3A_343 = arith.constant 7 : i32
      %parallel_loop3A_344 = vector.broadcast %parallel_loop3A_343 : i32 to vector<16xi32>
      %parallel_loop3A_345 = arith.shli %parallel_loop3A_341, %parallel_loop3A_344 : vector<16xi32>
      %parallel_loop3A_346 = arith.xori %parallel_loop3A_342, %parallel_loop3A_345 : vector<16xi32>
      %parallel_loop3A_347 = arith.constant 14 : i32
      %parallel_loop3A_348 = vector.broadcast %parallel_loop3A_347 : i32 to vector<16xi32>
      %parallel_loop3A_349 = arith.shrsi %parallel_loop3A_334, %parallel_loop3A_348 : vector<16xi32>
      %parallel_loop3A_350 = arith.xori %parallel_loop3A_334, %parallel_loop3A_349 : vector<16xi32>
      %parallel_loop3A_351 = arith.constant 52428 : i32
      %parallel_loop3A_352 = vector.broadcast %parallel_loop3A_351 : i32 to vector<16xi32>
      %parallel_loop3A_353 = arith.andi %parallel_loop3A_350, %parallel_loop3A_352 : vector<16xi32>
      %parallel_loop3A_354 = arith.xori %parallel_loop3A_334, %parallel_loop3A_353 : vector<16xi32>
      %parallel_loop3A_355 = arith.constant 14 : i32
      %parallel_loop3A_356 = vector.broadcast %parallel_loop3A_355 : i32 to vector<16xi32>
      %parallel_loop3A_357 = arith.shli %parallel_loop3A_353, %parallel_loop3A_356 : vector<16xi32>
      %parallel_loop3A_358 = arith.xori %parallel_loop3A_354, %parallel_loop3A_357 : vector<16xi32>
      %parallel_loop3A_359 = arith.constant 14 : i32
      %parallel_loop3A_360 = vector.broadcast %parallel_loop3A_359 : i32 to vector<16xi32>
      %parallel_loop3A_361 = arith.shrsi %parallel_loop3A_346, %parallel_loop3A_360 : vector<16xi32>
      %parallel_loop3A_362 = arith.xori %parallel_loop3A_346, %parallel_loop3A_361 : vector<16xi32>
      %parallel_loop3A_363 = arith.constant 52428 : i32
      %parallel_loop3A_364 = vector.broadcast %parallel_loop3A_363 : i32 to vector<16xi32>
      %parallel_loop3A_365 = arith.andi %parallel_loop3A_362, %parallel_loop3A_364 : vector<16xi32>
      %parallel_loop3A_366 = arith.xori %parallel_loop3A_346, %parallel_loop3A_365 : vector<16xi32>
      %parallel_loop3A_367 = arith.constant 14 : i32
      %parallel_loop3A_368 = vector.broadcast %parallel_loop3A_367 : i32 to vector<16xi32>
      %parallel_loop3A_369 = arith.shli %parallel_loop3A_365, %parallel_loop3A_368 : vector<16xi32>
      %parallel_loop3A_370 = arith.xori %parallel_loop3A_366, %parallel_loop3A_369 : vector<16xi32>
      %parallel_loop3A_371 = arith.constant -252645136 : i32
      %parallel_loop3A_372 = vector.broadcast %parallel_loop3A_371 : i32 to vector<16xi32>
      %parallel_loop3A_373 = arith.andi %parallel_loop3A_358, %parallel_loop3A_372 : vector<16xi32>
      %parallel_loop3A_374 = arith.constant 4 : i32
      %parallel_loop3A_375 = vector.broadcast %parallel_loop3A_374 : i32 to vector<16xi32>
      %parallel_loop3A_376 = arith.shrsi %parallel_loop3A_370, %parallel_loop3A_375 : vector<16xi32>
      %parallel_loop3A_377 = arith.constant 252645135 : i32
      %parallel_loop3A_378 = vector.broadcast %parallel_loop3A_377 : i32 to vector<16xi32>
      %parallel_loop3A_379 = arith.andi %parallel_loop3A_376, %parallel_loop3A_378 : vector<16xi32>
      %parallel_loop3A_380 = arith.ori %parallel_loop3A_373, %parallel_loop3A_379 : vector<16xi32>
      %parallel_loop3A_381 = arith.constant 4 : i32
      %parallel_loop3A_382 = vector.broadcast %parallel_loop3A_381 : i32 to vector<16xi32>
      %parallel_loop3A_383 = arith.shli %parallel_loop3A_358, %parallel_loop3A_382 : vector<16xi32>
      %parallel_loop3A_384 = arith.constant -252645136 : i32
      %parallel_loop3A_385 = vector.broadcast %parallel_loop3A_384 : i32 to vector<16xi32>
      %parallel_loop3A_386 = arith.andi %parallel_loop3A_383, %parallel_loop3A_385 : vector<16xi32>
      %parallel_loop3A_387 = arith.constant 252645135 : i32
      %parallel_loop3A_388 = vector.broadcast %parallel_loop3A_387 : i32 to vector<16xi32>
      %parallel_loop3A_389 = arith.andi %parallel_loop3A_370, %parallel_loop3A_388 : vector<16xi32>
      %parallel_loop3A_390 = arith.ori %parallel_loop3A_386, %parallel_loop3A_389 : vector<16xi32>
      %parallel_loop3A_391 = arith.constant 24 : i32
      %parallel_loop3A_392 = vector.broadcast %parallel_loop3A_391 : i32 to vector<16xi32>
      %parallel_loop3A_393 = arith.shrsi %parallel_loop3A_380, %parallel_loop3A_392 : vector<16xi32>
      %parallel_loop3A_394 = arith.constant 255 : i32
      %parallel_loop3A_395 = vector.broadcast %parallel_loop3A_394 : i32 to vector<16xi32>
      %parallel_loop3A_396 = arith.andi %parallel_loop3A_393, %parallel_loop3A_395 : vector<16xi32>
      %parallel_loop3A_397 = arith.constant 16 : i32
      %parallel_loop3A_398 = vector.broadcast %parallel_loop3A_397 : i32 to vector<16xi32>
      %parallel_loop3A_399 = arith.shrsi %parallel_loop3A_380, %parallel_loop3A_398 : vector<16xi32>
      %parallel_loop3A_400 = arith.constant 255 : i32
      %parallel_loop3A_401 = vector.broadcast %parallel_loop3A_400 : i32 to vector<16xi32>
      %parallel_loop3A_402 = arith.andi %parallel_loop3A_399, %parallel_loop3A_401 : vector<16xi32>
      %parallel_loop3A_403 = arith.constant 8 : i32
      %parallel_loop3A_404 = vector.broadcast %parallel_loop3A_403 : i32 to vector<16xi32>
      %parallel_loop3A_405 = arith.shrsi %parallel_loop3A_380, %parallel_loop3A_404 : vector<16xi32>
      %parallel_loop3A_406 = arith.constant 255 : i32
      %parallel_loop3A_407 = vector.broadcast %parallel_loop3A_406 : i32 to vector<16xi32>
      %parallel_loop3A_408 = arith.andi %parallel_loop3A_405, %parallel_loop3A_407 : vector<16xi32>
      %parallel_loop3A_409 = arith.constant 255 : i32
      %parallel_loop3A_410 = vector.broadcast %parallel_loop3A_409 : i32 to vector<16xi32>
      %parallel_loop3A_411 = arith.andi %parallel_loop3A_380, %parallel_loop3A_410 : vector<16xi32>
      %parallel_loop3A_412 = arith.constant 24 : i32
      %parallel_loop3A_413 = vector.broadcast %parallel_loop3A_412 : i32 to vector<16xi32>
      %parallel_loop3A_414 = arith.shrsi %parallel_loop3A_390, %parallel_loop3A_413 : vector<16xi32>
      %parallel_loop3A_415 = arith.constant 255 : i32
      %parallel_loop3A_416 = vector.broadcast %parallel_loop3A_415 : i32 to vector<16xi32>
      %parallel_loop3A_417 = arith.andi %parallel_loop3A_414, %parallel_loop3A_416 : vector<16xi32>
      %parallel_loop3A_418 = arith.constant 16 : i32
      %parallel_loop3A_419 = vector.broadcast %parallel_loop3A_418 : i32 to vector<16xi32>
      %parallel_loop3A_420 = arith.shrsi %parallel_loop3A_390, %parallel_loop3A_419 : vector<16xi32>
      %parallel_loop3A_421 = arith.constant 255 : i32
      %parallel_loop3A_422 = vector.broadcast %parallel_loop3A_421 : i32 to vector<16xi32>
      %parallel_loop3A_423 = arith.andi %parallel_loop3A_420, %parallel_loop3A_422 : vector<16xi32>
      %parallel_loop3A_424 = arith.constant 8 : i32
      %parallel_loop3A_425 = vector.broadcast %parallel_loop3A_424 : i32 to vector<16xi32>
      %parallel_loop3A_426 = arith.shrsi %parallel_loop3A_390, %parallel_loop3A_425 : vector<16xi32>
      %parallel_loop3A_427 = arith.constant 255 : i32
      %parallel_loop3A_428 = vector.broadcast %parallel_loop3A_427 : i32 to vector<16xi32>
      %parallel_loop3A_429 = arith.andi %parallel_loop3A_426, %parallel_loop3A_428 : vector<16xi32>
      %parallel_loop3A_430 = arith.constant 255 : i32
      %parallel_loop3A_431 = vector.broadcast %parallel_loop3A_430 : i32 to vector<16xi32>
      %parallel_loop3A_432 = arith.andi %parallel_loop3A_390, %parallel_loop3A_431 : vector<16xi32>
      %parallel_loop3A_433 = arith.constant 0 : i32
      %parallel_loop3A_434 = arith.index_cast %parallel_loop3A_433 : i32 to index
      %parallel_loop3A_435 = arith.index_cast %parallel_loop3A_8 : i32 to index
      %parallel_loop3A_436 = arith.constant 16 : index
      %parallel_loop3A_437 = tpu.vector_load %arg5[%parallel_loop3A_434, %parallel_loop3A_435, %parallel_loop3A_436] {strides = array<i32>} : memref<8x24x96xi32, #tpu.memory_space<vmem>>, vector<16xi32>,
      %parallel_loop3A_438 = arith.constant 1 : i32
      %parallel_loop3A_439 = arith.index_cast %parallel_loop3A_438 : i32 to index
      %parallel_loop3A_440 = arith.index_cast %parallel_loop3A_8 : i32 to index
      %parallel_loop3A_441 = arith.constant 16 : index
      %parallel_loop3A_442 = tpu.vector_load %arg5[%parallel_loop3A_439, %parallel_loop3A_440, %parallel_loop3A_441] {strides = array<i32>} : memref<8x24x96xi32, #tpu.memory_space<vmem>>, vector<16xi32>,
      %parallel_loop3A_443 = arith.constant 2 : i32
      %parallel_loop3A_444 = arith.index_cast %parallel_loop3A_443 : i32 to index
      %parallel_loop3A_445 = arith.index_cast %parallel_loop3A_8 : i32 to index
      %parallel_loop3A_446 = arith.constant 16 : index
      %parallel_loop3A_447 = tpu.vector_load %arg5[%parallel_loop3A_444, %parallel_loop3A_445, %parallel_loop3A_446] {strides = array<i32>} : memref<8x24x96xi32, #tpu.memory_space<vmem>>, vector<16xi32>,
      %parallel_loop3A_448 = arith.constant 3 : i32
      %parallel_loop3A_449 = arith.index_cast %parallel_loop3A_448 : i32 to index
      %parallel_loop3A_450 = arith.index_cast %parallel_loop3A_8 : i32 to index
      %parallel_loop3A_451 = arith.constant 16 : index
      %parallel_loop3A_452 = tpu.vector_load %arg5[%parallel_loop3A_449, %parallel_loop3A_450, %parallel_loop3A_451] {strides = array<i32>} : memref<8x24x96xi32, #tpu.memory_space<vmem>>, vector<16xi32>,
      %parallel_loop3A_453 = arith.constant 4 : i32
      %parallel_loop3A_454 = arith.index_cast %parallel_loop3A_453 : i32 to index
      %parallel_loop3A_455 = arith.index_cast %parallel_loop3A_8 : i32 to index
      %parallel_loop3A_456 = arith.constant 16 : index
      %parallel_loop3A_457 = tpu.vector_load %arg5[%parallel_loop3A_454, %parallel_loop3A_455, %parallel_loop3A_456] {strides = array<i32>} : memref<8x24x96xi32, #tpu.memory_space<vmem>>, vector<16xi32>,
      %parallel_loop3A_458 = arith.constant 5 : i32
      %parallel_loop3A_459 = arith.index_cast %parallel_loop3A_458 : i32 to index
      %parallel_loop3A_460 = arith.index_cast %parallel_loop3A_8 : i32 to index
      %parallel_loop3A_461 = arith.constant 16 : index
      %parallel_loop3A_462 = tpu.vector_load %arg5[%parallel_loop3A_459, %parallel_loop3A_460, %parallel_loop3A_461] {strides = array<i32>} : memref<8x24x96xi32, #tpu.memory_space<vmem>>, vector<16xi32>,
      %parallel_loop3A_463 = arith.constant 6 : i32
      %parallel_loop3A_464 = arith.index_cast %parallel_loop3A_463 : i32 to index
      %parallel_loop3A_465 = arith.index_cast %parallel_loop3A_8 : i32 to index
      %parallel_loop3A_466 = arith.constant 16 : index
      %parallel_loop3A_467 = tpu.vector_load %arg5[%parallel_loop3A_464, %parallel_loop3A_465, %parallel_loop3A_466] {strides = array<i32>} : memref<8x24x96xi32, #tpu.memory_space<vmem>>, vector<16xi32>,
      %parallel_loop3A_468 = arith.constant 7 : i32
      %parallel_loop3A_469 = arith.index_cast %parallel_loop3A_468 : i32 to index
      %parallel_loop3A_470 = arith.index_cast %parallel_loop3A_8 : i32 to index
      %parallel_loop3A_471 = arith.constant 16 : index
      %parallel_loop3A_472 = tpu.vector_load %arg5[%parallel_loop3A_469, %parallel_loop3A_470, %parallel_loop3A_471] {strides = array<i32>} : memref<8x24x96xi32, #tpu.memory_space<vmem>>, vector<16xi32>,
      %parallel_loop3A_473 = arith.constant 24 : i32
      %parallel_loop3A_474 = vector.broadcast %parallel_loop3A_473 : i32 to vector<16xi32>
      %parallel_loop3A_475 = arith.shli %parallel_loop3A_437, %parallel_loop3A_474 : vector<16xi32>
      %parallel_loop3A_476 = arith.constant 16 : i32
      %parallel_loop3A_477 = vector.broadcast %parallel_loop3A_476 : i32 to vector<16xi32>
      %parallel_loop3A_478 = arith.shli %parallel_loop3A_442, %parallel_loop3A_477 : vector<16xi32>
      %parallel_loop3A_479 = arith.ori %parallel_loop3A_475, %parallel_loop3A_478 : vector<16xi32>
      %parallel_loop3A_480 = arith.constant 8 : i32
      %parallel_loop3A_481 = vector.broadcast %parallel_loop3A_480 : i32 to vector<16xi32>
      %parallel_loop3A_482 = arith.shli %parallel_loop3A_447, %parallel_loop3A_481 : vector<16xi32>
      %parallel_loop3A_483 = arith.ori %parallel_loop3A_479, %parallel_loop3A_482 : vector<16xi32>
      %parallel_loop3A_484 = arith.ori %parallel_loop3A_483, %parallel_loop3A_452 : vector<16xi32>
      %parallel_loop3A_485 = arith.constant 24 : i32
      %parallel_loop3A_486 = vector.broadcast %parallel_loop3A_485 : i32 to vector<16xi32>
      %parallel_loop3A_487 = arith.shli %parallel_loop3A_457, %parallel_loop3A_486 : vector<16xi32>
      %parallel_loop3A_488 = arith.constant 16 : i32
      %parallel_loop3A_489 = vector.broadcast %parallel_loop3A_488 : i32 to vector<16xi32>
      %parallel_loop3A_490 = arith.shli %parallel_loop3A_462, %parallel_loop3A_489 : vector<16xi32>
      %parallel_loop3A_491 = arith.ori %parallel_loop3A_487, %parallel_loop3A_490 : vector<16xi32>
      %parallel_loop3A_492 = arith.constant 8 : i32
      %parallel_loop3A_493 = vector.broadcast %parallel_loop3A_492 : i32 to vector<16xi32>
      %parallel_loop3A_494 = arith.shli %parallel_loop3A_467, %parallel_loop3A_493 : vector<16xi32>
      %parallel_loop3A_495 = arith.ori %parallel_loop3A_491, %parallel_loop3A_494 : vector<16xi32>
      %parallel_loop3A_496 = arith.ori %parallel_loop3A_495, %parallel_loop3A_472 : vector<16xi32>
      %parallel_loop3A_497 = arith.constant 7 : i32
      %parallel_loop3A_498 = vector.broadcast %parallel_loop3A_497 : i32 to vector<16xi32>
      %parallel_loop3A_499 = arith.shrsi %parallel_loop3A_484, %parallel_loop3A_498 : vector<16xi32>
      %parallel_loop3A_500 = arith.xori %parallel_loop3A_484, %parallel_loop3A_499 : vector<16xi32>
      %parallel_loop3A_501 = arith.constant 11141290 : i32
      %parallel_loop3A_502 = vector.broadcast %parallel_loop3A_501 : i32 to vector<16xi32>
      %parallel_loop3A_503 = arith.andi %parallel_loop3A_500, %parallel_loop3A_502 : vector<16xi32>
      %parallel_loop3A_504 = arith.xori %parallel_loop3A_484, %parallel_loop3A_503 : vector<16xi32>
      %parallel_loop3A_505 = arith.constant 7 : i32
      %parallel_loop3A_506 = vector.broadcast %parallel_loop3A_505 : i32 to vector<16xi32>
      %parallel_loop3A_507 = arith.shli %parallel_loop3A_503, %parallel_loop3A_506 : vector<16xi32>
      %parallel_loop3A_508 = arith.xori %parallel_loop3A_504, %parallel_loop3A_507 : vector<16xi32>
      %parallel_loop3A_509 = arith.constant 7 : i32
      %parallel_loop3A_510 = vector.broadcast %parallel_loop3A_509 : i32 to vector<16xi32>
      %parallel_loop3A_511 = arith.shrsi %parallel_loop3A_496, %parallel_loop3A_510 : vector<16xi32>
      %parallel_loop3A_512 = arith.xori %parallel_loop3A_496, %parallel_loop3A_511 : vector<16xi32>
      %parallel_loop3A_513 = arith.constant 11141290 : i32
      %parallel_loop3A_514 = vector.broadcast %parallel_loop3A_513 : i32 to vector<16xi32>
      %parallel_loop3A_515 = arith.andi %parallel_loop3A_512, %parallel_loop3A_514 : vector<16xi32>
      %parallel_loop3A_516 = arith.xori %parallel_loop3A_496, %parallel_loop3A_515 : vector<16xi32>
      %parallel_loop3A_517 = arith.constant 7 : i32
      %parallel_loop3A_518 = vector.broadcast %parallel_loop3A_517 : i32 to vector<16xi32>
      %parallel_loop3A_519 = arith.shli %parallel_loop3A_515, %parallel_loop3A_518 : vector<16xi32>
      %parallel_loop3A_520 = arith.xori %parallel_loop3A_516, %parallel_loop3A_519 : vector<16xi32>
      %parallel_loop3A_521 = arith.constant 14 : i32
      %parallel_loop3A_522 = vector.broadcast %parallel_loop3A_521 : i32 to vector<16xi32>
      %parallel_loop3A_523 = arith.shrsi %parallel_loop3A_508, %parallel_loop3A_522 : vector<16xi32>
      %parallel_loop3A_524 = arith.xori %parallel_loop3A_508, %parallel_loop3A_523 : vector<16xi32>
      %parallel_loop3A_525 = arith.constant 52428 : i32
      %parallel_loop3A_526 = vector.broadcast %parallel_loop3A_525 : i32 to vector<16xi32>
      %parallel_loop3A_527 = arith.andi %parallel_loop3A_524, %parallel_loop3A_526 : vector<16xi32>
      %parallel_loop3A_528 = arith.xori %parallel_loop3A_508, %parallel_loop3A_527 : vector<16xi32>
      %parallel_loop3A_529 = arith.constant 14 : i32
      %parallel_loop3A_530 = vector.broadcast %parallel_loop3A_529 : i32 to vector<16xi32>
      %parallel_loop3A_531 = arith.shli %parallel_loop3A_527, %parallel_loop3A_530 : vector<16xi32>
      %parallel_loop3A_532 = arith.xori %parallel_loop3A_528, %parallel_loop3A_531 : vector<16xi32>
      %parallel_loop3A_533 = arith.constant 14 : i32
      %parallel_loop3A_534 = vector.broadcast %parallel_loop3A_533 : i32 to vector<16xi32>
      %parallel_loop3A_535 = arith.shrsi %parallel_loop3A_520, %parallel_loop3A_534 : vector<16xi32>
      %parallel_loop3A_536 = arith.xori %parallel_loop3A_520, %parallel_loop3A_535 : vector<16xi32>
      %parallel_loop3A_537 = arith.constant 52428 : i32
      %parallel_loop3A_538 = vector.broadcast %parallel_loop3A_537 : i32 to vector<16xi32>
      %parallel_loop3A_539 = arith.andi %parallel_loop3A_536, %parallel_loop3A_538 : vector<16xi32>
      %parallel_loop3A_540 = arith.xori %parallel_loop3A_520, %parallel_loop3A_539 : vector<16xi32>
      %parallel_loop3A_541 = arith.constant 14 : i32
      %parallel_loop3A_542 = vector.broadcast %parallel_loop3A_541 : i32 to vector<16xi32>
      %parallel_loop3A_543 = arith.shli %parallel_loop3A_539, %parallel_loop3A_542 : vector<16xi32>
      %parallel_loop3A_544 = arith.xori %parallel_loop3A_540, %parallel_loop3A_543 : vector<16xi32>
      %parallel_loop3A_545 = arith.constant -252645136 : i32
      %parallel_loop3A_546 = vector.broadcast %parallel_loop3A_545 : i32 to vector<16xi32>
      %parallel_loop3A_547 = arith.andi %parallel_loop3A_532, %parallel_loop3A_546 : vector<16xi32>
      %parallel_loop3A_548 = arith.constant 4 : i32
      %parallel_loop3A_549 = vector.broadcast %parallel_loop3A_548 : i32 to vector<16xi32>
      %parallel_loop3A_550 = arith.shrsi %parallel_loop3A_544, %parallel_loop3A_549 : vector<16xi32>
      %parallel_loop3A_551 = arith.constant 252645135 : i32
      %parallel_loop3A_552 = vector.broadcast %parallel_loop3A_551 : i32 to vector<16xi32>
      %parallel_loop3A_553 = arith.andi %parallel_loop3A_550, %parallel_loop3A_552 : vector<16xi32>
      %parallel_loop3A_554 = arith.ori %parallel_loop3A_547, %parallel_loop3A_553 : vector<16xi32>
      %parallel_loop3A_555 = arith.constant 4 : i32
      %parallel_loop3A_556 = vector.broadcast %parallel_loop3A_555 : i32 to vector<16xi32>
      %parallel_loop3A_557 = arith.shli %parallel_loop3A_532, %parallel_loop3A_556 : vector<16xi32>
      %parallel_loop3A_558 = arith.constant -252645136 : i32
      %parallel_loop3A_559 = vector.broadcast %parallel_loop3A_558 : i32 to vector<16xi32>
      %parallel_loop3A_560 = arith.andi %parallel_loop3A_557, %parallel_loop3A_559 : vector<16xi32>
      %parallel_loop3A_561 = arith.constant 252645135 : i32
      %parallel_loop3A_562 = vector.broadcast %parallel_loop3A_561 : i32 to vector<16xi32>
      %parallel_loop3A_563 = arith.andi %parallel_loop3A_544, %parallel_loop3A_562 : vector<16xi32>
      %parallel_loop3A_564 = arith.ori %parallel_loop3A_560, %parallel_loop3A_563 : vector<16xi32>
      %parallel_loop3A_565 = arith.constant 24 : i32
      %parallel_loop3A_566 = vector.broadcast %parallel_loop3A_565 : i32 to vector<16xi32>
      %parallel_loop3A_567 = arith.shrsi %parallel_loop3A_554, %parallel_loop3A_566 : vector<16xi32>
      %parallel_loop3A_568 = arith.constant 255 : i32
      %parallel_loop3A_569 = vector.broadcast %parallel_loop3A_568 : i32 to vector<16xi32>
      %parallel_loop3A_570 = arith.andi %parallel_loop3A_567, %parallel_loop3A_569 : vector<16xi32>
      %parallel_loop3A_571 = arith.constant 16 : i32
      %parallel_loop3A_572 = vector.broadcast %parallel_loop3A_571 : i32 to vector<16xi32>
      %parallel_loop3A_573 = arith.shrsi %parallel_loop3A_554, %parallel_loop3A_572 : vector<16xi32>
      %parallel_loop3A_574 = arith.constant 255 : i32
      %parallel_loop3A_575 = vector.broadcast %parallel_loop3A_574 : i32 to vector<16xi32>
      %parallel_loop3A_576 = arith.andi %parallel_loop3A_573, %parallel_loop3A_575 : vector<16xi32>
      %parallel_loop3A_577 = arith.constant 8 : i32
      %parallel_loop3A_578 = vector.broadcast %parallel_loop3A_577 : i32 to vector<16xi32>
      %parallel_loop3A_579 = arith.shrsi %parallel_loop3A_554, %parallel_loop3A_578 : vector<16xi32>
      %parallel_loop3A_580 = arith.constant 255 : i32
      %parallel_loop3A_581 = vector.broadcast %parallel_loop3A_580 : i32 to vector<16xi32>
      %parallel_loop3A_582 = arith.andi %parallel_loop3A_579, %parallel_loop3A_581 : vector<16xi32>
      %parallel_loop3A_583 = arith.constant 255 : i32
      %parallel_loop3A_584 = vector.broadcast %parallel_loop3A_583 : i32 to vector<16xi32>
      %parallel_loop3A_585 = arith.andi %parallel_loop3A_554, %parallel_loop3A_584 : vector<16xi32>
      %parallel_loop3A_586 = arith.constant 24 : i32
      %parallel_loop3A_587 = vector.broadcast %parallel_loop3A_586 : i32 to vector<16xi32>
      %parallel_loop3A_588 = arith.shrsi %parallel_loop3A_564, %parallel_loop3A_587 : vector<16xi32>
      %parallel_loop3A_589 = arith.constant 255 : i32
      %parallel_loop3A_590 = vector.broadcast %parallel_loop3A_589 : i32 to vector<16xi32>
      %parallel_loop3A_591 = arith.andi %parallel_loop3A_588, %parallel_loop3A_590 : vector<16xi32>
      %parallel_loop3A_592 = arith.constant 16 : i32
      %parallel_loop3A_593 = vector.broadcast %parallel_loop3A_592 : i32 to vector<16xi32>
      %parallel_loop3A_594 = arith.shrsi %parallel_loop3A_564, %parallel_loop3A_593 : vector<16xi32>
      %parallel_loop3A_595 = arith.constant 255 : i32
      %parallel_loop3A_596 = vector.broadcast %parallel_loop3A_595 : i32 to vector<16xi32>
      %parallel_loop3A_597 = arith.andi %parallel_loop3A_594, %parallel_loop3A_596 : vector<16xi32>
      %parallel_loop3A_598 = arith.constant 8 : i32
      %parallel_loop3A_599 = vector.broadcast %parallel_loop3A_598 : i32 to vector<16xi32>
      %parallel_loop3A_600 = arith.shrsi %parallel_loop3A_564, %parallel_loop3A_599 : vector<16xi32>
      %parallel_loop3A_601 = arith.constant 255 : i32
      %parallel_loop3A_602 = vector.broadcast %parallel_loop3A_601 : i32 to vector<16xi32>
      %parallel_loop3A_603 = arith.andi %parallel_loop3A_600, %parallel_loop3A_602 : vector<16xi32>
      %parallel_loop3A_604 = arith.constant 255 : i32
      %parallel_loop3A_605 = vector.broadcast %parallel_loop3A_604 : i32 to vector<16xi32>
      %parallel_loop3A_606 = arith.andi %parallel_loop3A_564, %parallel_loop3A_605 : vector<16xi32>
      %parallel_loop3A_607 = vector.broadcast %parallel_loop3A_129 : i32 to vector<16xi32>
      %parallel_loop3A_608 = arith.addi %parallel_loop3A_396, %parallel_loop3A_607 : vector<16xi32>
      %parallel_loop3A_609 = tpu.vector_load_idx %arg8[%parallel_loop3A_608] : memref<6144xf32, #tpu.memory_space<vmem>>[vector<16xi32>], vector<16xf32>,
      %parallel_loop3A_610 = vector.broadcast %parallel_loop3A_129 : i32 to vector<16xi32>
      %parallel_loop3A_611 = arith.addi %parallel_loop3A_402, %parallel_loop3A_610 : vector<16xi32>
      %parallel_loop3A_612 = tpu.vector_load_idx %arg8[%parallel_loop3A_611] : memref<6144xf32, #tpu.memory_space<vmem>>[vector<16xi32>], vector<16xf32>,
      %parallel_loop3A_613 = vector.broadcast %parallel_loop3A_129 : i32 to vector<16xi32>
      %parallel_loop3A_614 = arith.addi %parallel_loop3A_408, %parallel_loop3A_613 : vector<16xi32>
      %parallel_loop3A_615 = tpu.vector_load_idx %arg8[%parallel_loop3A_614] : memref<6144xf32, #tpu.memory_space<vmem>>[vector<16xi32>], vector<16xf32>,
      %parallel_loop3A_616 = vector.broadcast %parallel_loop3A_129 : i32 to vector<16xi32>
      %parallel_loop3A_617 = arith.addi %parallel_loop3A_411, %parallel_loop3A_616 : vector<16xi32>
      %parallel_loop3A_618 = tpu.vector_load_idx %arg8[%parallel_loop3A_617] : memref<6144xf32, #tpu.memory_space<vmem>>[vector<16xi32>], vector<16xf32>,
      %parallel_loop3A_619 = vector.broadcast %parallel_loop3A_129 : i32 to vector<16xi32>
      %parallel_loop3A_620 = arith.addi %parallel_loop3A_417, %parallel_loop3A_619 : vector<16xi32>
      %parallel_loop3A_621 = tpu.vector_load_idx %arg8[%parallel_loop3A_620] : memref<6144xf32, #tpu.memory_space<vmem>>[vector<16xi32>], vector<16xf32>,
      %parallel_loop3A_622 = vector.broadcast %parallel_loop3A_129 : i32 to vector<16xi32>
      %parallel_loop3A_623 = arith.addi %parallel_loop3A_423, %parallel_loop3A_622 : vector<16xi32>
      %parallel_loop3A_624 = tpu.vector_load_idx %arg8[%parallel_loop3A_623] : memref<6144xf32, #tpu.memory_space<vmem>>[vector<16xi32>], vector<16xf32>,
      %parallel_loop3A_625 = vector.broadcast %parallel_loop3A_129 : i32 to vector<16xi32>
      %parallel_loop3A_626 = arith.addi %parallel_loop3A_429, %parallel_loop3A_625 : vector<16xi32>
      %parallel_loop3A_627 = tpu.vector_load_idx %arg8[%parallel_loop3A_626] : memref<6144xf32, #tpu.memory_space<vmem>>[vector<16xi32>], vector<16xf32>,
      %parallel_loop3A_628 = vector.broadcast %parallel_loop3A_129 : i32 to vector<16xi32>
      %parallel_loop3A_629 = arith.addi %parallel_loop3A_432, %parallel_loop3A_628 : vector<16xi32>
      %parallel_loop3A_630 = tpu.vector_load_idx %arg8[%parallel_loop3A_629] : memref<6144xf32, #tpu.memory_space<vmem>>[vector<16xi32>], vector<16xf32>,
      %parallel_loop3A_631 = vector.broadcast %parallel_loop3A_129 : i32 to vector<16xi32>
      %parallel_loop3A_632 = arith.addi %parallel_loop3A_570, %parallel_loop3A_631 : vector<16xi32>
      %parallel_loop3A_633 = tpu.vector_load_idx %arg8[%parallel_loop3A_632] : memref<6144xf32, #tpu.memory_space<vmem>>[vector<16xi32>], vector<16xf32>,
      %parallel_loop3A_634 = vector.broadcast %parallel_loop3A_129 : i32 to vector<16xi32>
      %parallel_loop3A_635 = arith.addi %parallel_loop3A_576, %parallel_loop3A_634 : vector<16xi32>
      %parallel_loop3A_636 = tpu.vector_load_idx %arg8[%parallel_loop3A_635] : memref<6144xf32, #tpu.memory_space<vmem>>[vector<16xi32>], vector<16xf32>,
      %parallel_loop3A_637 = vector.broadcast %parallel_loop3A_129 : i32 to vector<16xi32>
      %parallel_loop3A_638 = arith.addi %parallel_loop3A_582, %parallel_loop3A_637 : vector<16xi32>
      %parallel_loop3A_639 = tpu.vector_load_idx %arg8[%parallel_loop3A_638] : memref<6144xf32, #tpu.memory_space<vmem>>[vector<16xi32>], vector<16xf32>,
      %parallel_loop3A_640 = vector.broadcast %parallel_loop3A_129 : i32 to vector<16xi32>
      %parallel_loop3A_641 = arith.addi %parallel_loop3A_585, %parallel_loop3A_640 : vector<16xi32>
      %parallel_loop3A_642 = tpu.vector_load_idx %arg8[%parallel_loop3A_641] : memref<6144xf32, #tpu.memory_space<vmem>>[vector<16xi32>], vector<16xf32>,
      %parallel_loop3A_643 = vector.broadcast %parallel_loop3A_129 : i32 to vector<16xi32>
      %parallel_loop3A_644 = arith.addi %parallel_loop3A_591, %parallel_loop3A_643 : vector<16xi32>
      %parallel_loop3A_645 = tpu.vector_load_idx %arg8[%parallel_loop3A_644] : memref<6144xf32, #tpu.memory_space<vmem>>[vector<16xi32>], vector<16xf32>,
      %parallel_loop3A_646 = vector.broadcast %parallel_loop3A_129 : i32 to vector<16xi32>
      %parallel_loop3A_647 = arith.addi %parallel_loop3A_597, %parallel_loop3A_646 : vector<16xi32>
      %parallel_loop3A_648 = tpu.vector_load_idx %arg8[%parallel_loop3A_647] : memref<6144xf32, #tpu.memory_space<vmem>>[vector<16xi32>], vector<16xf32>,
      %parallel_loop3A_649 = vector.broadcast %parallel_loop3A_129 : i32 to vector<16xi32>
      %parallel_loop3A_650 = arith.addi %parallel_loop3A_603, %parallel_loop3A_649 : vector<16xi32>
      %parallel_loop3A_651 = tpu.vector_load_idx %arg8[%parallel_loop3A_650] : memref<6144xf32, #tpu.memory_space<vmem>>[vector<16xi32>], vector<16xf32>,
      %parallel_loop3A_652 = vector.broadcast %parallel_loop3A_129 : i32 to vector<16xi32>
      %parallel_loop3A_653 = arith.addi %parallel_loop3A_606, %parallel_loop3A_652 : vector<16xi32>
      %parallel_loop3A_654 = tpu.vector_load_idx %arg8[%parallel_loop3A_653] : memref<6144xf32, #tpu.memory_space<vmem>>[vector<16xi32>], vector<16xf32>,
      %parallel_loop3A_655 = arith.constant 0 : i32
      %parallel_loop3A_656 = vector.broadcast %parallel_loop3A_655 : i32 to vector<16xi32>
      %parallel_loop3A_657 = arith.addi %mul3A_5, %parallel_loop3A_656 : vector<16xi32>
      tpu.vector_store_idx %arg7[%parallel_loop3A_258, %parallel_loop3A_657], %parallel_loop3A_609 : memref<24x768xf32, #tpu.memory_space<vmem>>[vector<16xi32>, vector<16xi32>], vector<16xf32>,
      %parallel_loop3A_658 = arith.constant 1 : i32
      %parallel_loop3A_659 = vector.broadcast %parallel_loop3A_658 : i32 to vector<16xi32>
      %parallel_loop3A_660 = arith.addi %mul3A_5, %parallel_loop3A_659 : vector<16xi32>
      tpu.vector_store_idx %arg7[%parallel_loop3A_258, %parallel_loop3A_660], %parallel_loop3A_612 : memref<24x768xf32, #tpu.memory_space<vmem>>[vector<16xi32>, vector<16xi32>], vector<16xf32>,
      %parallel_loop3A_661 = arith.constant 2 : i32
      %parallel_loop3A_662 = vector.broadcast %parallel_loop3A_661 : i32 to vector<16xi32>
      %parallel_loop3A_663 = arith.addi %mul3A_5, %parallel_loop3A_662 : vector<16xi32>
      tpu.vector_store_idx %arg7[%parallel_loop3A_258, %parallel_loop3A_663], %parallel_loop3A_615 : memref<24x768xf32, #tpu.memory_space<vmem>>[vector<16xi32>, vector<16xi32>], vector<16xf32>,
      %parallel_loop3A_664 = arith.constant 3 : i32
      %parallel_loop3A_665 = vector.broadcast %parallel_loop3A_664 : i32 to vector<16xi32>
      %parallel_loop3A_666 = arith.addi %mul3A_5, %parallel_loop3A_665 : vector<16xi32>
      tpu.vector_store_idx %arg7[%parallel_loop3A_258, %parallel_loop3A_666], %parallel_loop3A_618 : memref<24x768xf32, #tpu.memory_space<vmem>>[vector<16xi32>, vector<16xi32>], vector<16xf32>,
      %parallel_loop3A_667 = arith.constant 4 : i32
      %parallel_loop3A_668 = vector.broadcast %parallel_loop3A_667 : i32 to vector<16xi32>
      %parallel_loop3A_669 = arith.addi %mul3A_5, %parallel_loop3A_668 : vector<16xi32>
      tpu.vector_store_idx %arg7[%parallel_loop3A_258, %parallel_loop3A_669], %parallel_loop3A_621 : memref<24x768xf32, #tpu.memory_space<vmem>>[vector<16xi32>, vector<16xi32>], vector<16xf32>,
      %parallel_loop3A_670 = arith.constant 5 : i32
      %parallel_loop3A_671 = vector.broadcast %parallel_loop3A_670 : i32 to vector<16xi32>
      %parallel_loop3A_672 = arith.addi %mul3A_5, %parallel_loop3A_671 : vector<16xi32>
      tpu.vector_store_idx %arg7[%parallel_loop3A_258, %parallel_loop3A_672], %parallel_loop3A_624 : memref<24x768xf32, #tpu.memory_space<vmem>>[vector<16xi32>, vector<16xi32>], vector<16xf32>,
      %parallel_loop3A_673 = arith.constant 6 : i32
      %parallel_loop3A_674 = vector.broadcast %parallel_loop3A_673 : i32 to vector<16xi32>
      %parallel_loop3A_675 = arith.addi %mul3A_5, %parallel_loop3A_674 : vector<16xi32>
      tpu.vector_store_idx %arg7[%parallel_loop3A_258, %parallel_loop3A_675], %parallel_loop3A_627 : memref<24x768xf32, #tpu.memory_space<vmem>>[vector<16xi32>, vector<16xi32>], vector<16xf32>,
      %parallel_loop3A_676 = arith.constant 7 : i32
      %parallel_loop3A_677 = vector.broadcast %parallel_loop3A_676 : i32 to vector<16xi32>
      %parallel_loop3A_678 = arith.addi %mul3A_5, %parallel_loop3A_677 : vector<16xi32>
      tpu.vector_store_idx %arg7[%parallel_loop3A_258, %parallel_loop3A_678], %parallel_loop3A_630 : memref<24x768xf32, #tpu.memory_space<vmem>>[vector<16xi32>, vector<16xi32>], vector<16xf32>,
      %parallel_loop3A_679 = arith.constant 128 : i32
      %parallel_loop3A_680 = vector.broadcast %parallel_loop3A_679 : i32 to vector<16xi32>
      %parallel_loop3A_681 = arith.addi %mul3A_5, %parallel_loop3A_680 : vector<16xi32>
      tpu.vector_store_idx %arg7[%parallel_loop3A_258, %parallel_loop3A_681], %parallel_loop3A_633 : memref<24x768xf32, #tpu.memory_space<vmem>>[vector<16xi32>, vector<16xi32>], vector<16xf32>,
      %parallel_loop3A_682 = arith.constant 129 : i32
      %parallel_loop3A_683 = vector.broadcast %parallel_loop3A_682 : i32 to vector<16xi32>
      %parallel_loop3A_684 = arith.addi %mul3A_5, %parallel_loop3A_683 : vector<16xi32>
      tpu.vector_store_idx %arg7[%parallel_loop3A_258, %parallel_loop3A_684], %parallel_loop3A_636 : memref<24x768xf32, #tpu.memory_space<vmem>>[vector<16xi32>, vector<16xi32>], vector<16xf32>,
      %parallel_loop3A_685 = arith.constant 130 : i32
      %parallel_loop3A_686 = vector.broadcast %parallel_loop3A_685 : i32 to vector<16xi32>
      %parallel_loop3A_687 = arith.addi %mul3A_5, %parallel_loop3A_686 : vector<16xi32>
      tpu.vector_store_idx %arg7[%parallel_loop3A_258, %parallel_loop3A_687], %parallel_loop3A_639 : memref<24x768xf32, #tpu.memory_space<vmem>>[vector<16xi32>, vector<16xi32>], vector<16xf32>,
      %parallel_loop3A_688 = arith.constant 131 : i32
      %parallel_loop3A_689 = vector.broadcast %parallel_loop3A_688 : i32 to vector<16xi32>
      %parallel_loop3A_690 = arith.addi %mul3A_5, %parallel_loop3A_689 : vector<16xi32>
      tpu.vector_store_idx %arg7[%parallel_loop3A_258, %parallel_loop3A_690], %parallel_loop3A_642 : memref<24x768xf32, #tpu.memory_space<vmem>>[vector<16xi32>, vector<16xi32>], vector<16xf32>,
      %parallel_loop3A_691 = arith.constant 132 : i32
      %parallel_loop3A_692 = vector.broadcast %parallel_loop3A_691 : i32 to vector<16xi32>
      %parallel_loop3A_693 = arith.addi %mul3A_5, %parallel_loop3A_692 : vector<16xi32>
      tpu.vector_store_idx %arg7[%parallel_loop3A_258, %parallel_loop3A_693], %parallel_loop3A_645 : memref<24x768xf32, #tpu.memory_space<vmem>>[vector<16xi32>, vector<16xi32>], vector<16xf32>,
      %parallel_loop3A_694 = arith.constant 133 : i32
      %parallel_loop3A_695 = vector.broadcast %parallel_loop3A_694 : i32 to vector<16xi32>
      %parallel_loop3A_696 = arith.addi %mul3A_5, %parallel_loop3A_695 : vector<16xi32>
      tpu.vector_store_idx %arg7[%parallel_loop3A_258, %parallel_loop3A_696], %parallel_loop3A_648 : memref<24x768xf32, #tpu.memory_space<vmem>>[vector<16xi32>, vector<16xi32>], vector<16xf32>,
      %parallel_loop3A_697 = arith.constant 134 : i32
      %parallel_loop3A_698 = vector.broadcast %parallel_loop3A_697 : i32 to vector<16xi32>
      %parallel_loop3A_699 = arith.addi %mul3A_5, %parallel_loop3A_698 : vector<16xi32>
      tpu.vector_store_idx %arg7[%parallel_loop3A_258, %parallel_loop3A_699], %parallel_loop3A_651 : memref<24x768xf32, #tpu.memory_space<vmem>>[vector<16xi32>, vector<16xi32>], vector<16xf32>,
      %parallel_loop3A_700 = arith.constant 135 : i32
      %parallel_loop3A_701 = vector.broadcast %parallel_loop3A_700 : i32 to vector<16xi32>
      %parallel_loop3A_702 = arith.addi %mul3A_5, %parallel_loop3A_701 : vector<16xi32>
      tpu.vector_store_idx %arg7[%parallel_loop3A_258, %parallel_loop3A_702], %parallel_loop3A_654 : memref<24x768xf32, #tpu.memory_space<vmem>>[vector<16xi32>, vector<16xi32>], vector<16xf32>,
      %parallel_loop3A_703 = arith.constant 0 : i32
      %parallel_loop3A_704 = arith.index_cast %parallel_loop3A_703 : i32 to index
      %parallel_loop3A_705 = arith.index_cast %parallel_loop3A_8 : i32 to index
      %parallel_loop3A_706 = arith.constant 32 : index
      %parallel_loop3A_707 = tpu.vector_load %arg5[%parallel_loop3A_704, %parallel_loop3A_705, %parallel_loop3A_706] {strides = array<i32>} : memref<8x24x96xi32, #tpu.memory_space<vmem>>, vector<16xi32>,
      %parallel_loop3A_708 = arith.constant 1 : i32
      %parallel_loop3A_709 = arith.index_cast %parallel_loop3A_708 : i32 to index
      %parallel_loop3A_710 = arith.index_cast %parallel_loop3A_8 : i32 to index
      %parallel_loop3A_711 = arith.constant 32 : index
      %parallel_loop3A_712 = tpu.vector_load %arg5[%parallel_loop3A_709, %parallel_loop3A_710, %parallel_loop3A_711] {strides = array<i32>} : memref<8x24x96xi32, #tpu.memory_space<vmem>>, vector<16xi32>,
      %parallel_loop3A_713 = arith.constant 2 : i32
      %parallel_loop3A_714 = arith.index_cast %parallel_loop3A_713 : i32 to index
      %parallel_loop3A_715 = arith.index_cast %parallel_loop3A_8 : i32 to index
      %parallel_loop3A_716 = arith.constant 32 : index
      %parallel_loop3A_717 = tpu.vector_load %arg5[%parallel_loop3A_714, %parallel_loop3A_715, %parallel_loop3A_716] {strides = array<i32>} : memref<8x24x96xi32, #tpu.memory_space<vmem>>, vector<16xi32>,
      %parallel_loop3A_718 = arith.constant 3 : i32
      %parallel_loop3A_719 = arith.index_cast %parallel_loop3A_718 : i32 to index
      %parallel_loop3A_720 = arith.index_cast %parallel_loop3A_8 : i32 to index
      %parallel_loop3A_721 = arith.constant 32 : index
      %parallel_loop3A_722 = tpu.vector_load %arg5[%parallel_loop3A_719, %parallel_loop3A_720, %parallel_loop3A_721] {strides = array<i32>} : memref<8x24x96xi32, #tpu.memory_space<vmem>>, vector<16xi32>,
      %parallel_loop3A_723 = arith.constant 4 : i32
      %parallel_loop3A_724 = arith.index_cast %parallel_loop3A_723 : i32 to index
      %parallel_loop3A_725 = arith.index_cast %parallel_loop3A_8 : i32 to index
      %parallel_loop3A_726 = arith.constant 32 : index
      %parallel_loop3A_727 = tpu.vector_load %arg5[%parallel_loop3A_724, %parallel_loop3A_725, %parallel_loop3A_726] {strides = array<i32>} : memref<8x24x96xi32, #tpu.memory_space<vmem>>, vector<16xi32>,
      %parallel_loop3A_728 = arith.constant 5 : i32
      %parallel_loop3A_729 = arith.index_cast %parallel_loop3A_728 : i32 to index
      %parallel_loop3A_730 = arith.index_cast %parallel_loop3A_8 : i32 to index
      %parallel_loop3A_731 = arith.constant 32 : index
      %parallel_loop3A_732 = tpu.vector_load %arg5[%parallel_loop3A_729, %parallel_loop3A_730, %parallel_loop3A_731] {strides = array<i32>} : memref<8x24x96xi32, #tpu.memory_space<vmem>>, vector<16xi32>,
      %parallel_loop3A_733 = arith.constant 6 : i32
      %parallel_loop3A_734 = arith.index_cast %parallel_loop3A_733 : i32 to index
      %parallel_loop3A_735 = arith.index_cast %parallel_loop3A_8 : i32 to index
      %parallel_loop3A_736 = arith.constant 32 : index
      %parallel_loop3A_737 = tpu.vector_load %arg5[%parallel_loop3A_734, %parallel_loop3A_735, %parallel_loop3A_736] {strides = array<i32>} : memref<8x24x96xi32, #tpu.memory_space<vmem>>, vector<16xi32>,
      %parallel_loop3A_738 = arith.constant 7 : i32
      %parallel_loop3A_739 = arith.index_cast %parallel_loop3A_738 : i32 to index
      %parallel_loop3A_740 = arith.index_cast %parallel_loop3A_8 : i32 to index
      %parallel_loop3A_741 = arith.constant 32 : index
      %parallel_loop3A_742 = tpu.vector_load %arg5[%parallel_loop3A_739, %parallel_loop3A_740, %parallel_loop3A_741] {strides = array<i32>} : memref<8x24x96xi32, #tpu.memory_space<vmem>>, vector<16xi32>,
      %parallel_loop3A_743 = arith.constant 24 : i32
      %parallel_loop3A_744 = vector.broadcast %parallel_loop3A_743 : i32 to vector<16xi32>
      %parallel_loop3A_745 = arith.shli %parallel_loop3A_707, %parallel_loop3A_744 : vector<16xi32>
      %parallel_loop3A_746 = arith.constant 16 : i32
      %parallel_loop3A_747 = vector.broadcast %parallel_loop3A_746 : i32 to vector<16xi32>
      %parallel_loop3A_748 = arith.shli %parallel_loop3A_712, %parallel_loop3A_747 : vector<16xi32>
      %parallel_loop3A_749 = arith.ori %parallel_loop3A_745, %parallel_loop3A_748 : vector<16xi32>
      %parallel_loop3A_750 = arith.constant 8 : i32
      %parallel_loop3A_751 = vector.broadcast %parallel_loop3A_750 : i32 to vector<16xi32>
      %parallel_loop3A_752 = arith.shli %parallel_loop3A_717, %parallel_loop3A_751 : vector<16xi32>
      %parallel_loop3A_753 = arith.ori %parallel_loop3A_749, %parallel_loop3A_752 : vector<16xi32>
      %parallel_loop3A_754 = arith.ori %parallel_loop3A_753, %parallel_loop3A_722 : vector<16xi32>
      %parallel_loop3A_755 = arith.constant 24 : i32
      %parallel_loop3A_756 = vector.broadcast %parallel_loop3A_755 : i32 to vector<16xi32>
      %parallel_loop3A_757 = arith.shli %parallel_loop3A_727, %parallel_loop3A_756 : vector<16xi32>
      %parallel_loop3A_758 = arith.constant 16 : i32
      %parallel_loop3A_759 = vector.broadcast %parallel_loop3A_758 : i32 to vector<16xi32>
      %parallel_loop3A_760 = arith.shli %parallel_loop3A_732, %parallel_loop3A_759 : vector<16xi32>
      %parallel_loop3A_761 = arith.ori %parallel_loop3A_757, %parallel_loop3A_760 : vector<16xi32>
      %parallel_loop3A_762 = arith.constant 8 : i32
      %parallel_loop3A_763 = vector.broadcast %parallel_loop3A_762 : i32 to vector<16xi32>
      %parallel_loop3A_764 = arith.shli %parallel_loop3A_737, %parallel_loop3A_763 : vector<16xi32>
      %parallel_loop3A_765 = arith.ori %parallel_loop3A_761, %parallel_loop3A_764 : vector<16xi32>
      %parallel_loop3A_766 = arith.ori %parallel_loop3A_765, %parallel_loop3A_742 : vector<16xi32>
      %parallel_loop3A_767 = arith.constant 7 : i32
      %parallel_loop3A_768 = vector.broadcast %parallel_loop3A_767 : i32 to vector<16xi32>
      %parallel_loop3A_769 = arith.shrsi %parallel_loop3A_754, %parallel_loop3A_768 : vector<16xi32>
      %parallel_loop3A_770 = arith.xori %parallel_loop3A_754, %parallel_loop3A_769 : vector<16xi32>
      %parallel_loop3A_771 = arith.constant 11141290 : i32
      %parallel_loop3A_772 = vector.broadcast %parallel_loop3A_771 : i32 to vector<16xi32>
      %parallel_loop3A_773 = arith.andi %parallel_loop3A_770, %parallel_loop3A_772 : vector<16xi32>
      %parallel_loop3A_774 = arith.xori %parallel_loop3A_754, %parallel_loop3A_773 : vector<16xi32>
      %parallel_loop3A_775 = arith.constant 7 : i32
      %parallel_loop3A_776 = vector.broadcast %parallel_loop3A_775 : i32 to vector<16xi32>
      %parallel_loop3A_777 = arith.shli %parallel_loop3A_773, %parallel_loop3A_776 : vector<16xi32>
      %parallel_loop3A_778 = arith.xori %parallel_loop3A_774, %parallel_loop3A_777 : vector<16xi32>
      %parallel_loop3A_779 = arith.constant 7 : i32
      %parallel_loop3A_780 = vector.broadcast %parallel_loop3A_779 : i32 to vector<16xi32>
      %parallel_loop3A_781 = arith.shrsi %parallel_loop3A_766, %parallel_loop3A_780 : vector<16xi32>
      %parallel_loop3A_782 = arith.xori %parallel_loop3A_766, %parallel_loop3A_781 : vector<16xi32>
      %parallel_loop3A_783 = arith.constant 11141290 : i32
      %parallel_loop3A_784 = vector.broadcast %parallel_loop3A_783 : i32 to vector<16xi32>
      %parallel_loop3A_785 = arith.andi %parallel_loop3A_782, %parallel_loop3A_784 : vector<16xi32>
      %parallel_loop3A_786 = arith.xori %parallel_loop3A_766, %parallel_loop3A_785 : vector<16xi32>
      %parallel_loop3A_787 = arith.constant 7 : i32
      %parallel_loop3A_788 = vector.broadcast %parallel_loop3A_787 : i32 to vector<16xi32>
      %parallel_loop3A_789 = arith.shli %parallel_loop3A_785, %parallel_loop3A_788 : vector<16xi32>
      %parallel_loop3A_790 = arith.xori %parallel_loop3A_786, %parallel_loop3A_789 : vector<16xi32>
      %parallel_loop3A_791 = arith.constant 14 : i32
      %parallel_loop3A_792 = vector.broadcast %parallel_loop3A_791 : i32 to vector<16xi32>
      %parallel_loop3A_793 = arith.shrsi %parallel_loop3A_778, %parallel_loop3A_792 : vector<16xi32>
      %parallel_loop3A_794 = arith.xori %parallel_loop3A_778, %parallel_loop3A_793 : vector<16xi32>
      %parallel_loop3A_795 = arith.constant 52428 : i32
      %parallel_loop3A_796 = vector.broadcast %parallel_loop3A_795 : i32 to vector<16xi32>
      %parallel_loop3A_797 = arith.andi %parallel_loop3A_794, %parallel_loop3A_796 : vector<16xi32>
      %parallel_loop3A_798 = arith.xori %parallel_loop3A_778, %parallel_loop3A_797 : vector<16xi32>
      %parallel_loop3A_799 = arith.constant 14 : i32
      %parallel_loop3A_800 = vector.broadcast %parallel_loop3A_799 : i32 to vector<16xi32>
      %parallel_loop3A_801 = arith.shli %parallel_loop3A_797, %parallel_loop3A_800 : vector<16xi32>
      %parallel_loop3A_802 = arith.xori %parallel_loop3A_798, %parallel_loop3A_801 : vector<16xi32>
      %parallel_loop3A_803 = arith.constant 14 : i32
      %parallel_loop3A_804 = vector.broadcast %parallel_loop3A_803 : i32 to vector<16xi32>
      %parallel_loop3A_805 = arith.shrsi %parallel_loop3A_790, %parallel_loop3A_804 : vector<16xi32>
      %parallel_loop3A_806 = arith.xori %parallel_loop3A_790, %parallel_loop3A_805 : vector<16xi32>
      %parallel_loop3A_807 = arith.constant 52428 : i32
      %parallel_loop3A_808 = vector.broadcast %parallel_loop3A_807 : i32 to vector<16xi32>
      %parallel_loop3A_809 = arith.andi %parallel_loop3A_806, %parallel_loop3A_808 : vector<16xi32>
      %parallel_loop3A_810 = arith.xori %parallel_loop3A_790, %parallel_loop3A_809 : vector<16xi32>
      %parallel_loop3A_811 = arith.constant 14 : i32
      %parallel_loop3A_812 = vector.broadcast %parallel_loop3A_811 : i32 to vector<16xi32>
      %parallel_loop3A_813 = arith.shli %parallel_loop3A_809, %parallel_loop3A_812 : vector<16xi32>
      %parallel_loop3A_814 = arith.xori %parallel_loop3A_810, %parallel_loop3A_813 : vector<16xi32>
      %parallel_loop3A_815 = arith.constant -252645136 : i32
      %parallel_loop3A_816 = vector.broadcast %parallel_loop3A_815 : i32 to vector<16xi32>
      %parallel_loop3A_817 = arith.andi %parallel_loop3A_802, %parallel_loop3A_816 : vector<16xi32>
      %parallel_loop3A_818 = arith.constant 4 : i32
      %parallel_loop3A_819 = vector.broadcast %parallel_loop3A_818 : i32 to vector<16xi32>
      %parallel_loop3A_820 = arith.shrsi %parallel_loop3A_814, %parallel_loop3A_819 : vector<16xi32>
      %parallel_loop3A_821 = arith.constant 252645135 : i32
      %parallel_loop3A_822 = vector.broadcast %parallel_loop3A_821 : i32 to vector<16xi32>
      %parallel_loop3A_823 = arith.andi %parallel_loop3A_820, %parallel_loop3A_822 : vector<16xi32>
      %parallel_loop3A_824 = arith.ori %parallel_loop3A_817, %parallel_loop3A_823 : vector<16xi32>
      %parallel_loop3A_825 = arith.constant 4 : i32
      %parallel_loop3A_826 = vector.broadcast %parallel_loop3A_825 : i32 to vector<16xi32>
      %parallel_loop3A_827 = arith.shli %parallel_loop3A_802, %parallel_loop3A_826 : vector<16xi32>
      %parallel_loop3A_828 = arith.constant -252645136 : i32
      %parallel_loop3A_829 = vector.broadcast %parallel_loop3A_828 : i32 to vector<16xi32>
      %parallel_loop3A_830 = arith.andi %parallel_loop3A_827, %parallel_loop3A_829 : vector<16xi32>
      %parallel_loop3A_831 = arith.constant 252645135 : i32
      %parallel_loop3A_832 = vector.broadcast %parallel_loop3A_831 : i32 to vector<16xi32>
      %parallel_loop3A_833 = arith.andi %parallel_loop3A_814, %parallel_loop3A_832 : vector<16xi32>
      %parallel_loop3A_834 = arith.ori %parallel_loop3A_830, %parallel_loop3A_833 : vector<16xi32>
      %parallel_loop3A_835 = arith.constant 24 : i32
      %parallel_loop3A_836 = vector.broadcast %parallel_loop3A_835 : i32 to vector<16xi32>
      %parallel_loop3A_837 = arith.shrsi %parallel_loop3A_824, %parallel_loop3A_836 : vector<16xi32>
      %parallel_loop3A_838 = arith.constant 255 : i32
      %parallel_loop3A_839 = vector.broadcast %parallel_loop3A_838 : i32 to vector<16xi32>
      %parallel_loop3A_840 = arith.andi %parallel_loop3A_837, %parallel_loop3A_839 : vector<16xi32>
      %parallel_loop3A_841 = arith.constant 16 : i32
      %parallel_loop3A_842 = vector.broadcast %parallel_loop3A_841 : i32 to vector<16xi32>
      %parallel_loop3A_843 = arith.shrsi %parallel_loop3A_824, %parallel_loop3A_842 : vector<16xi32>
      %parallel_loop3A_844 = arith.constant 255 : i32
      %parallel_loop3A_845 = vector.broadcast %parallel_loop3A_844 : i32 to vector<16xi32>
      %parallel_loop3A_846 = arith.andi %parallel_loop3A_843, %parallel_loop3A_845 : vector<16xi32>
      %parallel_loop3A_847 = arith.constant 8 : i32
      %parallel_loop3A_848 = vector.broadcast %parallel_loop3A_847 : i32 to vector<16xi32>
      %parallel_loop3A_849 = arith.shrsi %parallel_loop3A_824, %parallel_loop3A_848 : vector<16xi32>
      %parallel_loop3A_850 = arith.constant 255 : i32
      %parallel_loop3A_851 = vector.broadcast %parallel_loop3A_850 : i32 to vector<16xi32>
      %parallel_loop3A_852 = arith.andi %parallel_loop3A_849, %parallel_loop3A_851 : vector<16xi32>
      %parallel_loop3A_853 = arith.constant 255 : i32
      %parallel_loop3A_854 = vector.broadcast %parallel_loop3A_853 : i32 to vector<16xi32>
      %parallel_loop3A_855 = arith.andi %parallel_loop3A_824, %parallel_loop3A_854 : vector<16xi32>
      %parallel_loop3A_856 = arith.constant 24 : i32
      %parallel_loop3A_857 = vector.broadcast %parallel_loop3A_856 : i32 to vector<16xi32>
      %parallel_loop3A_858 = arith.shrsi %parallel_loop3A_834, %parallel_loop3A_857 : vector<16xi32>
      %parallel_loop3A_859 = arith.constant 255 : i32
      %parallel_loop3A_860 = vector.broadcast %parallel_loop3A_859 : i32 to vector<16xi32>
      %parallel_loop3A_861 = arith.andi %parallel_loop3A_858, %parallel_loop3A_860 : vector<16xi32>
      %parallel_loop3A_862 = arith.constant 16 : i32
      %parallel_loop3A_863 = vector.broadcast %parallel_loop3A_862 : i32 to vector<16xi32>
      %parallel_loop3A_864 = arith.shrsi %parallel_loop3A_834, %parallel_loop3A_863 : vector<16xi32>
      %parallel_loop3A_865 = arith.constant 255 : i32
      %parallel_loop3A_866 = vector.broadcast %parallel_loop3A_865 : i32 to vector<16xi32>
      %parallel_loop3A_867 = arith.andi %parallel_loop3A_864, %parallel_loop3A_866 : vector<16xi32>
      %parallel_loop3A_868 = arith.constant 8 : i32
      %parallel_loop3A_869 = vector.broadcast %parallel_loop3A_868 : i32 to vector<16xi32>
      %parallel_loop3A_870 = arith.shrsi %parallel_loop3A_834, %parallel_loop3A_869 : vector<16xi32>
      %parallel_loop3A_871 = arith.constant 255 : i32
      %parallel_loop3A_872 = vector.broadcast %parallel_loop3A_871 : i32 to vector<16xi32>
      %parallel_loop3A_873 = arith.andi %parallel_loop3A_870, %parallel_loop3A_872 : vector<16xi32>
      %parallel_loop3A_874 = arith.constant 255 : i32
      %parallel_loop3A_875 = vector.broadcast %parallel_loop3A_874 : i32 to vector<16xi32>
      %parallel_loop3A_876 = arith.andi %parallel_loop3A_834, %parallel_loop3A_875 : vector<16xi32>
      %parallel_loop3A_877 = arith.constant 0 : i32
      %parallel_loop3A_878 = arith.index_cast %parallel_loop3A_877 : i32 to index
      %parallel_loop3A_879 = arith.index_cast %parallel_loop3A_8 : i32 to index
      %parallel_loop3A_880 = arith.constant 48 : index
      %parallel_loop3A_881 = tpu.vector_load %arg5[%parallel_loop3A_878, %parallel_loop3A_879, %parallel_loop3A_880] {strides = array<i32>} : memref<8x24x96xi32, #tpu.memory_space<vmem>>, vector<16xi32>,
      %parallel_loop3A_882 = arith.constant 1 : i32
      %parallel_loop3A_883 = arith.index_cast %parallel_loop3A_882 : i32 to index
      %parallel_loop3A_884 = arith.index_cast %parallel_loop3A_8 : i32 to index
      %parallel_loop3A_885 = arith.constant 48 : index
      %parallel_loop3A_886 = tpu.vector_load %arg5[%parallel_loop3A_883, %parallel_loop3A_884, %parallel_loop3A_885] {strides = array<i32>} : memref<8x24x96xi32, #tpu.memory_space<vmem>>, vector<16xi32>,
      %parallel_loop3A_887 = arith.constant 2 : i32
      %parallel_loop3A_888 = arith.index_cast %parallel_loop3A_887 : i32 to index
      %parallel_loop3A_889 = arith.index_cast %parallel_loop3A_8 : i32 to index
      %parallel_loop3A_890 = arith.constant 48 : index
      %parallel_loop3A_891 = tpu.vector_load %arg5[%parallel_loop3A_888, %parallel_loop3A_889, %parallel_loop3A_890] {strides = array<i32>} : memref<8x24x96xi32, #tpu.memory_space<vmem>>, vector<16xi32>,
      %parallel_loop3A_892 = arith.constant 3 : i32
      %parallel_loop3A_893 = arith.index_cast %parallel_loop3A_892 : i32 to index
      %parallel_loop3A_894 = arith.index_cast %parallel_loop3A_8 : i32 to index
      %parallel_loop3A_895 = arith.constant 48 : index
      %parallel_loop3A_896 = tpu.vector_load %arg5[%parallel_loop3A_893, %parallel_loop3A_894, %parallel_loop3A_895] {strides = array<i32>} : memref<8x24x96xi32, #tpu.memory_space<vmem>>, vector<16xi32>,
      %parallel_loop3A_897 = arith.constant 4 : i32
      %parallel_loop3A_898 = arith.index_cast %parallel_loop3A_897 : i32 to index
      %parallel_loop3A_899 = arith.index_cast %parallel_loop3A_8 : i32 to index
      %parallel_loop3A_900 = arith.constant 48 : index
      %parallel_loop3A_901 = tpu.vector_load %arg5[%parallel_loop3A_898, %parallel_loop3A_899, %parallel_loop3A_900] {strides = array<i32>} : memref<8x24x96xi32, #tpu.memory_space<vmem>>, vector<16xi32>,
      %parallel_loop3A_902 = arith.constant 5 : i32
      %parallel_loop3A_903 = arith.index_cast %parallel_loop3A_902 : i32 to index
      %parallel_loop3A_904 = arith.index_cast %parallel_loop3A_8 : i32 to index
      %parallel_loop3A_905 = arith.constant 48 : index
      %parallel_loop3A_906 = tpu.vector_load %arg5[%parallel_loop3A_903, %parallel_loop3A_904, %parallel_loop3A_905] {strides = array<i32>} : memref<8x24x96xi32, #tpu.memory_space<vmem>>, vector<16xi32>,
      %parallel_loop3A_907 = arith.constant 6 : i32
      %parallel_loop3A_908 = arith.index_cast %parallel_loop3A_907 : i32 to index
      %parallel_loop3A_909 = arith.index_cast %parallel_loop3A_8 : i32 to index
      %parallel_loop3A_910 = arith.constant 48 : index
      %parallel_loop3A_911 = tpu.vector_load %arg5[%parallel_loop3A_908, %parallel_loop3A_909, %parallel_loop3A_910] {strides = array<i32>} : memref<8x24x96xi32, #tpu.memory_space<vmem>>, vector<16xi32>,
      %parallel_loop3A_912 = arith.constant 7 : i32
      %parallel_loop3A_913 = arith.index_cast %parallel_loop3A_912 : i32 to index
      %parallel_loop3A_914 = arith.index_cast %parallel_loop3A_8 : i32 to index
      %parallel_loop3A_915 = arith.constant 48 : index
      %parallel_loop3A_916 = tpu.vector_load %arg5[%parallel_loop3A_913, %parallel_loop3A_914, %parallel_loop3A_915] {strides = array<i32>} : memref<8x24x96xi32, #tpu.memory_space<vmem>>, vector<16xi32>,
      %parallel_loop3A_917 = arith.constant 24 : i32
      %parallel_loop3A_918 = vector.broadcast %parallel_loop3A_917 : i32 to vector<16xi32>
      %parallel_loop3A_919 = arith.shli %parallel_loop3A_881, %parallel_loop3A_918 : vector<16xi32>
      %parallel_loop3A_920 = arith.constant 16 : i32
      %parallel_loop3A_921 = vector.broadcast %parallel_loop3A_920 : i32 to vector<16xi32>
      %parallel_loop3A_922 = arith.shli %parallel_loop3A_886, %parallel_loop3A_921 : vector<16xi32>
      %parallel_loop3A_923 = arith.ori %parallel_loop3A_919, %parallel_loop3A_922 : vector<16xi32>
      %parallel_loop3A_924 = arith.constant 8 : i32
      %parallel_loop3A_925 = vector.broadcast %parallel_loop3A_924 : i32 to vector<16xi32>
      %parallel_loop3A_926 = arith.shli %parallel_loop3A_891, %parallel_loop3A_925 : vector<16xi32>
      %parallel_loop3A_927 = arith.ori %parallel_loop3A_923, %parallel_loop3A_926 : vector<16xi32>
      %parallel_loop3A_928 = arith.ori %parallel_loop3A_927, %parallel_loop3A_896 : vector<16xi32>
      %parallel_loop3A_929 = arith.constant 24 : i32
      %parallel_loop3A_930 = vector.broadcast %parallel_loop3A_929 : i32 to vector<16xi32>
      %parallel_loop3A_931 = arith.shli %parallel_loop3A_901, %parallel_loop3A_930 : vector<16xi32>
      %parallel_loop3A_932 = arith.constant 16 : i32
      %parallel_loop3A_933 = vector.broadcast %parallel_loop3A_932 : i32 to vector<16xi32>
      %parallel_loop3A_934 = arith.shli %parallel_loop3A_906, %parallel_loop3A_933 : vector<16xi32>
      %parallel_loop3A_935 = arith.ori %parallel_loop3A_931, %parallel_loop3A_934 : vector<16xi32>
      %parallel_loop3A_936 = arith.constant 8 : i32
      %parallel_loop3A_937 = vector.broadcast %parallel_loop3A_936 : i32 to vector<16xi32>
      %parallel_loop3A_938 = arith.shli %parallel_loop3A_911, %parallel_loop3A_937 : vector<16xi32>
      %parallel_loop3A_939 = arith.ori %parallel_loop3A_935, %parallel_loop3A_938 : vector<16xi32>
      %parallel_loop3A_940 = arith.ori %parallel_loop3A_939, %parallel_loop3A_916 : vector<16xi32>
      %parallel_loop3A_941 = arith.constant 7 : i32
      %parallel_loop3A_942 = vector.broadcast %parallel_loop3A_941 : i32 to vector<16xi32>
      %parallel_loop3A_943 = arith.shrsi %parallel_loop3A_928, %parallel_loop3A_942 : vector<16xi32>
      %parallel_loop3A_944 = arith.xori %parallel_loop3A_928, %parallel_loop3A_943 : vector<16xi32>
      %parallel_loop3A_945 = arith.constant 11141290 : i32
      %parallel_loop3A_946 = vector.broadcast %parallel_loop3A_945 : i32 to vector<16xi32>
      %parallel_loop3A_947 = arith.andi %parallel_loop3A_944, %parallel_loop3A_946 : vector<16xi32>
      %parallel_loop3A_948 = arith.xori %parallel_loop3A_928, %parallel_loop3A_947 : vector<16xi32>
      %parallel_loop3A_949 = arith.constant 7 : i32
      %parallel_loop3A_950 = vector.broadcast %parallel_loop3A_949 : i32 to vector<16xi32>
      %parallel_loop3A_951 = arith.shli %parallel_loop3A_947, %parallel_loop3A_950 : vector<16xi32>
      %parallel_loop3A_952 = arith.xori %parallel_loop3A_948, %parallel_loop3A_951 : vector<16xi32>
      %parallel_loop3A_953 = arith.constant 7 : i32
      %parallel_loop3A_954 = vector.broadcast %parallel_loop3A_953 : i32 to vector<16xi32>
      %parallel_loop3A_955 = arith.shrsi %parallel_loop3A_940, %parallel_loop3A_954 : vector<16xi32>
      %parallel_loop3A_956 = arith.xori %parallel_loop3A_940, %parallel_loop3A_955 : vector<16xi32>
      %parallel_loop3A_957 = arith.constant 11141290 : i32
      %parallel_loop3A_958 = vector.broadcast %parallel_loop3A_957 : i32 to vector<16xi32>
      %parallel_loop3A_959 = arith.andi %parallel_loop3A_956, %parallel_loop3A_958 : vector<16xi32>
      %parallel_loop3A_960 = arith.xori %parallel_loop3A_940, %parallel_loop3A_959 : vector<16xi32>
      %parallel_loop3A_961 = arith.constant 7 : i32
      %parallel_loop3A_962 = vector.broadcast %parallel_loop3A_961 : i32 to vector<16xi32>
      %parallel_loop3A_963 = arith.shli %parallel_loop3A_959, %parallel_loop3A_962 : vector<16xi32>
      %parallel_loop3A_964 = arith.xori %parallel_loop3A_960, %parallel_loop3A_963 : vector<16xi32>
      %parallel_loop3A_965 = arith.constant 14 : i32
      %parallel_loop3A_966 = vector.broadcast %parallel_loop3A_965 : i32 to vector<16xi32>
      %parallel_loop3A_967 = arith.shrsi %parallel_loop3A_952, %parallel_loop3A_966 : vector<16xi32>
      %parallel_loop3A_968 = arith.xori %parallel_loop3A_952, %parallel_loop3A_967 : vector<16xi32>
      %parallel_loop3A_969 = arith.constant 52428 : i32
      %parallel_loop3A_970 = vector.broadcast %parallel_loop3A_969 : i32 to vector<16xi32>
      %parallel_loop3A_971 = arith.andi %parallel_loop3A_968, %parallel_loop3A_970 : vector<16xi32>
      %parallel_loop3A_972 = arith.xori %parallel_loop3A_952, %parallel_loop3A_971 : vector<16xi32>
      %parallel_loop3A_973 = arith.constant 14 : i32
      %parallel_loop3A_974 = vector.broadcast %parallel_loop3A_973 : i32 to vector<16xi32>
      %parallel_loop3A_975 = arith.shli %parallel_loop3A_971, %parallel_loop3A_974 : vector<16xi32>
      %parallel_loop3A_976 = arith.xori %parallel_loop3A_972, %parallel_loop3A_975 : vector<16xi32>
      %parallel_loop3A_977 = arith.constant 14 : i32
      %parallel_loop3A_978 = vector.broadcast %parallel_loop3A_977 : i32 to vector<16xi32>
      %parallel_loop3A_979 = arith.shrsi %parallel_loop3A_964, %parallel_loop3A_978 : vector<16xi32>
      %parallel_loop3A_980 = arith.xori %parallel_loop3A_964, %parallel_loop3A_979 : vector<16xi32>
      %parallel_loop3A_981 = arith.constant 52428 : i32
      %parallel_loop3A_982 = vector.broadcast %parallel_loop3A_981 : i32 to vector<16xi32>
      %parallel_loop3A_983 = arith.andi %parallel_loop3A_980, %parallel_loop3A_982 : vector<16xi32>
      %parallel_loop3A_984 = arith.xori %parallel_loop3A_964, %parallel_loop3A_983 : vector<16xi32>
      %parallel_loop3A_985 = arith.constant 14 : i32
      %parallel_loop3A_986 = vector.broadcast %parallel_loop3A_985 : i32 to vector<16xi32>
      %parallel_loop3A_987 = arith.shli %parallel_loop3A_983, %parallel_loop3A_986 : vector<16xi32>
      %parallel_loop3A_988 = arith.xori %parallel_loop3A_984, %parallel_loop3A_987 : vector<16xi32>
      %parallel_loop3A_989 = arith.constant -252645136 : i32
      %parallel_loop3A_990 = vector.broadcast %parallel_loop3A_989 : i32 to vector<16xi32>
      %parallel_loop3A_991 = arith.andi %parallel_loop3A_976, %parallel_loop3A_990 : vector<16xi32>
      %parallel_loop3A_992 = arith.constant 4 : i32
      %parallel_loop3A_993 = vector.broadcast %parallel_loop3A_992 : i32 to vector<16xi32>
      %parallel_loop3A_994 = arith.shrsi %parallel_loop3A_988, %parallel_loop3A_993 : vector<16xi32>
      %parallel_loop3A_995 = arith.constant 252645135 : i32
      %parallel_loop3A_996 = vector.broadcast %parallel_loop3A_995 : i32 to vector<16xi32>
      %parallel_loop3A_997 = arith.andi %parallel_loop3A_994, %parallel_loop3A_996 : vector<16xi32>
      %parallel_loop3A_998 = arith.ori %parallel_loop3A_991, %parallel_loop3A_997 : vector<16xi32>
      %parallel_loop3A_999 = arith.constant 4 : i32
      %parallel_loop3A_1000 = vector.broadcast %parallel_loop3A_999 : i32 to vector<16xi32>
      %parallel_loop3A_1001 = arith.shli %parallel_loop3A_976, %parallel_loop3A_1000 : vector<16xi32>
      %parallel_loop3A_1002 = arith.constant -252645136 : i32
      %parallel_loop3A_1003 = vector.broadcast %parallel_loop3A_1002 : i32 to vector<16xi32>
      %parallel_loop3A_1004 = arith.andi %parallel_loop3A_1001, %parallel_loop3A_1003 : vector<16xi32>
      %parallel_loop3A_1005 = arith.constant 252645135 : i32
      %parallel_loop3A_1006 = vector.broadcast %parallel_loop3A_1005 : i32 to vector<16xi32>
      %parallel_loop3A_1007 = arith.andi %parallel_loop3A_988, %parallel_loop3A_1006 : vector<16xi32>
      %parallel_loop3A_1008 = arith.ori %parallel_loop3A_1004, %parallel_loop3A_1007 : vector<16xi32>
      %parallel_loop3A_1009 = arith.constant 24 : i32
      %parallel_loop3A_1010 = vector.broadcast %parallel_loop3A_1009 : i32 to vector<16xi32>
      %parallel_loop3A_1011 = arith.shrsi %parallel_loop3A_998, %parallel_loop3A_1010 : vector<16xi32>
      %parallel_loop3A_1012 = arith.constant 255 : i32
      %parallel_loop3A_1013 = vector.broadcast %parallel_loop3A_1012 : i32 to vector<16xi32>
      %parallel_loop3A_1014 = arith.andi %parallel_loop3A_1011, %parallel_loop3A_1013 : vector<16xi32>
      %parallel_loop3A_1015 = arith.constant 16 : i32
      %parallel_loop3A_1016 = vector.broadcast %parallel_loop3A_1015 : i32 to vector<16xi32>
      %parallel_loop3A_1017 = arith.shrsi %parallel_loop3A_998, %parallel_loop3A_1016 : vector<16xi32>
      %parallel_loop3A_1018 = arith.constant 255 : i32
      %parallel_loop3A_1019 = vector.broadcast %parallel_loop3A_1018 : i32 to vector<16xi32>
      %parallel_loop3A_1020 = arith.andi %parallel_loop3A_1017, %parallel_loop3A_1019 : vector<16xi32>
      %parallel_loop3A_1021 = arith.constant 8 : i32
      %parallel_loop3A_1022 = vector.broadcast %parallel_loop3A_1021 : i32 to vector<16xi32>
      %parallel_loop3A_1023 = arith.shrsi %parallel_loop3A_998, %parallel_loop3A_1022 : vector<16xi32>
      %parallel_loop3A_1024 = arith.constant 255 : i32
      %parallel_loop3A_1025 = vector.broadcast %parallel_loop3A_1024 : i32 to vector<16xi32>
      %parallel_loop3A_1026 = arith.andi %parallel_loop3A_1023, %parallel_loop3A_1025 : vector<16xi32>
      %parallel_loop3A_1027 = arith.constant 255 : i32
      %parallel_loop3A_1028 = vector.broadcast %parallel_loop3A_1027 : i32 to vector<16xi32>
      %parallel_loop3A_1029 = arith.andi %parallel_loop3A_998, %parallel_loop3A_1028 : vector<16xi32>
      %parallel_loop3A_1030 = arith.constant 24 : i32
      %parallel_loop3A_1031 = vector.broadcast %parallel_loop3A_1030 : i32 to vector<16xi32>
      %parallel_loop3A_1032 = arith.shrsi %parallel_loop3A_1008, %parallel_loop3A_1031 : vector<16xi32>
      %parallel_loop3A_1033 = arith.constant 255 : i32
      %parallel_loop3A_1034 = vector.broadcast %parallel_loop3A_1033 : i32 to vector<16xi32>
      %parallel_loop3A_1035 = arith.andi %parallel_loop3A_1032, %parallel_loop3A_1034 : vector<16xi32>
      %parallel_loop3A_1036 = arith.constant 16 : i32
      %parallel_loop3A_1037 = vector.broadcast %parallel_loop3A_1036 : i32 to vector<16xi32>
      %parallel_loop3A_1038 = arith.shrsi %parallel_loop3A_1008, %parallel_loop3A_1037 : vector<16xi32>
      %parallel_loop3A_1039 = arith.constant 255 : i32
      %parallel_loop3A_1040 = vector.broadcast %parallel_loop3A_1039 : i32 to vector<16xi32>
      %parallel_loop3A_1041 = arith.andi %parallel_loop3A_1038, %parallel_loop3A_1040 : vector<16xi32>
      %parallel_loop3A_1042 = arith.constant 8 : i32
      %parallel_loop3A_1043 = vector.broadcast %parallel_loop3A_1042 : i32 to vector<16xi32>
      %parallel_loop3A_1044 = arith.shrsi %parallel_loop3A_1008, %parallel_loop3A_1043 : vector<16xi32>
      %parallel_loop3A_1045 = arith.constant 255 : i32
      %parallel_loop3A_1046 = vector.broadcast %parallel_loop3A_1045 : i32 to vector<16xi32>
      %parallel_loop3A_1047 = arith.andi %parallel_loop3A_1044, %parallel_loop3A_1046 : vector<16xi32>
      %parallel_loop3A_1048 = arith.constant 255 : i32
      %parallel_loop3A_1049 = vector.broadcast %parallel_loop3A_1048 : i32 to vector<16xi32>
      %parallel_loop3A_1050 = arith.andi %parallel_loop3A_1008, %parallel_loop3A_1049 : vector<16xi32>
      %parallel_loop3A_1051 = vector.broadcast %parallel_loop3A_129 : i32 to vector<16xi32>
      %parallel_loop3A_1052 = arith.addi %parallel_loop3A_840, %parallel_loop3A_1051 : vector<16xi32>
      %parallel_loop3A_1053 = tpu.vector_load_idx %arg8[%parallel_loop3A_1052] : memref<6144xf32, #tpu.memory_space<vmem>>[vector<16xi32>], vector<16xf32>,
      %parallel_loop3A_1054 = vector.broadcast %parallel_loop3A_129 : i32 to vector<16xi32>
      %parallel_loop3A_1055 = arith.addi %parallel_loop3A_846, %parallel_loop3A_1054 : vector<16xi32>
      %parallel_loop3A_1056 = tpu.vector_load_idx %arg8[%parallel_loop3A_1055] : memref<6144xf32, #tpu.memory_space<vmem>>[vector<16xi32>], vector<16xf32>,
      %parallel_loop3A_1057 = vector.broadcast %parallel_loop3A_129 : i32 to vector<16xi32>
      %parallel_loop3A_1058 = arith.addi %parallel_loop3A_852, %parallel_loop3A_1057 : vector<16xi32>
      %parallel_loop3A_1059 = tpu.vector_load_idx %arg8[%parallel_loop3A_1058] : memref<6144xf32, #tpu.memory_space<vmem>>[vector<16xi32>], vector<16xf32>,
      %parallel_loop3A_1060 = vector.broadcast %parallel_loop3A_129 : i32 to vector<16xi32>
      %parallel_loop3A_1061 = arith.addi %parallel_loop3A_855, %parallel_loop3A_1060 : vector<16xi32>
      %parallel_loop3A_1062 = tpu.vector_load_idx %arg8[%parallel_loop3A_1061] : memref<6144xf32, #tpu.memory_space<vmem>>[vector<16xi32>], vector<16xf32>,
      %parallel_loop3A_1063 = vector.broadcast %parallel_loop3A_129 : i32 to vector<16xi32>
      %parallel_loop3A_1064 = arith.addi %parallel_loop3A_861, %parallel_loop3A_1063 : vector<16xi32>
      %parallel_loop3A_1065 = tpu.vector_load_idx %arg8[%parallel_loop3A_1064] : memref<6144xf32, #tpu.memory_space<vmem>>[vector<16xi32>], vector<16xf32>,
      %parallel_loop3A_1066 = vector.broadcast %parallel_loop3A_129 : i32 to vector<16xi32>
      %parallel_loop3A_1067 = arith.addi %parallel_loop3A_867, %parallel_loop3A_1066 : vector<16xi32>
      %parallel_loop3A_1068 = tpu.vector_load_idx %arg8[%parallel_loop3A_1067] : memref<6144xf32, #tpu.memory_space<vmem>>[vector<16xi32>], vector<16xf32>,
      %parallel_loop3A_1069 = vector.broadcast %parallel_loop3A_129 : i32 to vector<16xi32>
      %parallel_loop3A_1070 = arith.addi %parallel_loop3A_873, %parallel_loop3A_1069 : vector<16xi32>
      %parallel_loop3A_1071 = tpu.vector_load_idx %arg8[%parallel_loop3A_1070] : memref<6144xf32, #tpu.memory_space<vmem>>[vector<16xi32>], vector<16xf32>,
      %parallel_loop3A_1072 = vector.broadcast %parallel_loop3A_129 : i32 to vector<16xi32>
      %parallel_loop3A_1073 = arith.addi %parallel_loop3A_876, %parallel_loop3A_1072 : vector<16xi32>
      %parallel_loop3A_1074 = tpu.vector_load_idx %arg8[%parallel_loop3A_1073] : memref<6144xf32, #tpu.memory_space<vmem>>[vector<16xi32>], vector<16xf32>,
      %parallel_loop3A_1075 = vector.broadcast %parallel_loop3A_129 : i32 to vector<16xi32>
      %parallel_loop3A_1076 = arith.addi %parallel_loop3A_1014, %parallel_loop3A_1075 : vector<16xi32>
      %parallel_loop3A_1077 = tpu.vector_load_idx %arg8[%parallel_loop3A_1076] : memref<6144xf32, #tpu.memory_space<vmem>>[vector<16xi32>], vector<16xf32>,
      %parallel_loop3A_1078 = vector.broadcast %parallel_loop3A_129 : i32 to vector<16xi32>
      %parallel_loop3A_1079 = arith.addi %parallel_loop3A_1020, %parallel_loop3A_1078 : vector<16xi32>
      %parallel_loop3A_1080 = tpu.vector_load_idx %arg8[%parallel_loop3A_1079] : memref<6144xf32, #tpu.memory_space<vmem>>[vector<16xi32>], vector<16xf32>,
      %parallel_loop3A_1081 = vector.broadcast %parallel_loop3A_129 : i32 to vector<16xi32>
      %parallel_loop3A_1082 = arith.addi %parallel_loop3A_1026, %parallel_loop3A_1081 : vector<16xi32>
      %parallel_loop3A_1083 = tpu.vector_load_idx %arg8[%parallel_loop3A_1082] : memref<6144xf32, #tpu.memory_space<vmem>>[vector<16xi32>], vector<16xf32>,
      %parallel_loop3A_1084 = vector.broadcast %parallel_loop3A_129 : i32 to vector<16xi32>
      %parallel_loop3A_1085 = arith.addi %parallel_loop3A_1029, %parallel_loop3A_1084 : vector<16xi32>
      %parallel_loop3A_1086 = tpu.vector_load_idx %arg8[%parallel_loop3A_1085] : memref<6144xf32, #tpu.memory_space<vmem>>[vector<16xi32>], vector<16xf32>,
      %parallel_loop3A_1087 = vector.broadcast %parallel_loop3A_129 : i32 to vector<16xi32>
      %parallel_loop3A_1088 = arith.addi %parallel_loop3A_1035, %parallel_loop3A_1087 : vector<16xi32>
      %parallel_loop3A_1089 = tpu.vector_load_idx %arg8[%parallel_loop3A_1088] : memref<6144xf32, #tpu.memory_space<vmem>>[vector<16xi32>], vector<16xf32>,
      %parallel_loop3A_1090 = vector.broadcast %parallel_loop3A_129 : i32 to vector<16xi32>
      %parallel_loop3A_1091 = arith.addi %parallel_loop3A_1041, %parallel_loop3A_1090 : vector<16xi32>
      %parallel_loop3A_1092 = tpu.vector_load_idx %arg8[%parallel_loop3A_1091] : memref<6144xf32, #tpu.memory_space<vmem>>[vector<16xi32>], vector<16xf32>,
      %parallel_loop3A_1093 = vector.broadcast %parallel_loop3A_129 : i32 to vector<16xi32>
      %parallel_loop3A_1094 = arith.addi %parallel_loop3A_1047, %parallel_loop3A_1093 : vector<16xi32>
      %parallel_loop3A_1095 = tpu.vector_load_idx %arg8[%parallel_loop3A_1094] : memref<6144xf32, #tpu.memory_space<vmem>>[vector<16xi32>], vector<16xf32>,
      %parallel_loop3A_1096 = vector.broadcast %parallel_loop3A_129 : i32 to vector<16xi32>
      %parallel_loop3A_1097 = arith.addi %parallel_loop3A_1050, %parallel_loop3A_1096 : vector<16xi32>
      %parallel_loop3A_1098 = tpu.vector_load_idx %arg8[%parallel_loop3A_1097] : memref<6144xf32, #tpu.memory_space<vmem>>[vector<16xi32>], vector<16xf32>,
      %parallel_loop3A_1099 = arith.constant 256 : i32
      %parallel_loop3A_1100 = vector.broadcast %parallel_loop3A_1099 : i32 to vector<16xi32>
      %parallel_loop3A_1101 = arith.addi %mul3A_5, %parallel_loop3A_1100 : vector<16xi32>
      tpu.vector_store_idx %arg7[%parallel_loop3A_258, %parallel_loop3A_1101], %parallel_loop3A_1053 : memref<24x768xf32, #tpu.memory_space<vmem>>[vector<16xi32>, vector<16xi32>], vector<16xf32>,
      %parallel_loop3A_1102 = arith.constant 257 : i32
      %parallel_loop3A_1103 = vector.broadcast %parallel_loop3A_1102 : i32 to vector<16xi32>
      %parallel_loop3A_1104 = arith.addi %mul3A_5, %parallel_loop3A_1103 : vector<16xi32>
      tpu.vector_store_idx %arg7[%parallel_loop3A_258, %parallel_loop3A_1104], %parallel_loop3A_1056 : memref<24x768xf32, #tpu.memory_space<vmem>>[vector<16xi32>, vector<16xi32>], vector<16xf32>,
      %parallel_loop3A_1105 = arith.constant 258 : i32
      %parallel_loop3A_1106 = vector.broadcast %parallel_loop3A_1105 : i32 to vector<16xi32>
      %parallel_loop3A_1107 = arith.addi %mul3A_5, %parallel_loop3A_1106 : vector<16xi32>
      tpu.vector_store_idx %arg7[%parallel_loop3A_258, %parallel_loop3A_1107], %parallel_loop3A_1059 : memref<24x768xf32, #tpu.memory_space<vmem>>[vector<16xi32>, vector<16xi32>], vector<16xf32>,
      %parallel_loop3A_1108 = arith.constant 259 : i32
      %parallel_loop3A_1109 = vector.broadcast %parallel_loop3A_1108 : i32 to vector<16xi32>
      %parallel_loop3A_1110 = arith.addi %mul3A_5, %parallel_loop3A_1109 : vector<16xi32>
      tpu.vector_store_idx %arg7[%parallel_loop3A_258, %parallel_loop3A_1110], %parallel_loop3A_1062 : memref<24x768xf32, #tpu.memory_space<vmem>>[vector<16xi32>, vector<16xi32>], vector<16xf32>,
      %parallel_loop3A_1111 = arith.constant 260 : i32
      %parallel_loop3A_1112 = vector.broadcast %parallel_loop3A_1111 : i32 to vector<16xi32>
      %parallel_loop3A_1113 = arith.addi %mul3A_5, %parallel_loop3A_1112 : vector<16xi32>
      tpu.vector_store_idx %arg7[%parallel_loop3A_258, %parallel_loop3A_1113], %parallel_loop3A_1065 : memref<24x768xf32, #tpu.memory_space<vmem>>[vector<16xi32>, vector<16xi32>], vector<16xf32>,
      %parallel_loop3A_1114 = arith.constant 261 : i32
      %parallel_loop3A_1115 = vector.broadcast %parallel_loop3A_1114 : i32 to vector<16xi32>
      %parallel_loop3A_1116 = arith.addi %mul3A_5, %parallel_loop3A_1115 : vector<16xi32>
      tpu.vector_store_idx %arg7[%parallel_loop3A_258, %parallel_loop3A_1116], %parallel_loop3A_1068 : memref<24x768xf32, #tpu.memory_space<vmem>>[vector<16xi32>, vector<16xi32>], vector<16xf32>,
      %parallel_loop3A_1117 = arith.constant 262 : i32
      %parallel_loop3A_1118 = vector.broadcast %parallel_loop3A_1117 : i32 to vector<16xi32>
      %parallel_loop3A_1119 = arith.addi %mul3A_5, %parallel_loop3A_1118 : vector<16xi32>
      tpu.vector_store_idx %arg7[%parallel_loop3A_258, %parallel_loop3A_1119], %parallel_loop3A_1071 : memref<24x768xf32, #tpu.memory_space<vmem>>[vector<16xi32>, vector<16xi32>], vector<16xf32>,
      %parallel_loop3A_1120 = arith.constant 263 : i32
      %parallel_loop3A_1121 = vector.broadcast %parallel_loop3A_1120 : i32 to vector<16xi32>
      %parallel_loop3A_1122 = arith.addi %mul3A_5, %parallel_loop3A_1121 : vector<16xi32>
      tpu.vector_store_idx %arg7[%parallel_loop3A_258, %parallel_loop3A_1122], %parallel_loop3A_1074 : memref<24x768xf32, #tpu.memory_space<vmem>>[vector<16xi32>, vector<16xi32>], vector<16xf32>,
      %parallel_loop3A_1123 = arith.constant 384 : i32
      %parallel_loop3A_1124 = vector.broadcast %parallel_loop3A_1123 : i32 to vector<16xi32>
      %parallel_loop3A_1125 = arith.addi %mul3A_5, %parallel_loop3A_1124 : vector<16xi32>
      tpu.vector_store_idx %arg7[%parallel_loop3A_258, %parallel_loop3A_1125], %parallel_loop3A_1077 : memref<24x768xf32, #tpu.memory_space<vmem>>[vector<16xi32>, vector<16xi32>], vector<16xf32>,
      %parallel_loop3A_1126 = arith.constant 385 : i32
      %parallel_loop3A_1127 = vector.broadcast %parallel_loop3A_1126 : i32 to vector<16xi32>
      %parallel_loop3A_1128 = arith.addi %mul3A_5, %parallel_loop3A_1127 : vector<16xi32>
      tpu.vector_store_idx %arg7[%parallel_loop3A_258, %parallel_loop3A_1128], %parallel_loop3A_1080 : memref<24x768xf32, #tpu.memory_space<vmem>>[vector<16xi32>, vector<16xi32>], vector<16xf32>,
      %parallel_loop3A_1129 = arith.constant 386 : i32
      %parallel_loop3A_1130 = vector.broadcast %parallel_loop3A_1129 : i32 to vector<16xi32>
      %parallel_loop3A_1131 = arith.addi %mul3A_5, %parallel_loop3A_1130 : vector<16xi32>
      tpu.vector_store_idx %arg7[%parallel_loop3A_258, %parallel_loop3A_1131], %parallel_loop3A_1083 : memref<24x768xf32, #tpu.memory_space<vmem>>[vector<16xi32>, vector<16xi32>], vector<16xf32>,
      %parallel_loop3A_1132 = arith.constant 387 : i32
      %parallel_loop3A_1133 = vector.broadcast %parallel_loop3A_1132 : i32 to vector<16xi32>
      %parallel_loop3A_1134 = arith.addi %mul3A_5, %parallel_loop3A_1133 : vector<16xi32>
      tpu.vector_store_idx %arg7[%parallel_loop3A_258, %parallel_loop3A_1134], %parallel_loop3A_1086 : memref<24x768xf32, #tpu.memory_space<vmem>>[vector<16xi32>, vector<16xi32>], vector<16xf32>,
      %parallel_loop3A_1135 = arith.constant 388 : i32
      %parallel_loop3A_1136 = vector.broadcast %parallel_loop3A_1135 : i32 to vector<16xi32>
      %parallel_loop3A_1137 = arith.addi %mul3A_5, %parallel_loop3A_1136 : vector<16xi32>
      tpu.vector_store_idx %arg7[%parallel_loop3A_258, %parallel_loop3A_1137], %parallel_loop3A_1089 : memref<24x768xf32, #tpu.memory_space<vmem>>[vector<16xi32>, vector<16xi32>], vector<16xf32>,
      %parallel_loop3A_1138 = arith.constant 389 : i32
      %parallel_loop3A_1139 = vector.broadcast %parallel_loop3A_1138 : i32 to vector<16xi32>
      %parallel_loop3A_1140 = arith.addi %mul3A_5, %parallel_loop3A_1139 : vector<16xi32>
      tpu.vector_store_idx %arg7[%parallel_loop3A_258, %parallel_loop3A_1140], %parallel_loop3A_1092 : memref<24x768xf32, #tpu.memory_space<vmem>>[vector<16xi32>, vector<16xi32>], vector<16xf32>,
      %parallel_loop3A_1141 = arith.constant 390 : i32
      %parallel_loop3A_1142 = vector.broadcast %parallel_loop3A_1141 : i32 to vector<16xi32>
      %parallel_loop3A_1143 = arith.addi %mul3A_5, %parallel_loop3A_1142 : vector<16xi32>
      tpu.vector_store_idx %arg7[%parallel_loop3A_258, %parallel_loop3A_1143], %parallel_loop3A_1095 : memref<24x768xf32, #tpu.memory_space<vmem>>[vector<16xi32>, vector<16xi32>], vector<16xf32>,
      %parallel_loop3A_1144 = arith.constant 391 : i32
      %parallel_loop3A_1145 = vector.broadcast %parallel_loop3A_1144 : i32 to vector<16xi32>
      %parallel_loop3A_1146 = arith.addi %mul3A_5, %parallel_loop3A_1145 : vector<16xi32>
      tpu.vector_store_idx %arg7[%parallel_loop3A_258, %parallel_loop3A_1146], %parallel_loop3A_1098 : memref<24x768xf32, #tpu.memory_space<vmem>>[vector<16xi32>, vector<16xi32>], vector<16xf32>,
      %parallel_loop3A_1147 = arith.constant 0 : i32
      %parallel_loop3A_1148 = arith.index_cast %parallel_loop3A_1147 : i32 to index
      %parallel_loop3A_1149 = arith.index_cast %parallel_loop3A_8 : i32 to index
      %parallel_loop3A_1150 = arith.constant 64 : index
      %parallel_loop3A_1151 = tpu.vector_load %arg5[%parallel_loop3A_1148, %parallel_loop3A_1149, %parallel_loop3A_1150] {strides = array<i32>} : memref<8x24x96xi32, #tpu.memory_space<vmem>>, vector<16xi32>,
      %parallel_loop3A_1152 = arith.constant 1 : i32
      %parallel_loop3A_1153 = arith.index_cast %parallel_loop3A_1152 : i32 to index
      %parallel_loop3A_1154 = arith.index_cast %parallel_loop3A_8 : i32 to index
      %parallel_loop3A_1155 = arith.constant 64 : index
      %parallel_loop3A_1156 = tpu.vector_load %arg5[%parallel_loop3A_1153, %parallel_loop3A_1154, %parallel_loop3A_1155] {strides = array<i32>} : memref<8x24x96xi32, #tpu.memory_space<vmem>>, vector<16xi32>,
      %parallel_loop3A_1157 = arith.constant 2 : i32
      %parallel_loop3A_1158 = arith.index_cast %parallel_loop3A_1157 : i32 to index
      %parallel_loop3A_1159 = arith.index_cast %parallel_loop3A_8 : i32 to index
      %parallel_loop3A_1160 = arith.constant 64 : index
      %parallel_loop3A_1161 = tpu.vector_load %arg5[%parallel_loop3A_1158, %parallel_loop3A_1159, %parallel_loop3A_1160] {strides = array<i32>} : memref<8x24x96xi32, #tpu.memory_space<vmem>>, vector<16xi32>,
      %parallel_loop3A_1162 = arith.constant 3 : i32
      %parallel_loop3A_1163 = arith.index_cast %parallel_loop3A_1162 : i32 to index
      %parallel_loop3A_1164 = arith.index_cast %parallel_loop3A_8 : i32 to index
      %parallel_loop3A_1165 = arith.constant 64 : index
      %parallel_loop3A_1166 = tpu.vector_load %arg5[%parallel_loop3A_1163, %parallel_loop3A_1164, %parallel_loop3A_1165] {strides = array<i32>} : memref<8x24x96xi32, #tpu.memory_space<vmem>>, vector<16xi32>,
      %parallel_loop3A_1167 = arith.constant 4 : i32
      %parallel_loop3A_1168 = arith.index_cast %parallel_loop3A_1167 : i32 to index
      %parallel_loop3A_1169 = arith.index_cast %parallel_loop3A_8 : i32 to index
      %parallel_loop3A_1170 = arith.constant 64 : index
      %parallel_loop3A_1171 = tpu.vector_load %arg5[%parallel_loop3A_1168, %parallel_loop3A_1169, %parallel_loop3A_1170] {strides = array<i32>} : memref<8x24x96xi32, #tpu.memory_space<vmem>>, vector<16xi32>,
      %parallel_loop3A_1172 = arith.constant 5 : i32
      %parallel_loop3A_1173 = arith.index_cast %parallel_loop3A_1172 : i32 to index
      %parallel_loop3A_1174 = arith.index_cast %parallel_loop3A_8 : i32 to index
      %parallel_loop3A_1175 = arith.constant 64 : index
      %parallel_loop3A_1176 = tpu.vector_load %arg5[%parallel_loop3A_1173, %parallel_loop3A_1174, %parallel_loop3A_1175] {strides = array<i32>} : memref<8x24x96xi32, #tpu.memory_space<vmem>>, vector<16xi32>,
      %parallel_loop3A_1177 = arith.constant 6 : i32
      %parallel_loop3A_1178 = arith.index_cast %parallel_loop3A_1177 : i32 to index
      %parallel_loop3A_1179 = arith.index_cast %parallel_loop3A_8 : i32 to index
      %parallel_loop3A_1180 = arith.constant 64 : index
      %parallel_loop3A_1181 = tpu.vector_load %arg5[%parallel_loop3A_1178, %parallel_loop3A_1179, %parallel_loop3A_1180] {strides = array<i32>} : memref<8x24x96xi32, #tpu.memory_space<vmem>>, vector<16xi32>,
      %parallel_loop3A_1182 = arith.constant 7 : i32
      %parallel_loop3A_1183 = arith.index_cast %parallel_loop3A_1182 : i32 to index
      %parallel_loop3A_1184 = arith.index_cast %parallel_loop3A_8 : i32 to index
      %parallel_loop3A_1185 = arith.constant 64 : index
      %parallel_loop3A_1186 = tpu.vector_load %arg5[%parallel_loop3A_1183, %parallel_loop3A_1184, %parallel_loop3A_1185] {strides = array<i32>} : memref<8x24x96xi32, #tpu.memory_space<vmem>>, vector<16xi32>,
      %parallel_loop3A_1187 = arith.constant 24 : i32
      %parallel_loop3A_1188 = vector.broadcast %parallel_loop3A_1187 : i32 to vector<16xi32>
      %parallel_loop3A_1189 = arith.shli %parallel_loop3A_1151, %parallel_loop3A_1188 : vector<16xi32>
      %parallel_loop3A_1190 = arith.constant 16 : i32
      %parallel_loop3A_1191 = vector.broadcast %parallel_loop3A_1190 : i32 to vector<16xi32>
      %parallel_loop3A_1192 = arith.shli %parallel_loop3A_1156, %parallel_loop3A_1191 : vector<16xi32>
      %parallel_loop3A_1193 = arith.ori %parallel_loop3A_1189, %parallel_loop3A_1192 : vector<16xi32>
      %parallel_loop3A_1194 = arith.constant 8 : i32
      %parallel_loop3A_1195 = vector.broadcast %parallel_loop3A_1194 : i32 to vector<16xi32>
      %parallel_loop3A_1196 = arith.shli %parallel_loop3A_1161, %parallel_loop3A_1195 : vector<16xi32>
      %parallel_loop3A_1197 = arith.ori %parallel_loop3A_1193, %parallel_loop3A_1196 : vector<16xi32>
      %parallel_loop3A_1198 = arith.ori %parallel_loop3A_1197, %parallel_loop3A_1166 : vector<16xi32>
      %parallel_loop3A_1199 = arith.constant 24 : i32
      %parallel_loop3A_1200 = vector.broadcast %parallel_loop3A_1199 : i32 to vector<16xi32>
      %parallel_loop3A_1201 = arith.shli %parallel_loop3A_1171, %parallel_loop3A_1200 : vector<16xi32>
      %parallel_loop3A_1202 = arith.constant 16 : i32
      %parallel_loop3A_1203 = vector.broadcast %parallel_loop3A_1202 : i32 to vector<16xi32>
      %parallel_loop3A_1204 = arith.shli %parallel_loop3A_1176, %parallel_loop3A_1203 : vector<16xi32>
      %parallel_loop3A_1205 = arith.ori %parallel_loop3A_1201, %parallel_loop3A_1204 : vector<16xi32>
      %parallel_loop3A_1206 = arith.constant 8 : i32
      %parallel_loop3A_1207 = vector.broadcast %parallel_loop3A_1206 : i32 to vector<16xi32>
      %parallel_loop3A_1208 = arith.shli %parallel_loop3A_1181, %parallel_loop3A_1207 : vector<16xi32>
      %parallel_loop3A_1209 = arith.ori %parallel_loop3A_1205, %parallel_loop3A_1208 : vector<16xi32>
      %parallel_loop3A_1210 = arith.ori %parallel_loop3A_1209, %parallel_loop3A_1186 : vector<16xi32>
      %parallel_loop3A_1211 = arith.constant 7 : i32
      %parallel_loop3A_1212 = vector.broadcast %parallel_loop3A_1211 : i32 to vector<16xi32>
      %parallel_loop3A_1213 = arith.shrsi %parallel_loop3A_1198, %parallel_loop3A_1212 : vector<16xi32>
      %parallel_loop3A_1214 = arith.xori %parallel_loop3A_1198, %parallel_loop3A_1213 : vector<16xi32>
      %parallel_loop3A_1215 = arith.constant 11141290 : i32
      %parallel_loop3A_1216 = vector.broadcast %parallel_loop3A_1215 : i32 to vector<16xi32>
      %parallel_loop3A_1217 = arith.andi %parallel_loop3A_1214, %parallel_loop3A_1216 : vector<16xi32>
      %parallel_loop3A_1218 = arith.xori %parallel_loop3A_1198, %parallel_loop3A_1217 : vector<16xi32>
      %parallel_loop3A_1219 = arith.constant 7 : i32
      %parallel_loop3A_1220 = vector.broadcast %parallel_loop3A_1219 : i32 to vector<16xi32>
      %parallel_loop3A_1221 = arith.shli %parallel_loop3A_1217, %parallel_loop3A_1220 : vector<16xi32>
      %parallel_loop3A_1222 = arith.xori %parallel_loop3A_1218, %parallel_loop3A_1221 : vector<16xi32>
      %parallel_loop3A_1223 = arith.constant 7 : i32
      %parallel_loop3A_1224 = vector.broadcast %parallel_loop3A_1223 : i32 to vector<16xi32>
      %parallel_loop3A_1225 = arith.shrsi %parallel_loop3A_1210, %parallel_loop3A_1224 : vector<16xi32>
      %parallel_loop3A_1226 = arith.xori %parallel_loop3A_1210, %parallel_loop3A_1225 : vector<16xi32>
      %parallel_loop3A_1227 = arith.constant 11141290 : i32
      %parallel_loop3A_1228 = vector.broadcast %parallel_loop3A_1227 : i32 to vector<16xi32>
      %parallel_loop3A_1229 = arith.andi %parallel_loop3A_1226, %parallel_loop3A_1228 : vector<16xi32>
      %parallel_loop3A_1230 = arith.xori %parallel_loop3A_1210, %parallel_loop3A_1229 : vector<16xi32>
      %parallel_loop3A_1231 = arith.constant 7 : i32
      %parallel_loop3A_1232 = vector.broadcast %parallel_loop3A_1231 : i32 to vector<16xi32>
      %parallel_loop3A_1233 = arith.shli %parallel_loop3A_1229, %parallel_loop3A_1232 : vector<16xi32>
      %parallel_loop3A_1234 = arith.xori %parallel_loop3A_1230, %parallel_loop3A_1233 : vector<16xi32>
      %parallel_loop3A_1235 = arith.constant 14 : i32
      %parallel_loop3A_1236 = vector.broadcast %parallel_loop3A_1235 : i32 to vector<16xi32>
      %parallel_loop3A_1237 = arith.shrsi %parallel_loop3A_1222, %parallel_loop3A_1236 : vector<16xi32>
      %parallel_loop3A_1238 = arith.xori %parallel_loop3A_1222, %parallel_loop3A_1237 : vector<16xi32>
      %parallel_loop3A_1239 = arith.constant 52428 : i32
      %parallel_loop3A_1240 = vector.broadcast %parallel_loop3A_1239 : i32 to vector<16xi32>
      %parallel_loop3A_1241 = arith.andi %parallel_loop3A_1238, %parallel_loop3A_1240 : vector<16xi32>
      %parallel_loop3A_1242 = arith.xori %parallel_loop3A_1222, %parallel_loop3A_1241 : vector<16xi32>
      %parallel_loop3A_1243 = arith.constant 14 : i32
      %parallel_loop3A_1244 = vector.broadcast %parallel_loop3A_1243 : i32 to vector<16xi32>
      %parallel_loop3A_1245 = arith.shli %parallel_loop3A_1241, %parallel_loop3A_1244 : vector<16xi32>
      %parallel_loop3A_1246 = arith.xori %parallel_loop3A_1242, %parallel_loop3A_1245 : vector<16xi32>
      %parallel_loop3A_1247 = arith.constant 14 : i32
      %parallel_loop3A_1248 = vector.broadcast %parallel_loop3A_1247 : i32 to vector<16xi32>
      %parallel_loop3A_1249 = arith.shrsi %parallel_loop3A_1234, %parallel_loop3A_1248 : vector<16xi32>
      %parallel_loop3A_1250 = arith.xori %parallel_loop3A_1234, %parallel_loop3A_1249 : vector<16xi32>
      %parallel_loop3A_1251 = arith.constant 52428 : i32
      %parallel_loop3A_1252 = vector.broadcast %parallel_loop3A_1251 : i32 to vector<16xi32>
      %parallel_loop3A_1253 = arith.andi %parallel_loop3A_1250, %parallel_loop3A_1252 : vector<16xi32>
      %parallel_loop3A_1254 = arith.xori %parallel_loop3A_1234, %parallel_loop3A_1253 : vector<16xi32>
      %parallel_loop3A_1255 = arith.constant 14 : i32
      %parallel_loop3A_1256 = vector.broadcast %parallel_loop3A_1255 : i32 to vector<16xi32>
      %parallel_loop3A_1257 = arith.shli %parallel_loop3A_1253, %parallel_loop3A_1256 : vector<16xi32>
      %parallel_loop3A_1258 = arith.xori %parallel_loop3A_1254, %parallel_loop3A_1257 : vector<16xi32>
      %parallel_loop3A_1259 = arith.constant -252645136 : i32
      %parallel_loop3A_1260 = vector.broadcast %parallel_loop3A_1259 : i32 to vector<16xi32>
      %parallel_loop3A_1261 = arith.andi %parallel_loop3A_1246, %parallel_loop3A_1260 : vector<16xi32>
      %parallel_loop3A_1262 = arith.constant 4 : i32
      %parallel_loop3A_1263 = vector.broadcast %parallel_loop3A_1262 : i32 to vector<16xi32>
      %parallel_loop3A_1264 = arith.shrsi %parallel_loop3A_1258, %parallel_loop3A_1263 : vector<16xi32>
      %parallel_loop3A_1265 = arith.constant 252645135 : i32
      %parallel_loop3A_1266 = vector.broadcast %parallel_loop3A_1265 : i32 to vector<16xi32>
      %parallel_loop3A_1267 = arith.andi %parallel_loop3A_1264, %parallel_loop3A_1266 : vector<16xi32>
      %parallel_loop3A_1268 = arith.ori %parallel_loop3A_1261, %parallel_loop3A_1267 : vector<16xi32>
      %parallel_loop3A_1269 = arith.constant 4 : i32
      %parallel_loop3A_1270 = vector.broadcast %parallel_loop3A_1269 : i32 to vector<16xi32>
      %parallel_loop3A_1271 = arith.shli %parallel_loop3A_1246, %parallel_loop3A_1270 : vector<16xi32>
      %parallel_loop3A_1272 = arith.constant -252645136 : i32
      %parallel_loop3A_1273 = vector.broadcast %parallel_loop3A_1272 : i32 to vector<16xi32>
      %parallel_loop3A_1274 = arith.andi %parallel_loop3A_1271, %parallel_loop3A_1273 : vector<16xi32>
      %parallel_loop3A_1275 = arith.constant 252645135 : i32
      %parallel_loop3A_1276 = vector.broadcast %parallel_loop3A_1275 : i32 to vector<16xi32>
      %parallel_loop3A_1277 = arith.andi %parallel_loop3A_1258, %parallel_loop3A_1276 : vector<16xi32>
      %parallel_loop3A_1278 = arith.ori %parallel_loop3A_1274, %parallel_loop3A_1277 : vector<16xi32>
      %parallel_loop3A_1279 = arith.constant 24 : i32
      %parallel_loop3A_1280 = vector.broadcast %parallel_loop3A_1279 : i32 to vector<16xi32>
      %parallel_loop3A_1281 = arith.shrsi %parallel_loop3A_1268, %parallel_loop3A_1280 : vector<16xi32>
      %parallel_loop3A_1282 = arith.constant 255 : i32
      %parallel_loop3A_1283 = vector.broadcast %parallel_loop3A_1282 : i32 to vector<16xi32>
      %parallel_loop3A_1284 = arith.andi %parallel_loop3A_1281, %parallel_loop3A_1283 : vector<16xi32>
      %parallel_loop3A_1285 = arith.constant 16 : i32
      %parallel_loop3A_1286 = vector.broadcast %parallel_loop3A_1285 : i32 to vector<16xi32>
      %parallel_loop3A_1287 = arith.shrsi %parallel_loop3A_1268, %parallel_loop3A_1286 : vector<16xi32>
      %parallel_loop3A_1288 = arith.constant 255 : i32
      %parallel_loop3A_1289 = vector.broadcast %parallel_loop3A_1288 : i32 to vector<16xi32>
      %parallel_loop3A_1290 = arith.andi %parallel_loop3A_1287, %parallel_loop3A_1289 : vector<16xi32>
      %parallel_loop3A_1291 = arith.constant 8 : i32
      %parallel_loop3A_1292 = vector.broadcast %parallel_loop3A_1291 : i32 to vector<16xi32>
      %parallel_loop3A_1293 = arith.shrsi %parallel_loop3A_1268, %parallel_loop3A_1292 : vector<16xi32>
      %parallel_loop3A_1294 = arith.constant 255 : i32
      %parallel_loop3A_1295 = vector.broadcast %parallel_loop3A_1294 : i32 to vector<16xi32>
      %parallel_loop3A_1296 = arith.andi %parallel_loop3A_1293, %parallel_loop3A_1295 : vector<16xi32>
      %parallel_loop3A_1297 = arith.constant 255 : i32
      %parallel_loop3A_1298 = vector.broadcast %parallel_loop3A_1297 : i32 to vector<16xi32>
      %parallel_loop3A_1299 = arith.andi %parallel_loop3A_1268, %parallel_loop3A_1298 : vector<16xi32>
      %parallel_loop3A_1300 = arith.constant 24 : i32
      %parallel_loop3A_1301 = vector.broadcast %parallel_loop3A_1300 : i32 to vector<16xi32>
      %parallel_loop3A_1302 = arith.shrsi %parallel_loop3A_1278, %parallel_loop3A_1301 : vector<16xi32>
      %parallel_loop3A_1303 = arith.constant 255 : i32
      %parallel_loop3A_1304 = vector.broadcast %parallel_loop3A_1303 : i32 to vector<16xi32>
      %parallel_loop3A_1305 = arith.andi %parallel_loop3A_1302, %parallel_loop3A_1304 : vector<16xi32>
      %parallel_loop3A_1306 = arith.constant 16 : i32
      %parallel_loop3A_1307 = vector.broadcast %parallel_loop3A_1306 : i32 to vector<16xi32>
      %parallel_loop3A_1308 = arith.shrsi %parallel_loop3A_1278, %parallel_loop3A_1307 : vector<16xi32>
      %parallel_loop3A_1309 = arith.constant 255 : i32
      %parallel_loop3A_1310 = vector.broadcast %parallel_loop3A_1309 : i32 to vector<16xi32>
      %parallel_loop3A_1311 = arith.andi %parallel_loop3A_1308, %parallel_loop3A_1310 : vector<16xi32>
      %parallel_loop3A_1312 = arith.constant 8 : i32
      %parallel_loop3A_1313 = vector.broadcast %parallel_loop3A_1312 : i32 to vector<16xi32>
      %parallel_loop3A_1314 = arith.shrsi %parallel_loop3A_1278, %parallel_loop3A_1313 : vector<16xi32>
      %parallel_loop3A_1315 = arith.constant 255 : i32
      %parallel_loop3A_1316 = vector.broadcast %parallel_loop3A_1315 : i32 to vector<16xi32>
      %parallel_loop3A_1317 = arith.andi %parallel_loop3A_1314, %parallel_loop3A_1316 : vector<16xi32>
      %parallel_loop3A_1318 = arith.constant 255 : i32
      %parallel_loop3A_1319 = vector.broadcast %parallel_loop3A_1318 : i32 to vector<16xi32>
      %parallel_loop3A_1320 = arith.andi %parallel_loop3A_1278, %parallel_loop3A_1319 : vector<16xi32>
      %parallel_loop3A_1321 = arith.constant 0 : i32
      %parallel_loop3A_1322 = arith.index_cast %parallel_loop3A_1321 : i32 to index
      %parallel_loop3A_1323 = arith.index_cast %parallel_loop3A_8 : i32 to index
      %parallel_loop3A_1324 = arith.constant 80 : index
      %parallel_loop3A_1325 = tpu.vector_load %arg5[%parallel_loop3A_1322, %parallel_loop3A_1323, %parallel_loop3A_1324] {strides = array<i32>} : memref<8x24x96xi32, #tpu.memory_space<vmem>>, vector<16xi32>,
      %parallel_loop3A_1326 = arith.constant 1 : i32
      %parallel_loop3A_1327 = arith.index_cast %parallel_loop3A_1326 : i32 to index
      %parallel_loop3A_1328 = arith.index_cast %parallel_loop3A_8 : i32 to index
      %parallel_loop3A_1329 = arith.constant 80 : index
      %parallel_loop3A_1330 = tpu.vector_load %arg5[%parallel_loop3A_1327, %parallel_loop3A_1328, %parallel_loop3A_1329] {strides = array<i32>} : memref<8x24x96xi32, #tpu.memory_space<vmem>>, vector<16xi32>,
      %parallel_loop3A_1331 = arith.constant 2 : i32
      %parallel_loop3A_1332 = arith.index_cast %parallel_loop3A_1331 : i32 to index
      %parallel_loop3A_1333 = arith.index_cast %parallel_loop3A_8 : i32 to index
      %parallel_loop3A_1334 = arith.constant 80 : index
      %parallel_loop3A_1335 = tpu.vector_load %arg5[%parallel_loop3A_1332, %parallel_loop3A_1333, %parallel_loop3A_1334] {strides = array<i32>} : memref<8x24x96xi32, #tpu.memory_space<vmem>>, vector<16xi32>,
      %parallel_loop3A_1336 = arith.constant 3 : i32
      %parallel_loop3A_1337 = arith.index_cast %parallel_loop3A_1336 : i32 to index
      %parallel_loop3A_1338 = arith.index_cast %parallel_loop3A_8 : i32 to index
      %parallel_loop3A_1339 = arith.constant 80 : index
      %parallel_loop3A_1340 = tpu.vector_load %arg5[%parallel_loop3A_1337, %parallel_loop3A_1338, %parallel_loop3A_1339] {strides = array<i32>} : memref<8x24x96xi32, #tpu.memory_space<vmem>>, vector<16xi32>,
      %parallel_loop3A_1341 = arith.constant 4 : i32
      %parallel_loop3A_1342 = arith.index_cast %parallel_loop3A_1341 : i32 to index
      %parallel_loop3A_1343 = arith.index_cast %parallel_loop3A_8 : i32 to index
      %parallel_loop3A_1344 = arith.constant 80 : index
      %parallel_loop3A_1345 = tpu.vector_load %arg5[%parallel_loop3A_1342, %parallel_loop3A_1343, %parallel_loop3A_1344] {strides = array<i32>} : memref<8x24x96xi32, #tpu.memory_space<vmem>>, vector<16xi32>,
      %parallel_loop3A_1346 = arith.constant 5 : i32
      %parallel_loop3A_1347 = arith.index_cast %parallel_loop3A_1346 : i32 to index
      %parallel_loop3A_1348 = arith.index_cast %parallel_loop3A_8 : i32 to index
      %parallel_loop3A_1349 = arith.constant 80 : index
      %parallel_loop3A_1350 = tpu.vector_load %arg5[%parallel_loop3A_1347, %parallel_loop3A_1348, %parallel_loop3A_1349] {strides = array<i32>} : memref<8x24x96xi32, #tpu.memory_space<vmem>>, vector<16xi32>,
      %parallel_loop3A_1351 = arith.constant 6 : i32
      %parallel_loop3A_1352 = arith.index_cast %parallel_loop3A_1351 : i32 to index
      %parallel_loop3A_1353 = arith.index_cast %parallel_loop3A_8 : i32 to index
      %parallel_loop3A_1354 = arith.constant 80 : index
      %parallel_loop3A_1355 = tpu.vector_load %arg5[%parallel_loop3A_1352, %parallel_loop3A_1353, %parallel_loop3A_1354] {strides = array<i32>} : memref<8x24x96xi32, #tpu.memory_space<vmem>>, vector<16xi32>,
      %parallel_loop3A_1356 = arith.constant 7 : i32
      %parallel_loop3A_1357 = arith.index_cast %parallel_loop3A_1356 : i32 to index
      %parallel_loop3A_1358 = arith.index_cast %parallel_loop3A_8 : i32 to index
      %parallel_loop3A_1359 = arith.constant 80 : index
      %parallel_loop3A_1360 = tpu.vector_load %arg5[%parallel_loop3A_1357, %parallel_loop3A_1358, %parallel_loop3A_1359] {strides = array<i32>} : memref<8x24x96xi32, #tpu.memory_space<vmem>>, vector<16xi32>,
      %parallel_loop3A_1361 = arith.constant 24 : i32
      %parallel_loop3A_1362 = vector.broadcast %parallel_loop3A_1361 : i32 to vector<16xi32>
      %parallel_loop3A_1363 = arith.shli %parallel_loop3A_1325, %parallel_loop3A_1362 : vector<16xi32>
      %parallel_loop3A_1364 = arith.constant 16 : i32
      %parallel_loop3A_1365 = vector.broadcast %parallel_loop3A_1364 : i32 to vector<16xi32>
      %parallel_loop3A_1366 = arith.shli %parallel_loop3A_1330, %parallel_loop3A_1365 : vector<16xi32>
      %parallel_loop3A_1367 = arith.ori %parallel_loop3A_1363, %parallel_loop3A_1366 : vector<16xi32>
      %parallel_loop3A_1368 = arith.constant 8 : i32
      %parallel_loop3A_1369 = vector.broadcast %parallel_loop3A_1368 : i32 to vector<16xi32>
      %parallel_loop3A_1370 = arith.shli %parallel_loop3A_1335, %parallel_loop3A_1369 : vector<16xi32>
      %parallel_loop3A_1371 = arith.ori %parallel_loop3A_1367, %parallel_loop3A_1370 : vector<16xi32>
      %parallel_loop3A_1372 = arith.ori %parallel_loop3A_1371, %parallel_loop3A_1340 : vector<16xi32>
      %parallel_loop3A_1373 = arith.constant 24 : i32
      %parallel_loop3A_1374 = vector.broadcast %parallel_loop3A_1373 : i32 to vector<16xi32>
      %parallel_loop3A_1375 = arith.shli %parallel_loop3A_1345, %parallel_loop3A_1374 : vector<16xi32>
      %parallel_loop3A_1376 = arith.constant 16 : i32
      %parallel_loop3A_1377 = vector.broadcast %parallel_loop3A_1376 : i32 to vector<16xi32>
      %parallel_loop3A_1378 = arith.shli %parallel_loop3A_1350, %parallel_loop3A_1377 : vector<16xi32>
      %parallel_loop3A_1379 = arith.ori %parallel_loop3A_1375, %parallel_loop3A_1378 : vector<16xi32>
      %parallel_loop3A_1380 = arith.constant 8 : i32
      %parallel_loop3A_1381 = vector.broadcast %parallel_loop3A_1380 : i32 to vector<16xi32>
      %parallel_loop3A_1382 = arith.shli %parallel_loop3A_1355, %parallel_loop3A_1381 : vector<16xi32>
      %parallel_loop3A_1383 = arith.ori %parallel_loop3A_1379, %parallel_loop3A_1382 : vector<16xi32>
      %parallel_loop3A_1384 = arith.ori %parallel_loop3A_1383, %parallel_loop3A_1360 : vector<16xi32>
      %parallel_loop3A_1385 = arith.constant 7 : i32
      %parallel_loop3A_1386 = vector.broadcast %parallel_loop3A_1385 : i32 to vector<16xi32>
      %parallel_loop3A_1387 = arith.shrsi %parallel_loop3A_1372, %parallel_loop3A_1386 : vector<16xi32>
      %parallel_loop3A_1388 = arith.xori %parallel_loop3A_1372, %parallel_loop3A_1387 : vector<16xi32>
      %parallel_loop3A_1389 = arith.constant 11141290 : i32
      %parallel_loop3A_1390 = vector.broadcast %parallel_loop3A_1389 : i32 to vector<16xi32>
      %parallel_loop3A_1391 = arith.andi %parallel_loop3A_1388, %parallel_loop3A_1390 : vector<16xi32>
      %parallel_loop3A_1392 = arith.xori %parallel_loop3A_1372, %parallel_loop3A_1391 : vector<16xi32>
      %parallel_loop3A_1393 = arith.constant 7 : i32
      %parallel_loop3A_1394 = vector.broadcast %parallel_loop3A_1393 : i32 to vector<16xi32>
      %parallel_loop3A_1395 = arith.shli %parallel_loop3A_1391, %parallel_loop3A_1394 : vector<16xi32>
      %parallel_loop3A_1396 = arith.xori %parallel_loop3A_1392, %parallel_loop3A_1395 : vector<16xi32>
      %parallel_loop3A_1397 = arith.constant 7 : i32
      %parallel_loop3A_1398 = vector.broadcast %parallel_loop3A_1397 : i32 to vector<16xi32>
      %parallel_loop3A_1399 = arith.shrsi %parallel_loop3A_1384, %parallel_loop3A_1398 : vector<16xi32>
      %parallel_loop3A_1400 = arith.xori %parallel_loop3A_1384, %parallel_loop3A_1399 : vector<16xi32>
      %parallel_loop3A_1401 = arith.constant 11141290 : i32
      %parallel_loop3A_1402 = vector.broadcast %parallel_loop3A_1401 : i32 to vector<16xi32>
      %parallel_loop3A_1403 = arith.andi %parallel_loop3A_1400, %parallel_loop3A_1402 : vector<16xi32>
      %parallel_loop3A_1404 = arith.xori %parallel_loop3A_1384, %parallel_loop3A_1403 : vector<16xi32>
      %parallel_loop3A_1405 = arith.constant 7 : i32
      %parallel_loop3A_1406 = vector.broadcast %parallel_loop3A_1405 : i32 to vector<16xi32>
      %parallel_loop3A_1407 = arith.shli %parallel_loop3A_1403, %parallel_loop3A_1406 : vector<16xi32>
      %parallel_loop3A_1408 = arith.xori %parallel_loop3A_1404, %parallel_loop3A_1407 : vector<16xi32>
      %parallel_loop3A_1409 = arith.constant 14 : i32
      %parallel_loop3A_1410 = vector.broadcast %parallel_loop3A_1409 : i32 to vector<16xi32>
      %parallel_loop3A_1411 = arith.shrsi %parallel_loop3A_1396, %parallel_loop3A_1410 : vector<16xi32>
      %parallel_loop3A_1412 = arith.xori %parallel_loop3A_1396, %parallel_loop3A_1411 : vector<16xi32>
      %parallel_loop3A_1413 = arith.constant 52428 : i32
      %parallel_loop3A_1414 = vector.broadcast %parallel_loop3A_1413 : i32 to vector<16xi32>
      %parallel_loop3A_1415 = arith.andi %parallel_loop3A_1412, %parallel_loop3A_1414 : vector<16xi32>
      %parallel_loop3A_1416 = arith.xori %parallel_loop3A_1396, %parallel_loop3A_1415 : vector<16xi32>
      %parallel_loop3A_1417 = arith.constant 14 : i32
      %parallel_loop3A_1418 = vector.broadcast %parallel_loop3A_1417 : i32 to vector<16xi32>
      %parallel_loop3A_1419 = arith.shli %parallel_loop3A_1415, %parallel_loop3A_1418 : vector<16xi32>
      %parallel_loop3A_1420 = arith.xori %parallel_loop3A_1416, %parallel_loop3A_1419 : vector<16xi32>
      %parallel_loop3A_1421 = arith.constant 14 : i32
      %parallel_loop3A_1422 = vector.broadcast %parallel_loop3A_1421 : i32 to vector<16xi32>
      %parallel_loop3A_1423 = arith.shrsi %parallel_loop3A_1408, %parallel_loop3A_1422 : vector<16xi32>
      %parallel_loop3A_1424 = arith.xori %parallel_loop3A_1408, %parallel_loop3A_1423 : vector<16xi32>
      %parallel_loop3A_1425 = arith.constant 52428 : i32
      %parallel_loop3A_1426 = vector.broadcast %parallel_loop3A_1425 : i32 to vector<16xi32>
      %parallel_loop3A_1427 = arith.andi %parallel_loop3A_1424, %parallel_loop3A_1426 : vector<16xi32>
      %parallel_loop3A_1428 = arith.xori %parallel_loop3A_1408, %parallel_loop3A_1427 : vector<16xi32>
      %parallel_loop3A_1429 = arith.constant 14 : i32
      %parallel_loop3A_1430 = vector.broadcast %parallel_loop3A_1429 : i32 to vector<16xi32>
      %parallel_loop3A_1431 = arith.shli %parallel_loop3A_1427, %parallel_loop3A_1430 : vector<16xi32>
      %parallel_loop3A_1432 = arith.xori %parallel_loop3A_1428, %parallel_loop3A_1431 : vector<16xi32>
      %parallel_loop3A_1433 = arith.constant -252645136 : i32
      %parallel_loop3A_1434 = vector.broadcast %parallel_loop3A_1433 : i32 to vector<16xi32>
      %parallel_loop3A_1435 = arith.andi %parallel_loop3A_1420, %parallel_loop3A_1434 : vector<16xi32>
      %parallel_loop3A_1436 = arith.constant 4 : i32
      %parallel_loop3A_1437 = vector.broadcast %parallel_loop3A_1436 : i32 to vector<16xi32>
      %parallel_loop3A_1438 = arith.shrsi %parallel_loop3A_1432, %parallel_loop3A_1437 : vector<16xi32>
      %parallel_loop3A_1439 = arith.constant 252645135 : i32
      %parallel_loop3A_1440 = vector.broadcast %parallel_loop3A_1439 : i32 to vector<16xi32>
      %parallel_loop3A_1441 = arith.andi %parallel_loop3A_1438, %parallel_loop3A_1440 : vector<16xi32>
      %parallel_loop3A_1442 = arith.ori %parallel_loop3A_1435, %parallel_loop3A_1441 : vector<16xi32>
      %parallel_loop3A_1443 = arith.constant 4 : i32
      %parallel_loop3A_1444 = vector.broadcast %parallel_loop3A_1443 : i32 to vector<16xi32>
      %parallel_loop3A_1445 = arith.shli %parallel_loop3A_1420, %parallel_loop3A_1444 : vector<16xi32>
      %parallel_loop3A_1446 = arith.constant -252645136 : i32
      %parallel_loop3A_1447 = vector.broadcast %parallel_loop3A_1446 : i32 to vector<16xi32>
      %parallel_loop3A_1448 = arith.andi %parallel_loop3A_1445, %parallel_loop3A_1447 : vector<16xi32>
      %parallel_loop3A_1449 = arith.constant 252645135 : i32
      %parallel_loop3A_1450 = vector.broadcast %parallel_loop3A_1449 : i32 to vector<16xi32>
      %parallel_loop3A_1451 = arith.andi %parallel_loop3A_1432, %parallel_loop3A_1450 : vector<16xi32>
      %parallel_loop3A_1452 = arith.ori %parallel_loop3A_1448, %parallel_loop3A_1451 : vector<16xi32>
      %parallel_loop3A_1453 = arith.constant 24 : i32
      %parallel_loop3A_1454 = vector.broadcast %parallel_loop3A_1453 : i32 to vector<16xi32>
      %parallel_loop3A_1455 = arith.shrsi %parallel_loop3A_1442, %parallel_loop3A_1454 : vector<16xi32>
      %parallel_loop3A_1456 = arith.constant 255 : i32
      %parallel_loop3A_1457 = vector.broadcast %parallel_loop3A_1456 : i32 to vector<16xi32>
      %parallel_loop3A_1458 = arith.andi %parallel_loop3A_1455, %parallel_loop3A_1457 : vector<16xi32>
      %parallel_loop3A_1459 = arith.constant 16 : i32
      %parallel_loop3A_1460 = vector.broadcast %parallel_loop3A_1459 : i32 to vector<16xi32>
      %parallel_loop3A_1461 = arith.shrsi %parallel_loop3A_1442, %parallel_loop3A_1460 : vector<16xi32>
      %parallel_loop3A_1462 = arith.constant 255 : i32
      %parallel_loop3A_1463 = vector.broadcast %parallel_loop3A_1462 : i32 to vector<16xi32>
      %parallel_loop3A_1464 = arith.andi %parallel_loop3A_1461, %parallel_loop3A_1463 : vector<16xi32>
      %parallel_loop3A_1465 = arith.constant 8 : i32
      %parallel_loop3A_1466 = vector.broadcast %parallel_loop3A_1465 : i32 to vector<16xi32>
      %parallel_loop3A_1467 = arith.shrsi %parallel_loop3A_1442, %parallel_loop3A_1466 : vector<16xi32>
      %parallel_loop3A_1468 = arith.constant 255 : i32
      %parallel_loop3A_1469 = vector.broadcast %parallel_loop3A_1468 : i32 to vector<16xi32>
      %parallel_loop3A_1470 = arith.andi %parallel_loop3A_1467, %parallel_loop3A_1469 : vector<16xi32>
      %parallel_loop3A_1471 = arith.constant 255 : i32
      %parallel_loop3A_1472 = vector.broadcast %parallel_loop3A_1471 : i32 to vector<16xi32>
      %parallel_loop3A_1473 = arith.andi %parallel_loop3A_1442, %parallel_loop3A_1472 : vector<16xi32>
      %parallel_loop3A_1474 = arith.constant 24 : i32
      %parallel_loop3A_1475 = vector.broadcast %parallel_loop3A_1474 : i32 to vector<16xi32>
      %parallel_loop3A_1476 = arith.shrsi %parallel_loop3A_1452, %parallel_loop3A_1475 : vector<16xi32>
      %parallel_loop3A_1477 = arith.constant 255 : i32
      %parallel_loop3A_1478 = vector.broadcast %parallel_loop3A_1477 : i32 to vector<16xi32>
      %parallel_loop3A_1479 = arith.andi %parallel_loop3A_1476, %parallel_loop3A_1478 : vector<16xi32>
      %parallel_loop3A_1480 = arith.constant 16 : i32
      %parallel_loop3A_1481 = vector.broadcast %parallel_loop3A_1480 : i32 to vector<16xi32>
      %parallel_loop3A_1482 = arith.shrsi %parallel_loop3A_1452, %parallel_loop3A_1481 : vector<16xi32>
      %parallel_loop3A_1483 = arith.constant 255 : i32
      %parallel_loop3A_1484 = vector.broadcast %parallel_loop3A_1483 : i32 to vector<16xi32>
      %parallel_loop3A_1485 = arith.andi %parallel_loop3A_1482, %parallel_loop3A_1484 : vector<16xi32>
      %parallel_loop3A_1486 = arith.constant 8 : i32
      %parallel_loop3A_1487 = vector.broadcast %parallel_loop3A_1486 : i32 to vector<16xi32>
      %parallel_loop3A_1488 = arith.shrsi %parallel_loop3A_1452, %parallel_loop3A_1487 : vector<16xi32>
      %parallel_loop3A_1489 = arith.constant 255 : i32
      %parallel_loop3A_1490 = vector.broadcast %parallel_loop3A_1489 : i32 to vector<16xi32>
      %parallel_loop3A_1491 = arith.andi %parallel_loop3A_1488, %parallel_loop3A_1490 : vector<16xi32>
      %parallel_loop3A_1492 = arith.constant 255 : i32
      %parallel_loop3A_1493 = vector.broadcast %parallel_loop3A_1492 : i32 to vector<16xi32>
      %parallel_loop3A_1494 = arith.andi %parallel_loop3A_1452, %parallel_loop3A_1493 : vector<16xi32>
      %parallel_loop3A_1495 = vector.broadcast %parallel_loop3A_129 : i32 to vector<16xi32>
      %parallel_loop3A_1496 = arith.addi %parallel_loop3A_1284, %parallel_loop3A_1495 : vector<16xi32>
      %parallel_loop3A_1497 = tpu.vector_load_idx %arg8[%parallel_loop3A_1496] : memref<6144xf32, #tpu.memory_space<vmem>>[vector<16xi32>], vector<16xf32>,
      %parallel_loop3A_1498 = vector.broadcast %parallel_loop3A_129 : i32 to vector<16xi32>
      %parallel_loop3A_1499 = arith.addi %parallel_loop3A_1290, %parallel_loop3A_1498 : vector<16xi32>
      %parallel_loop3A_1500 = tpu.vector_load_idx %arg8[%parallel_loop3A_1499] : memref<6144xf32, #tpu.memory_space<vmem>>[vector<16xi32>], vector<16xf32>,
      %parallel_loop3A_1501 = vector.broadcast %parallel_loop3A_129 : i32 to vector<16xi32>
      %parallel_loop3A_1502 = arith.addi %parallel_loop3A_1296, %parallel_loop3A_1501 : vector<16xi32>
      %parallel_loop3A_1503 = tpu.vector_load_idx %arg8[%parallel_loop3A_1502] : memref<6144xf32, #tpu.memory_space<vmem>>[vector<16xi32>], vector<16xf32>,
      %parallel_loop3A_1504 = vector.broadcast %parallel_loop3A_129 : i32 to vector<16xi32>
      %parallel_loop3A_1505 = arith.addi %parallel_loop3A_1299, %parallel_loop3A_1504 : vector<16xi32>
      %parallel_loop3A_1506 = tpu.vector_load_idx %arg8[%parallel_loop3A_1505] : memref<6144xf32, #tpu.memory_space<vmem>>[vector<16xi32>], vector<16xf32>,
      %parallel_loop3A_1507 = vector.broadcast %parallel_loop3A_129 : i32 to vector<16xi32>
      %parallel_loop3A_1508 = arith.addi %parallel_loop3A_1305, %parallel_loop3A_1507 : vector<16xi32>
      %parallel_loop3A_1509 = tpu.vector_load_idx %arg8[%parallel_loop3A_1508] : memref<6144xf32, #tpu.memory_space<vmem>>[vector<16xi32>], vector<16xf32>,
      %parallel_loop3A_1510 = vector.broadcast %parallel_loop3A_129 : i32 to vector<16xi32>
      %parallel_loop3A_1511 = arith.addi %parallel_loop3A_1311, %parallel_loop3A_1510 : vector<16xi32>
      %parallel_loop3A_1512 = tpu.vector_load_idx %arg8[%parallel_loop3A_1511] : memref<6144xf32, #tpu.memory_space<vmem>>[vector<16xi32>], vector<16xf32>,
      %parallel_loop3A_1513 = vector.broadcast %parallel_loop3A_129 : i32 to vector<16xi32>
      %parallel_loop3A_1514 = arith.addi %parallel_loop3A_1317, %parallel_loop3A_1513 : vector<16xi32>
      %parallel_loop3A_1515 = tpu.vector_load_idx %arg8[%parallel_loop3A_1514] : memref<6144xf32, #tpu.memory_space<vmem>>[vector<16xi32>], vector<16xf32>,
      %parallel_loop3A_1516 = vector.broadcast %parallel_loop3A_129 : i32 to vector<16xi32>
      %parallel_loop3A_1517 = arith.addi %parallel_loop3A_1320, %parallel_loop3A_1516 : vector<16xi32>
      %parallel_loop3A_1518 = tpu.vector_load_idx %arg8[%parallel_loop3A_1517] : memref<6144xf32, #tpu.memory_space<vmem>>[vector<16xi32>], vector<16xf32>,
      %parallel_loop3A_1519 = vector.broadcast %parallel_loop3A_129 : i32 to vector<16xi32>
      %parallel_loop3A_1520 = arith.addi %parallel_loop3A_1458, %parallel_loop3A_1519 : vector<16xi32>
      %parallel_loop3A_1521 = tpu.vector_load_idx %arg8[%parallel_loop3A_1520] : memref<6144xf32, #tpu.memory_space<vmem>>[vector<16xi32>], vector<16xf32>,
      %parallel_loop3A_1522 = vector.broadcast %parallel_loop3A_129 : i32 to vector<16xi32>
      %parallel_loop3A_1523 = arith.addi %parallel_loop3A_1464, %parallel_loop3A_1522 : vector<16xi32>
      %parallel_loop3A_1524 = tpu.vector_load_idx %arg8[%parallel_loop3A_1523] : memref<6144xf32, #tpu.memory_space<vmem>>[vector<16xi32>], vector<16xf32>,
      %parallel_loop3A_1525 = vector.broadcast %parallel_loop3A_129 : i32 to vector<16xi32>
      %parallel_loop3A_1526 = arith.addi %parallel_loop3A_1470, %parallel_loop3A_1525 : vector<16xi32>
      %parallel_loop3A_1527 = tpu.vector_load_idx %arg8[%parallel_loop3A_1526] : memref<6144xf32, #tpu.memory_space<vmem>>[vector<16xi32>], vector<16xf32>,
      %parallel_loop3A_1528 = vector.broadcast %parallel_loop3A_129 : i32 to vector<16xi32>
      %parallel_loop3A_1529 = arith.addi %parallel_loop3A_1473, %parallel_loop3A_1528 : vector<16xi32>
      %parallel_loop3A_1530 = tpu.vector_load_idx %arg8[%parallel_loop3A_1529] : memref<6144xf32, #tpu.memory_space<vmem>>[vector<16xi32>], vector<16xf32>,
      %parallel_loop3A_1531 = vector.broadcast %parallel_loop3A_129 : i32 to vector<16xi32>
      %parallel_loop3A_1532 = arith.addi %parallel_loop3A_1479, %parallel_loop3A_1531 : vector<16xi32>
      %parallel_loop3A_1533 = tpu.vector_load_idx %arg8[%parallel_loop3A_1532] : memref<6144xf32, #tpu.memory_space<vmem>>[vector<16xi32>], vector<16xf32>,
      %parallel_loop3A_1534 = vector.broadcast %parallel_loop3A_129 : i32 to vector<16xi32>
      %parallel_loop3A_1535 = arith.addi %parallel_loop3A_1485, %parallel_loop3A_1534 : vector<16xi32>
      %parallel_loop3A_1536 = tpu.vector_load_idx %arg8[%parallel_loop3A_1535] : memref<6144xf32, #tpu.memory_space<vmem>>[vector<16xi32>], vector<16xf32>,
      %parallel_loop3A_1537 = vector.broadcast %parallel_loop3A_129 : i32 to vector<16xi32>
      %parallel_loop3A_1538 = arith.addi %parallel_loop3A_1491, %parallel_loop3A_1537 : vector<16xi32>
      %parallel_loop3A_1539 = tpu.vector_load_idx %arg8[%parallel_loop3A_1538] : memref<6144xf32, #tpu.memory_space<vmem>>[vector<16xi32>], vector<16xf32>,
      %parallel_loop3A_1540 = vector.broadcast %parallel_loop3A_129 : i32 to vector<16xi32>
      %parallel_loop3A_1541 = arith.addi %parallel_loop3A_1494, %parallel_loop3A_1540 : vector<16xi32>
      %parallel_loop3A_1542 = tpu.vector_load_idx %arg8[%parallel_loop3A_1541] : memref<6144xf32, #tpu.memory_space<vmem>>[vector<16xi32>], vector<16xf32>,
      %parallel_loop3A_1543 = arith.constant 512 : i32
      %parallel_loop3A_1544 = vector.broadcast %parallel_loop3A_1543 : i32 to vector<16xi32>
      %parallel_loop3A_1545 = arith.addi %mul3A_5, %parallel_loop3A_1544 : vector<16xi32>
      tpu.vector_store_idx %arg7[%parallel_loop3A_258, %parallel_loop3A_1545], %parallel_loop3A_1497 : memref<24x768xf32, #tpu.memory_space<vmem>>[vector<16xi32>, vector<16xi32>], vector<16xf32>,
      %parallel_loop3A_1546 = arith.constant 513 : i32
      %parallel_loop3A_1547 = vector.broadcast %parallel_loop3A_1546 : i32 to vector<16xi32>
      %parallel_loop3A_1548 = arith.addi %mul3A_5, %parallel_loop3A_1547 : vector<16xi32>
      tpu.vector_store_idx %arg7[%parallel_loop3A_258, %parallel_loop3A_1548], %parallel_loop3A_1500 : memref<24x768xf32, #tpu.memory_space<vmem>>[vector<16xi32>, vector<16xi32>], vector<16xf32>,
      %parallel_loop3A_1549 = arith.constant 514 : i32
      %parallel_loop3A_1550 = vector.broadcast %parallel_loop3A_1549 : i32 to vector<16xi32>
      %parallel_loop3A_1551 = arith.addi %mul3A_5, %parallel_loop3A_1550 : vector<16xi32>
      tpu.vector_store_idx %arg7[%parallel_loop3A_258, %parallel_loop3A_1551], %parallel_loop3A_1503 : memref<24x768xf32, #tpu.memory_space<vmem>>[vector<16xi32>, vector<16xi32>], vector<16xf32>,
      %parallel_loop3A_1552 = arith.constant 515 : i32
      %parallel_loop3A_1553 = vector.broadcast %parallel_loop3A_1552 : i32 to vector<16xi32>
      %parallel_loop3A_1554 = arith.addi %mul3A_5, %parallel_loop3A_1553 : vector<16xi32>
      tpu.vector_store_idx %arg7[%parallel_loop3A_258, %parallel_loop3A_1554], %parallel_loop3A_1506 : memref<24x768xf32, #tpu.memory_space<vmem>>[vector<16xi32>, vector<16xi32>], vector<16xf32>,
      %parallel_loop3A_1555 = arith.constant 516 : i32
      %parallel_loop3A_1556 = vector.broadcast %parallel_loop3A_1555 : i32 to vector<16xi32>
      %parallel_loop3A_1557 = arith.addi %mul3A_5, %parallel_loop3A_1556 : vector<16xi32>
      tpu.vector_store_idx %arg7[%parallel_loop3A_258, %parallel_loop3A_1557], %parallel_loop3A_1509 : memref<24x768xf32, #tpu.memory_space<vmem>>[vector<16xi32>, vector<16xi32>], vector<16xf32>,
      %parallel_loop3A_1558 = arith.constant 517 : i32
      %parallel_loop3A_1559 = vector.broadcast %parallel_loop3A_1558 : i32 to vector<16xi32>
      %parallel_loop3A_1560 = arith.addi %mul3A_5, %parallel_loop3A_1559 : vector<16xi32>
      tpu.vector_store_idx %arg7[%parallel_loop3A_258, %parallel_loop3A_1560], %parallel_loop3A_1512 : memref<24x768xf32, #tpu.memory_space<vmem>>[vector<16xi32>, vector<16xi32>], vector<16xf32>,
      %parallel_loop3A_1561 = arith.constant 518 : i32
      %parallel_loop3A_1562 = vector.broadcast %parallel_loop3A_1561 : i32 to vector<16xi32>
      %parallel_loop3A_1563 = arith.addi %mul3A_5, %parallel_loop3A_1562 : vector<16xi32>
      tpu.vector_store_idx %arg7[%parallel_loop3A_258, %parallel_loop3A_1563], %parallel_loop3A_1515 : memref<24x768xf32, #tpu.memory_space<vmem>>[vector<16xi32>, vector<16xi32>], vector<16xf32>,
      %parallel_loop3A_1564 = arith.constant 519 : i32
      %parallel_loop3A_1565 = vector.broadcast %parallel_loop3A_1564 : i32 to vector<16xi32>
      %parallel_loop3A_1566 = arith.addi %mul3A_5, %parallel_loop3A_1565 : vector<16xi32>
      tpu.vector_store_idx %arg7[%parallel_loop3A_258, %parallel_loop3A_1566], %parallel_loop3A_1518 : memref<24x768xf32, #tpu.memory_space<vmem>>[vector<16xi32>, vector<16xi32>], vector<16xf32>,
      %parallel_loop3A_1567 = arith.constant 640 : i32
      %parallel_loop3A_1568 = vector.broadcast %parallel_loop3A_1567 : i32 to vector<16xi32>
      %parallel_loop3A_1569 = arith.addi %mul3A_5, %parallel_loop3A_1568 : vector<16xi32>
      tpu.vector_store_idx %arg7[%parallel_loop3A_258, %parallel_loop3A_1569], %parallel_loop3A_1521 : memref<24x768xf32, #tpu.memory_space<vmem>>[vector<16xi32>, vector<16xi32>], vector<16xf32>,
      %parallel_loop3A_1570 = arith.constant 641 : i32
      %parallel_loop3A_1571 = vector.broadcast %parallel_loop3A_1570 : i32 to vector<16xi32>
      %parallel_loop3A_1572 = arith.addi %mul3A_5, %parallel_loop3A_1571 : vector<16xi32>
      tpu.vector_store_idx %arg7[%parallel_loop3A_258, %parallel_loop3A_1572], %parallel_loop3A_1524 : memref<24x768xf32, #tpu.memory_space<vmem>>[vector<16xi32>, vector<16xi32>], vector<16xf32>,
      %parallel_loop3A_1573 = arith.constant 642 : i32
      %parallel_loop3A_1574 = vector.broadcast %parallel_loop3A_1573 : i32 to vector<16xi32>
      %parallel_loop3A_1575 = arith.addi %mul3A_5, %parallel_loop3A_1574 : vector<16xi32>
      tpu.vector_store_idx %arg7[%parallel_loop3A_258, %parallel_loop3A_1575], %parallel_loop3A_1527 : memref<24x768xf32, #tpu.memory_space<vmem>>[vector<16xi32>, vector<16xi32>], vector<16xf32>,
      %parallel_loop3A_1576 = arith.constant 643 : i32
      %parallel_loop3A_1577 = vector.broadcast %parallel_loop3A_1576 : i32 to vector<16xi32>
      %parallel_loop3A_1578 = arith.addi %mul3A_5, %parallel_loop3A_1577 : vector<16xi32>
      tpu.vector_store_idx %arg7[%parallel_loop3A_258, %parallel_loop3A_1578], %parallel_loop3A_1530 : memref<24x768xf32, #tpu.memory_space<vmem>>[vector<16xi32>, vector<16xi32>], vector<16xf32>,
      %parallel_loop3A_1579 = arith.constant 644 : i32
      %parallel_loop3A_1580 = vector.broadcast %parallel_loop3A_1579 : i32 to vector<16xi32>
      %parallel_loop3A_1581 = arith.addi %mul3A_5, %parallel_loop3A_1580 : vector<16xi32>
      tpu.vector_store_idx %arg7[%parallel_loop3A_258, %parallel_loop3A_1581], %parallel_loop3A_1533 : memref<24x768xf32, #tpu.memory_space<vmem>>[vector<16xi32>, vector<16xi32>], vector<16xf32>,
      %parallel_loop3A_1582 = arith.constant 645 : i32
      %parallel_loop3A_1583 = vector.broadcast %parallel_loop3A_1582 : i32 to vector<16xi32>
      %parallel_loop3A_1584 = arith.addi %mul3A_5, %parallel_loop3A_1583 : vector<16xi32>
      tpu.vector_store_idx %arg7[%parallel_loop3A_258, %parallel_loop3A_1584], %parallel_loop3A_1536 : memref<24x768xf32, #tpu.memory_space<vmem>>[vector<16xi32>, vector<16xi32>], vector<16xf32>,
      %parallel_loop3A_1585 = arith.constant 646 : i32
      %parallel_loop3A_1586 = vector.broadcast %parallel_loop3A_1585 : i32 to vector<16xi32>
      %parallel_loop3A_1587 = arith.addi %mul3A_5, %parallel_loop3A_1586 : vector<16xi32>
      tpu.vector_store_idx %arg7[%parallel_loop3A_258, %parallel_loop3A_1587], %parallel_loop3A_1539 : memref<24x768xf32, #tpu.memory_space<vmem>>[vector<16xi32>, vector<16xi32>], vector<16xf32>,
      %parallel_loop3A_1588 = arith.constant 647 : i32
      %parallel_loop3A_1589 = vector.broadcast %parallel_loop3A_1588 : i32 to vector<16xi32>
      %parallel_loop3A_1590 = arith.addi %mul3A_5, %parallel_loop3A_1589 : vector<16xi32>
      tpu.vector_store_idx %arg7[%parallel_loop3A_258, %parallel_loop3A_1590], %parallel_loop3A_1542 : memref<24x768xf32, #tpu.memory_space<vmem>>[vector<16xi32>, vector<16xi32>], vector<16xf32>,
    } {sc.loop_unroll_factor = 2 : i64, sc.parallel_access}
    "tpu.region"() ({
      %run_scoped3A = tpu.sem_alloc : memref<!tpu.dma_semaphore, #tpu.memory_space<semaphore_mem>>
      %dma_start3A = arith.constant 0 : i32
      %dma_start3A_8 = tpu.memref_slice %arg4[%mul3A_2, %dma_start3A] : memref<768x768xf32, #tpu.memory_space<hbm>> -> memref<24x768xf32, #tpu.memory_space<hbm>>
      %dma_start3A_9 = arith.constant 0 : i32
      %dma_start3A_10 = tpu.memref_slice %arg4[%mul3A_2, %dma_start3A_9] : memref<768x768xf32, #tpu.memory_space<hbm>> -> memref<24x768xf32, #tpu.memory_space<hbm>>
      tpu.enqueue_dma source(%arg7 : memref<24x768xf32, #tpu.memory_space<vmem>>) target(%dma_start3A_10 : memref<24x768xf32, #tpu.memory_space<hbm>>) target_semaphore(%run_scoped3A : memref<!tpu.dma_semaphore, #tpu.memory_space<semaphore_mem>>)
      %dma_wait3A = arith.constant 0 : i32
      %dma_wait3A_11 = tpu.memref_slice %arg4[%mul3A_2, %dma_wait3A] : memref<768x768xf32, #tpu.memory_space<hbm>> -> memref<24x768xf32, #tpu.memory_space<hbm>>
      %dma_wait3A_12 = arith.constant 0 : i32
      %dma_wait3A_13 = tpu.memref_slice %arg4[%mul3A_2, %dma_wait3A_12] : memref<768x768xf32, #tpu.memory_space<hbm>> -> memref<24x768xf32, #tpu.memory_space<hbm>>
      tpu.wait_dma2 semaphore(%run_scoped3A : memref<!tpu.dma_semaphore, #tpu.memory_space<semaphore_mem>>) src(%arg7 : memref<24x768xf32, #tpu.memory_space<vmem>>) dst(%dma_wait3A_13 : memref<24x768xf32, #tpu.memory_space<hbm>>)
      tpu.yield
    }) : () -> ()
    return
  }
}

module attributes {stable_mosaic.version = 14 : i64} {
  func.func @_tc_matmul_body(%arg0: memref<1x2048x768xf32, #tpu.memory_space<vmem>>, %arg1: memref<768x768xf32, #tpu.memory_space<vmem>>, %arg2: memref<1x768xf32, #tpu.memory_space<vmem>>, %arg3: memref<1x2048x768xf32, #tpu.memory_space<vmem>>) attributes {dimension_semantics = [], scalar_prefetch = 0 : i64, scratch_operands = 0 : i64, tpu.core_type = #tpu.core_type<tc>} {
    %get3A = arith.constant 0 : index
    %get3A_0 = arith.constant 0 : index
    %get3A_1 = arith.constant 0 : index
    %get3A_2 = vector.load %arg0[%get3A, %get3A_0, %get3A_1] : memref<1x2048x768xf32, #tpu.memory_space<vmem>>, vector<1x2048x768xf32>
    %get3A_3 = vector.shape_cast %get3A_2 : vector<1x2048x768xf32> to vector<2048x768xf32>
    %get3A_4 = arith.constant 0 : index
    %get3A_5 = arith.constant 0 : index
    %get3A_6 = vector.load %arg1[%get3A_4, %get3A_5] : memref<768x768xf32, #tpu.memory_space<vmem>>, vector<768x768xf32>
    %dot_general3A = arith.constant dense<0.000000e+00> : vector<2048x768xf32>
    %dot_general3A_7 = tpu.matmul %get3A_3, %get3A_6, %dot_general3A {dimension_numbers = #tpu.dot_dimension_numbers<[1], [1], [0], [0], [0, 0, 1, 0], [], []>, transpose_lhs_hint = false} : vector<2048x768xf32>, vector<768x768xf32>, vector<2048x768xf32> -> vector<2048x768xf32>
    %get3A_8 = arith.constant 0 : index
    %get3A_9 = arith.constant 0 : index
    %get3A_10 = vector.load %arg2[%get3A_8, %get3A_9] : memref<1x768xf32, #tpu.memory_space<vmem>>, vector<1x768xf32>
    %add3A = vector.broadcast %get3A_10 : vector<1x768xf32> to vector<2048x768xf32>
    %add3A_11 = arith.addf %dot_general3A_7, %add3A : vector<2048x768xf32>
    %swap3A = arith.constant 0 : index
    %swap3A_12 = arith.constant 0 : index
    %swap3A_13 = arith.constant 0 : index
    %swap3A_14 = vector.load %arg3[%swap3A, %swap3A_12, %swap3A_13] : memref<1x2048x768xf32, #tpu.memory_space<vmem>>, vector<1x2048x768xf32>
    %swap3A_15 = vector.shape_cast %swap3A_14 : vector<1x2048x768xf32> to vector<2048x768xf32>
    %swap3A_16 = vector.shape_cast %add3A_11 : vector<2048x768xf32> to vector<1x2048x768xf32>
    tpu.vector_store %arg3[%swap3A, %swap3A_12, %swap3A_13], %swap3A_16 {strides = array<i32>} : memref<1x2048x768xf32, #tpu.memory_space<vmem>>, vector<1x2048x768xf32>,
    return
  }
}

</mosaic_0001>

<sc_bundles>
// kernel: kernel.4.cloned.1.call-start
scs
__scs_entry_jumppad:
0x0: {  	(pc) =	sbr.rel $0x88, $3  }
0x1: {  	(tag) =	ssettag $0x0;
	lr =	simm.s32 $0x1  }
0x2: {  	[smem:$0x3F9D] =	sst lr;
	_ =	strace $0xD0000000  }
0x3: {  	_ = 	snop  }
0x4: {  	_ = 	snop  }
0x5: {  	_ = 	snop  }
0x6: {  	_ = 	snop  }
0x7: {  	_ = 	snop  }
__scs_overlays_trampoline_lowered:
0x8: {  	[smem:$0x3FAC] =	sst s0  }
0x9: {  	[smem:$0x3FAD] =	sst s1  }
0xa: {  	[smem:$0x3FAE] =	sst s2  }
0xb: {  	[smem:$0x3FAF] =	sst s3  }
0xc: {  	[smem:$0x3FB0] =	sst s4  }
0xd: {  	[smem:$0x3FB1] =	sst s5  }
0xe: {  	[smem:$0x3FB2] =	sst s6  }
0xf: {  	[smem:$0x3FB3] =	sst s7  }
0x10: {  	[smem:$0x3FB4] =	sst s8  }
0x11: {  	[smem:$0x3FB5] =	sst s9;
	s0 =	simm.s32 @!p0 $0x0  }
0x12: {  	s1 =	sld [smem:$0x3F9B];
	s0 =	simm.s32 @p0 $0x1  }
0x13: {  	[smem:$0x3FB6] =	sst s0;
	s0 =	simm.s32 @!p1 $0x0  }
0x14: {  	s2 =	sld [smem:$0x3F9A];
	s0 =	simm.s32 @p1 $0x1  }
0x15: {  	[smem:$0x3FB7] =	sst s0;
	s0 =	simm.s32 @!p2 $0x0  }
0x16: {  	s3 =	sld [smem:$0x3FDB];
	s0 =	simm.s32 @p2 $0x1  }
0x17: {  	s4 =	simm.s32 $0x1BF5;
	[smem:$0x3FB9] =	sst s0  }
0x18: {  	s0 =	sld [smem:$0x3F9C];
	_ =	swait.ge [sflag:s4], $0x0  }
0x19: {  	s7 =	sld [smem:$0x3F9D]  }
0x1a: {  	s8 =	sadd.s32 $0xFFFFE003, lr  }
0x1b: {  	s9 =	sadd.s32 $0xFFFFFEF7, lr;
	s5 =	simm.s32 $0xFFFFFFFF;
	p2 =	slt.u32 s8, $0xFFFFF086  }
0x1c: {  	p1 =	slt.u32 s9, $0xF7A;
	s5 =	simm.s32 @!p2 $0x0  }
0x1d: {  	s5 =	simm.s32 @p1 $0x1;
	p0 =	seq.s32 s7, s2  }
0x1e: {  	s7 =	smul.u32 @!p0 $0xF7A, s2;
	p2 =	seq.s32 @!p0 s5, $0x0  }
0x1f: {  	s9 =	smul.u32 $0xF7A, s1;
	s8 =	simm.s32 @!p0 $0x1BF5;
	p2 =	por !p2, p0  }
0x20: {  	[sflag:s8] =	ssyncset.s32 @!p0 $0xFFFFF086;
	s6 =	sadd.s32 @!p0 s3, s7;
	s7 =	simm.s32 @!p0 $0x108  }
0x21: {  	s3 =	sadd.s32 s3, s9;
	s6 =	sadd.s32 @!p0 $0x88, s6;
	s7 =	simm.s32 @p2 $0x1082  }
0x22: {  	[simem:s7], [sflag:s8] =	dma.local @!p0 [hbm:s6], $0xF7A  }
0x23: {  	s9 =	sor.u32 $0xD0000000, s2;
	s6 =	simm.s32 $0x108;
	_ =	swait.ge @!p0 [sflag:s8], $0x0  }
0x24: {  	s3 =	sadd.s32 $0x88, s3;
	s6 =	simm.s32 @!p1 $0x1082;
	[sflag:s4] =	ssyncset.s32 $0xFFFFF086  }
0x25: {  	[simem:s6], [sflag:s4] =	dma.local [hbm:s3], $0xF7A  }
0x26: {  	[smem:$0x3F9D] =	sst s1;
	(tag) =	ssettag s2;
	_ =	strace s9  }
0x27: {  	s1 =	sld [smem:$0x3FAD]  }
0x28: {  	s2 =	sld [smem:$0x3FAE]  }
0x29: {  	s4 =	sld [smem:$0x3FB0]  }
0x2a: {  	p0 =	seq.s32 s5, $0x0;
	s5 =	sld [smem:$0x3FB1]  }
0x2b: {  	s6 =	sld [smem:$0x3FB2]  }
0x2c: {  	s7 =	sld [smem:$0x3FB3]  }
0x2d: {  	s3 =	simm.s32 $0x108;
	s8 =	sld [smem:$0x3FB4]  }
0x2e: {  	s3 =	simm.s32 @!p0 $0x1082;
	s9 =	sld [smem:$0x3FB5]  }
0x2f: {  	lr =	sadd.s32 s0, s3;
	s0 =	sld [smem:$0x3FAC]  }
0x30: {  	s3 =	sld [smem:$0x3FAF]  }
0x31: {  	[smem:$0x3FB8] =	sst s10  }
0x32: {  	s10 =	sld [smem:$0x3FB6];
	_ =	sdelay $0x3  }
0x33: {  	p0 =	seq.s32 s10, $0x1;
	s10 =	sld [smem:$0x3FB8];
	_ =	sdelay $0x3  }
0x34: {  	[smem:$0x3FB8] =	sst s10  }
0x35: {  	s10 =	sld [smem:$0x3FB7];
	_ =	sdelay $0x3  }
0x36: {  	p1 =	seq.s32 s10, $0x1;
	s10 =	sld [smem:$0x3FB8];
	_ =	sdelay $0x3  }
0x37: {  	[smem:$0x3FB8] =	sst s10  }
0x38: {  	s10 =	sld [smem:$0x3FB9]  }
0x39: {  	_ = 	snop;
	(pc) =	sbr.ind lr, $3  }
0x3a: {  	_ = 	snop  }
0x3b: {  	_ = 	snop  }
0x3c: {  	p2 =	seq.s32 s10, $0x1;
	s10 =	sld [smem:$0x3FB8]  }
0x3d: {  	_ =	shalt  }
0x3e: {  	_ =	shalt  }
0x3f: {  	_ =	shalt  }
0x40: {  	_ =	shalt  }
0x41: {  	_ =	shalt  }
0x42: {  	_ =	shalt  }
0x43: {  	_ =	shalt  }
0x44: {  	_ =	shalt  }
0x45: {  	_ =	shalt  }
0x46: {  	_ =	shalt  }
0x47: {  	_ =	shalt  }
0x48: {  	_ =	shalt  }
0x49: {  	_ =	shalt  }
0x4a: {  	_ =	shalt  }
0x4b: {  	_ =	shalt  }
0x4c: {  	_ =	shalt  }
0x4d: {  	_ =	shalt  }
0x4e: {  	_ =	shalt  }
0x4f: {  	_ =	shalt  }
0x50: {  	_ =	shalt  }
0x51: {  	_ =	shalt  }
0x52: {  	_ =	shalt  }
0x53: {  	_ =	shalt  }
0x54: {  	_ =	shalt  }
0x55: {  	_ =	shalt  }
0x56: {  	_ =	shalt  }
0x57: {  	_ =	shalt  }
0x58: {  	_ =	shalt  }
0x59: {  	_ =	shalt  }
0x5a: {  	_ =	shalt  }
0x5b: {  	_ =	shalt  }
0x5c: {  	_ =	shalt  }
0x5d: {  	_ =	shalt  }
0x5e: {  	_ =	shalt  }
0x5f: {  	_ =	shalt  }
0x60: {  	_ =	shalt  }
0x61: {  	_ =	shalt  }
0x62: {  	_ =	shalt  }
0x63: {  	_ =	shalt  }
0x64: {  	_ =	shalt  }
0x65: {  	_ =	shalt  }
0x66: {  	_ =	shalt  }
0x67: {  	_ =	shalt  }
0x68: {  	_ =	shalt  }
0x69: {  	_ =	shalt  }
0x6a: {  	_ =	shalt  }
0x6b: {  	_ =	shalt  }
0x6c: {  	_ =	shalt  }
0x6d: {  	_ =	shalt  }
0x6e: {  	_ =	shalt  }
0x6f: {  	_ =	shalt  }
0x70: {  	_ =	shalt  }
0x71: {  	_ =	shalt  }
0x72: {  	_ =	shalt  }
0x73: {  	_ =	shalt  }
0x74: {  	_ =	shalt  }
0x75: {  	_ =	shalt  }
0x76: {  	_ =	shalt  }
0x77: {  	_ =	shalt  }
0x78: {  	_ =	shalt  }
0x79: {  	_ =	shalt  }
0x7a: {  	_ =	shalt  }
0x7b: {  	_ =	shalt  }
0x7c: {  	_ =	shalt  }
0x7d: {  	_ =	shalt  }
0x7e: {  	_ =	shalt  }
0x7f: {  	_ =	shalt  }
0x80: {  	_ =	shalt  }
0x81: {  	_ =	shalt  }
0x82: {  	_ =	shalt  }
0x83: {  	_ =	shalt  }
0x84: {  	_ =	shalt  }
0x85: {  	_ =	shalt  }
0x86: {  	_ =	shalt  }
0x87: {  	_ =	shalt  }
.Lfunc_end0:
.L_simem_size_0:
called_computation_lowered:
.L_overlay_start_0:
0x88: {  	s2 =	sld [smem:$0x3FD9]  }
0x89: {  	s3 =	sld [smem:$0x3FFE];
	_ =	sdelay $0x1  }
0x8a: {  	s1 =	srdreg.scid  }
0x8b: {  	s0 =	sand.u32 $0x1, s1  }
0x8c: {  	s17 =	sshll.u32 s0, $0xA;
	s2 =	sadd.s32 s3, s2  }
0x8d: {  	s2 =	sadd.s32 s2, s17  }
0x8e: {  	[smem:$0x3FC4] =	sst s2  }
0x8f: {  	_ = 	snop  }
0x90: {  	s2 =	sld [smem:$0x3FD0];
	(tm) =	ssettm $0x1  }
0x91: {  	s18 =	sld [smem:$0x3FFB];
	_ =	sdelay $0x3  }
0x92: {  	_ =	strace s18  }
0x93: {  	s3 =	sld [smem:$0x3FFC];
	_ =	sdelay $0x3  }
0x94: {  	_ =	strace s3  }
0x95: {  	s3 =	sld [smem:$0x3FFD];
	_ =	sdelay $0x3  }
0x96: {  	_ =	strace s3  }
0x97: {  	_ =	strace $0x8FFFFFFF  }
0x98: {  	s19 =	sld [smem:$0x3FDB];
	_ =	sdelay $0x1  }
0x99: {  	s4 =	simm.s32 $_scs_section_size  }
0x9a: {  	s5 =	simm.s32 $_size__tile_overlayer_lowered;
	s6 =	simm.s32 $_tile_overlayer_lowered  }
0x9b: {  	s22 =	simm.s32 $0x1BFF;
	s21 =	sshll.u32 s6, $0x1;
	s3 =	sadd.s32 s4, s19  }
0x9c: {  	s7 =	simm.s32 $0x0;
	s20 =	sshll.u32 s5, $0x1;
	s5 =	sadd.s32 s21, s3  }
0x9d: {  	[timem:s7], [sflag:s22] =	dma.local [hbm:s5], s20  }
0x9e: {  	_ =	swait.ge [sflag:s22], s20  }
0x9f: {  	s4 =	ssub.s32 $0x0, s20;
	[sflag:s22] =	ssyncset.done $0x0  }
0xa0: {  	[sflag:s22] =	ssyncadd.s32 s4;
	_ =	sdelay $0x1  }
0xa1: {  	s23 =	simm.s32 $0x1B8B  }
0xa2: {  	_ =	swait.ge [sflag:s23], $0x1  }
0xa3: {  	[sflag:s23] =	ssyncset.done $0x0  }
0xa4: {  	s25 =	simm.s32 $0x1B8E;
	s24 =	sld [smem:$0x3FFE];
	[sflag:s23] =	ssyncadd.s32 $0xFFFFFFFF  }
0xa5: {  	s26 =	simm.s32 $execute0_lowered;
	[smem:$0x3FD2] =	sst s25  }
0xa6: {  	s5 =	sshll.u32 s26, $0x1;
	_ =	strace $0x80000046;
	[dreg:$0x1] =	wrdreg $0xFFFFFFFF  }
0xa7: {  	s28 =	simm.s32 $_size_execute0_lowered;
	s3 =	sadd.s32 s3, s5;
	[dreg:$0x0] =	wrdreg $0x0  }
0xa8: {  	s5 =	sshll.u32 s28, $0x1;
	[dreg:$0x2] =	wrdreg s3  }
0xa9: {  	[dreg:$0x3] =	wrdreg s5  }
0xaa: {  	[dreg:$0x4] =	wrdreg $0xC0  }
0xab: {  	_ =	task [dreg:s7], $0x5FFFF  }
0xac: {  	[dreg:$0x1] =	wrdreg $0xFFFFFFFF  }
0xad: {  	[dreg:$0x0] =	wrdreg $0x60  }
0xae: {  	[dreg:$0x2] =	wrdreg s2  }
0xaf: {  	[dreg:$0x3] =	wrdreg s24  }
0xb0: {  	[dreg:$0x4] =	wrdreg $0x9  }
0xb1: {  	_ =	task.clear_ibuf [dreg:s7], $0x5FFFF;
	_ =	strace $0x90000046  }
0xb2: {  	s29 =	simm.s32 $0x9;
	_ =	strace $0x80000048  }
0xb3: {  	_ =	swait.ge [sflag:s29], $0x1  }
0xb4: {  	[sflag:s29] =	ssyncadd.s32 $0xFFFFFFFF  }
0xb5: {  	_ =	strace $0x90000048  }
0xb6: {  	_ =	sfence  }
0xb7: {  	s30 =	sld [smem:$0x0];
	_ =	sdelay $0x2  }
0xb8: {  	s31 =	sshll.u32 s1, $0xD;
	s1 =	sshrl.u32 s1, $0x2  }
0xb9: {  	s3 =	sand.u32 $0x4000, s31;
	s1 =	sadd.s32 s1, s30  }
0xba: {  	s0 =	sor.u32 s3, s0;
	s1 =	sshll.u32 s1, $0x11  }
0xbb: {  	s0 =	sor.u32 s1, s0  }
0xbc: {  	s0 =	sadd.s32 $0x8F2B, s0  }
0xbd: {  	[sflag:s0] =	ssyncadd.remote.s32 $0x1  }
0xbe: {  	_ =	sfence.sel $0xFFFF  }
0xbf: {  	[dreg:$0x0] =	wrdreg $0xFFFFFFFF;
	(pc) =	sbr.abs _section_cstart, $3  }
0xc0: {  	[dreg:$0x1] =	wrdreg $0xFFFFFFFF  }
0xc1: {  	_ =	task.clear_ibuf [dreg:s7], $0x2FFFF;
	_ =	strace $0x9FFFFFFF  }
0xc2: {  	(tm) =	ssettm $0x7FFFFFFF  }
0xc3: {  	_ =	shalt  }
tec
execute0_lowered:
.L_overlay_start_1:
0x0: {  	(tag) =	ssettag $0x1  }
0x1: {  	v0 =	vlaneseq.u32  }
0x2: {  	s4 =	rddreg [dreg:$0x0];
	v29 =	vmul.u32 $0x8, v0  }
0x3: {  	s5 =	rddreg [dreg:$0x1];
	s2 =	simm.s32 $0x0  }
0x4: {  	s1 =	srdreg.scid;
	[smem:$0x7FF] =	sst s2;
	v0 =	vor.u32 $0x803, v29  }
0x5: {  	s3 =	sand.u32 $0x1, s1;
	s1 =	rddreg [dreg:$0x2];
	_ =	strace $0x80000047;
	v13 =	vor.u32 $0x804, v29;
	[tilespmem:$0x1FE30] =	vst v0  }
0x6: {  	v15 =	vor.u32 $0x805, v29;
	[tilespmem:$0x1FE40] =	vst v13  }
0x7: {  	v16 =	vor.u32 $0x806, v29;
	[tilespmem:$0x1FE50] =	vst v15  }
0x8: {  	v17 =	vor.u32 $0x807, v29;
	[tilespmem:$0x1FE60] =	vst v16  }
0x9: {  	v18 =	vor.u32 $0xC00, v29;
	[tilespmem:$0x1FE70] =	vst v17  }
0xa: {  	v19 =	vor.u32 $0xC01, v29;
	[tilespmem:$0x1FE80] =	vst v18  }
0xb: {  	v20 =	vor.u32 $0xC02, v29;
	[tilespmem:$0x1FE90] =	vst v19  }
0xc: {  	vm0 =	vcmask $0x3F30;
	v21 =	vor.u32 $0xC03, v29;
	[tilespmem:$0x1FEA0] =	vst v20  }
0xd: {  	vm1 =	vcmask $0x1F10;
	vm2 =	vcmask $0x1F18;
	v22 =	vor.u32 $0xC04, v29;
	[tilespmem:$0x1FEB0] =	vst v21  }
0xe: {  	vm3 =	vcmask $0xF08;
	vm4 =	vcmask $0x704;
	v23 =	vor.u32 $0xC05, v29;
	[tilespmem:$0x1FEC0] =	vst v22  }
0xf: {  	vm0 =	vmor vm1, vm0;
	vm1 =	vmor vm3, vm2;
	v24 =	vor.u32 $0xC06, v29;
	[tilespmem:$0x1FED0] =	vst v23  }
0x10: {  	vm2 =	vcmask $0x2F28;
	vm3 =	vcmask $0xF0C;
	v26 =	vor.u32 $0xC07, v29;
	[tilespmem:$0x1FEE0] =	vst v24  }
0x11: {  	vm1 =	vmor vm1, vm2;
	vm2 =	vmor vm4, vm3;
	v27 =	vor.u32 $0x1000, v29;
	[tilespmem:$0x1FEF0] =	vst v26  }
0x12: {  	vm3 =	vcmask $0x1714;
	vm4 =	vcmask $0x3F38;
	v28 =	vor.u32 $0x1001, v29;
	[tilespmem:$0x1FF00] =	vst v27  }
0x13: {  	vm2 =	vmor vm2, vm3;
	vm3 =	vcmask $0x1F1C;
	v48 =	vor.u32 $0x1002, v29;
	[tilespmem:$0x1FF10] =	vst v28  }
0x14: {  	vm1 =	vmor vm1, vm4;
	vm4 =	vcmask $0x3734;
	v50 =	vor.u32 $0x1003, v29;
	[tilespmem:$0x1FF20] =	vst v48  }
0x15: {  	v30 =	vor.u32 $0x1, v29;
	v31 =	vor.u32 $0x2, v29;
	v51 =	vor.u32 $0x1004, v29;
	[tilespmem:$0x1FF30] =	vst v50  }
0x16: {  	v32 =	vor.u32 $0x3, v29;
	v33 =	vor.u32 $0x4, v29;
	v52 =	vor.u32 $0x1005, v29;
	[tilespmem:$0x1FF40] =	vst v51  }
0x17: {  	v34 =	vor.u32 $0x5, v29;
	v35 =	vor.u32 $0x6, v29;
	v53 =	vor.u32 $0x1006, v29;
	[tilespmem:$0x1FF50] =	vst v52  }
0x18: {  	v36 =	vor.u32 $0x7, v29;
	v37 =	vor.u32 $0x400, v29;
	v25 =	vor.u32 $0x1007, v29;
	[tilespmem:$0x1FF60] =	vst v53  }
0x19: {  	s0 =	stileid.u32;
	v38 =	vor.u32 $0x401, v29;
	v39 =	vor.u32 $0x402, v29;
	v14 =	vor.u32 $0x1400, v29;
	[tilespmem:$0x1FF70] =	vst v25  }
0x1a: {  	s30 =	sshll.u32 s0, $0x1;
	v40 =	vor.u32 $0x403, v29;
	v41 =	vor.u32 $0x404, v29;
	v54 =	vor.u32 $0x1401, v29;
	[tilespmem:$0x1FF80] =	vst v14  }
0x1b: {  	s9 =	simm.s32 $0xC00;
	s6 =	sor.u32 s3, s30;
	v42 =	vor.u32 $0x405, v29;
	v43 =	vor.u32 $0x406, v29;
	v55 =	vor.u32 $0x1402, v29;
	[tilespmem:$0x1FF90] =	vst v54  }
0x1c: {  	s10 =	simm.s32 $0x18000;
	v44 =	vor.u32 $0x407, v29;
	v45 =	vor.u32 $0x800, v29;
	s7 =	smul.u32 $0x180, s6;
	v10 =	vor.u32 $0x1403, v29;
	[tilespmem:$0x1FFA0] =	vst v55  }
0x1d: {  	s11 =	simm.s32 $0xB400;
	s3 =	ssub.s32 $0x2, s3;
	s6 =	smul.u32 $0x900, s6;
	v11 =	vor.u32 $0x1404, v29;
	vm2 =	vmor vm2, vm3;
	vm3 =	vcmask $0x2724;
	[tilespmem:$0x1FFB0] =	vst v10  }
0x1e: {  	s12 =	simm.s32 $0x6C00;
	s13 =	simm.s32 $0x0;
	s31 =	sshrl.u32 s3, $0x1;
	v12 =	vor.u32 $0x1405, v29;
	[tilespmem:$0x1FFC0] =	vst v11;
	vm2 =	vmor vm2, vm3;
	vm3 =	vcmask $0x2F2C  }
0x1f: {  	v46 =	vor.u32 $0x801, v29;
	v56 =	vor.u32 $0x1406, v29;
	[tilespmem:$0x1FFD0] =	vst v12;
	s8 =	sadd.s32 s7, s5;
	s5 =	sadd.s32 s6, s5;
	s6 =	ssub.s32 s3, s31;
	vm3 =	vmor vm2, vm3  }
0x20: {  	v57 =	vor.u32 $0x1407, v29;
	[tilespmem:$0x1FFE0] =	vst v56;
	s4 =	sadd.s32 s4, s7;
	s7 =	simm.s32 $0x6000;
	s3 =	sadd.s32 $0x1000, s8;
	vm3 =	vmor vm3, vm4;
	vm4 =	vcmask $0x3F3C  }
0x21: {  	v47 =	vor.u32 $0x802, v29;
	[tilespmem:$0x1FFF0] =	vst v57;
	vm2 =	vcmask $0x3F20;
	s5 =	sadd.s32 $0x4000, s5;
	s6 =	smax.u32 s6, $0x1;
	s8 =	simm.s32 $0x1;
	vm3 =	vmor vm3, vm4  }
.LBB2_1:
0x22: {  	[tilespmem:s7], [sflag:$0x1] =	stream.linear.gather [hbm4b:s3+s2], $0xC00, $0x38;
	[tilespmem:$0xCC00] =	vst v63  }
0x23: {  	_ =	swait.ge [sflag:s8], $0xC00  }
0x24: {  	[sflag:s8] =	ssyncset.done $0x0  }
0x25: {  	[sflag:s8] =	ssyncadd.s32 $0xFFFFF400  }
0x26: {  	[tilespmem:s2], [sflag:$0x1] =	stream.strided.gather [hbm4b:s4+s9], $0x6000, s10, s9, $0x38;
	[tilespmem:$0xCC00] =	vst v63  }
0x27: {  	_ =	swait.ge [sflag:s8], $0x6000  }
0x28: {  	s14 =	simm.s32 $0xB500;
	s15 =	simm.s32 $0x0;
	[sflag:s8] =	ssyncset.done $0x0  }
0x29: {  	s16 =	simm.s32 $0x0;
	s17 =	simm.s32 $0x0;
	[sflag:s8] =	ssyncadd.s32 $0xFFFFA000  }
.LBB2_2:
0x2a: {  	s18 =	sshra.s32 s16, $0x2  }
0x2b: {  	v1 =	vld [tilespmem:s18+$0x6000];
	_ =	sdelay $0x4  }
0x2c: {  	v48 =	vbroadcast v1, $0x0  }
0x2d: {  	v52 =	vbroadcast v1, $0x4  }
0x2e: {  	v49 =	vbroadcast v1, $0x1;
	v54 =	vbroadcast v1, $0x5;
	v53 =	vsub.f32 $0.0e+00, v48  }
0x2f: {  	v50 =	vbroadcast v1, $0x2;
	v55 =	vbroadcast v1, $0x6;
	v56 =	vsub.f32 $0.0e+00, v52  }
0x30: {  	v14 =	vsub.f32 $0.0e+00, v49;
	v57 =	vsub.f32 $0.0e+00, v54;
	v48 =	vsel vm2, v48, v53  }
0x31: {  	v51 =	vbroadcast v1, $0x3;
	v58 =	vsub.f32 $0.0e+00, v50;
	v48 =	vadd.f32 $0.0e+00, v48  }
0x32: {  	v59 =	vsub.f32 $0.0e+00, v55;
	v52 =	vsel vm2, v52, v56;
	v49 =	vsel vm0, v49, v14  }
0x33: {  	v1 =	vbroadcast v1, $0x7;
	v52 =	vadd.f32 $0.0e+00, v52;
	v48 =	vadd.f32 v48, v49  }
0x34: {  	v60 =	vsub.f32 $0.0e+00, v51;
	v54 =	vsel vm0, v54, v57;
	v50 =	vsel vm1, v50, v58  }
0x35: {  	v52 =	vadd.f32 v52, v54;
	v48 =	vadd.f32 v48, v50  }
0x36: {  	v61 =	vsub.f32 $0.0e+00, v1;
	v51 =	vsel vm3, v51, v60;
	v49 =	vsel vm1, v55, v59  }
0x37: {  	v49 =	vadd.f32 v52, v49;
	v48 =	vadd.f32 v48, v51  }
0x38: {  	v1 =	vsel vm3, v1, v61  }
0x39: {  	v1 =	vadd.f32 v49, v1;
	v62 =	vbroadcast v48, $0x0  }
0x3a: {  	v63 =	vbroadcast v48, $0x1  }
0x3b: {  	v51 =	vbroadcast v48, $0x2;
	v49 =	vadd.f32 v62, v1  }
0x3c: {  	v4 =	vbroadcast v48, $0x3;
	v50 =	vadd.f32 v63, v1  }
0x3d: {  	v6 =	vbroadcast v48, $0x4;
	v5 =	vadd.f32 v51, v1;
	[tilespmem:s14+$0xFFFFFF00] =	vst v49  }
0x3e: {  	v8 =	vbroadcast v48, $0x5;
	v7 =	vadd.f32 v4, v1;
	[tilespmem:s14+$0xFFFFFF10] =	vst v50  }
0x3f: {  	v10 =	vbroadcast v48, $0x6;
	v9 =	vadd.f32 v6, v1;
	[tilespmem:s14+$0xFFFFFF20] =	vst v5  }
0x40: {  	v12 =	vbroadcast v48, $0x7;
	v11 =	vadd.f32 v8, v1;
	[tilespmem:s14+$0xFFFFFF30] =	vst v7  }
0x41: {  	v14 =	vbroadcast v48, $0x8;
	v13 =	vadd.f32 v10, v1;
	[tilespmem:s14+$0xFFFFFF40] =	vst v9  }
0x42: {  	v57 =	vbroadcast v48, $0x9;
	v56 =	vadd.f32 v12, v1;
	[tilespmem:s14+$0xFFFFFF50] =	vst v11  }
0x43: {  	v59 =	vbroadcast v48, $0xA;
	v58 =	vadd.f32 v14, v1;
	[tilespmem:s14+$0xFFFFFF60] =	vst v13  }
0x44: {  	v61 =	vbroadcast v48, $0xB;
	v60 =	vadd.f32 v57, v1;
	[tilespmem:s14+$0xFFFFFF70] =	vst v56  }
0x45: {  	v62 =	vadd.f32 v59, v1;
	v63 =	vbroadcast v48, $0xC;
	[tilespmem:s14+$0xFFFFFF80] =	vst v58  }
0x46: {  	v4 =	vadd.f32 v61, v1;
	[tilespmem:s14+$0xFFFFFF90] =	vst v60;
	v5 =	vbroadcast v48, $0xD  }
0x47: {  	[tilespmem:s14+$0xFFFFFFA0] =	vst v62;
	v6 =	vadd.f32 v63, v1;
	v7 =	vbroadcast v48, $0xE  }
0x48: {  	[tilespmem:s14+$0xFFFFFFB0] =	vst v4;
	v48 =	vbroadcast v48, $0xF;
	v8 =	vadd.f32 v5, v1  }
0x49: {  	[tilespmem:s14+$0xFFFFFFC0] =	vst v6;
	v9 =	vadd.f32 v7, v1  }
0x4a: {  	v1 =	vadd.f32 v48, v1;
	[tilespmem:s14+$0xFFFFFFD0] =	vst v8  }
0x4b: {  	[tilespmem:s14+$0xFFFFFFE0] =	vst v9  }
0x4c: {  	[tilespmem:s14+$0xFFFFFFF0] =	vst v1  }
0x4d: {  	v1 =	vld [tilespmem:s18+$0x0]  }
0x4e: {  	v10 =	vld [tilespmem:s18+$0xC00]  }
0x4f: {  	v49 =	vld [tilespmem:s18+$0x1800]  }
0x50: {  	v50 =	vld [tilespmem:s18+$0x3000]  }
0x51: {  	v11 =	vld [tilespmem:s18+$0x3C00]  }
0x52: {  	v12 =	vld [tilespmem:s18+$0x4800]  }
0x53: {  	v13 =	vld [tilespmem:s18+$0x2400]  }
0x54: {  	v14 =	vld [tilespmem:s18+$0x5400]  }
0x55: {  	v4 =	vld [tilespmem:s18+$0x10]  }
0x56: {  	v5 =	vld [tilespmem:s18+$0xC10]  }
0x57: {  	v1 =	vshll.u32 v1, $0x18;
	v48 =	vshll.u32 v10, $0x10  }
0x58: {  	v57 =	vshll.u32 v49, $0x8;
	v58 =	vshll.u32 v50, $0x18;
	v59 =	vshll.u32 v11, $0x10;
	v11 =	vld [tilespmem:s18+$0x1810]  }
0x59: {  	v6 =	vld [tilespmem:s18+$0x3010];
	v61 =	vshll.u32 v12, $0x8;
	v1 =	vor.u32 v1, v48;
	v60 =	vor.u32 v58, v59  }
0x5a: {  	v51 =	vshll.u32 v4, $0x18;
	v59 =	vld [tilespmem:s18+$0x2410];
	v1 =	vor.u32 v57, v1;
	v48 =	vor.u32 v61, v60  }
0x5b: {  	v9 =	vld [tilespmem:s18+$0x4810];
	v52 =	vshll.u32 v5, $0x10;
	v1 =	vor.u32 v13, v1;
	v48 =	vor.u32 v14, v48  }
0x5c: {  	v7 =	vld [tilespmem:s18+$0x3C10];
	v51 =	vor.u32 v51, v52;
	v62 =	vshrl.u32 v1, $0x7;
	v63 =	vshrl.u32 v48, $0x7  }
0x5d: {  	v49 =	vxor.u32 v1, v62;
	v50 =	vxor.u32 v48, v63;
	v14 =	vshll.u32 v11, $0x8  }
0x5e: {  	v49 =	vand.u32 $0xAA00AA, v49;
	v50 =	vand.u32 $0xAA00AA, v50;
	v51 =	vor.u32 v14, v51  }
0x5f: {  	v49 =	vmul.u32 $0x81, v49;
	v50 =	vmul.u32 $0x81, v50;
	v60 =	vor.u32 v59, v51  }
0x60: {  	v12 =	vld [tilespmem:s18+$0x5410];
	v53 =	vshll.u32 v6, $0x18;
	v13 =	vshll.u32 v9, $0x8;
	v62 =	vshrl.u32 v60, $0x7  }
0x61: {  	v1 =	vxor.u32 v1, v49;
	v48 =	vxor.u32 v48, v50;
	v49 =	vshll.u32 v7, $0x10  }
0x62: {  	v52 =	vxor.u32 v60, v62;
	v8 =	vshrl.u32 v1, $0xE;
	v10 =	vshrl.u32 v48, $0xE  }
0x63: {  	v49 =	vor.u32 v53, v49;
	v52 =	vand.u32 $0xAA00AA, v52;
	v50 =	vxor.u32 v1, v8  }
0x64: {  	v55 =	vxor.u32 v48, v10;
	v49 =	vor.u32 v13, v49;
	v50 =	vand.u32 $0xCCCC, v50  }
0x65: {  	v55 =	vand.u32 $0xCCCC, v55;
	v49 =	vor.u32 v12, v49;
	v50 =	vmul.u32 $0x4001, v50  }
0x66: {  	v52 =	vmul.u32 $0x81, v52;
	v56 =	vmul.u32 $0x4001, v55;
	v61 =	vshrl.u32 v49, $0x7  }
0x67: {  	v58 =	vmov s17;
	v51 =	vxor.u32 v49, v61;
	v1 =	vxor.u32 v1, v50  }
0x68: {  	v48 =	vxor.u32 v48, v56;
	v51 =	vand.u32 $0xAA00AA, v51;
	v50 =	vxor.u32 v60, v52  }
0x69: {  	v63 =	vand.u32 $0xF0F0F0F0, v1;
	v4 =	vshrl.u32 v48, $0x4;
	v51 =	vmul.u32 $0x81, v51  }
0x6a: {  	v5 =	vshll.u32 v1, $0x4;
	v48 =	vand.u32 $0xF0F0F0F, v48;
	v52 =	vshrl.u32 v50, $0xE  }
0x6b: {  	v1 =	vand.u32 $0x80, v1;
	v54 =	vand.u32 $0xF0F0F0F, v4;
	v6 =	vand.u32 $0xF0F0F0F0, v5  }
0x6c: {  	v52 =	vxor.u32 v50, v52;
	v55 =	vand.u32 $0x80, v5;
	v53 =	vor.u32 v63, v54  }
0x6d: {  	v49 =	vxor.u32 v49, v51;
	v48 =	vor.u32 v6, v48;
	v52 =	vand.u32 $0xCCCC, v52  }
0x6e: {  	v51 =	vshrl.u32 v49, $0xE;
	v7 =	vshrl.u32 v53, $0x18;
	v8 =	vshrl.u32 v53, $0x10  }
0x6f: {  	v9 =	vshrl.u32 v53, $0x8;
	v52 =	vmul.u32 $0x4001, v52;
	v10 =	vshrl.u32 v48, $0x18  }
0x70: {  	v60 =	vshrl.u32 v48, $0x10;
	v11 =	vshrl.u32 v48, $0x8;
	v53 =	vand.u32 $0x7F, v53  }
0x71: {  	v48 =	vand.u32 $0x7F, v48;
	v51 =	vxor.u32 v49, v51;
	v54 =	vor.u32 s15, v7  }
0x72: {  	v56 =	vand.u32 $0xFF, v8;
	v57 =	vand.u32 $0xFF, v9;
	v1 =	vor.u32 v53, v1  }
0x73: {  	v59 =	vor.u32 s15, v10;
	v60 =	vand.u32 $0xFF, v60;
	v48 =	vor.u32 v48, v55  }
0x74: {  	v10 =	vshrl.u32 v58, $0x3;
	v58 =	vshll.u32 v58, $0x7;
	v51 =	vand.u32 $0xCCCC, v51  }
0x75: {  	v50 =	vxor.u32 v50, v52;
	v56 =	vor.u32 s15, v56;
	v57 =	vor.u32 s15, v57  }
0x76: {  	v1 =	vor.u32 s15, v1;
	v60 =	vor.u32 s15, v60;
	v48 =	vor.u32 s15, v48  }
0x77: {  	v58 =	vand.u32 $0x300, v58;
	v51 =	vmul.u32 $0x4001, v51;
	v62 =	vshll.u32 v50, $0x4  }
0x78: {  	v61 =	vand.u32 $0xF0F0F0F0, v50;
	v50 =	vand.u32 $0x80, v50;
	v13 =	vand.u32 $0xF0F0F0F0, v62  }
0x79: {  	v62 =	vand.u32 $0x80, v62;
	v49 =	vxor.u32 v49, v51;
	v51 =	vand.u32 $0xFF, v11  }
0x7a: {  	v12 =	vshrl.u32 v49, $0x4;
	v49 =	vand.u32 $0xF0F0F0F, v49;
	v54 =	vld.idx.msk [tilespmem:v54+s11+$0x0], $0xffff;
	v51 =	vor.u32 s15, v51  }
0x7b: {  	v52 =	vand.u32 $0xF0F0F0F, v12;
	v49 =	vor.u32 v13, v49;
	v9 =	vld.idx.msk [tilespmem:v48+s11+$0x0], $0xffff;
	v48 =	vmul.u32 $0x1800, v10  }
0x7c: {  	v59 =	vld.idx.msk [tilespmem:v59+s11+$0x0], $0xffff;
	v52 =	vor.u32 v61, v52;
	v7 =	vshrl.u32 v49, $0x18;
	v2 =	vshrl.u32 v49, $0x10  }
0x7d: {  	v56 =	vld.idx.msk [tilespmem:v56+s11+$0x0], $0xffff;
	v3 =	vshrl.u32 v49, $0x8;
	v14 =	vshrl.u32 v52, $0x18;
	v8 =	vor.u32 s15, v7  }
0x7e: {  	v57 =	vld.idx.msk [tilespmem:v57+s11+$0x0], $0xffff;
	v49 =	vand.u32 $0x7F, v49;
	v2 =	vand.u32 $0xFF, v2;
	v53 =	vor.u32 s15, v14  }
0x7f: {  	v1 =	vld.idx.msk [tilespmem:v1+s11+$0x0], $0xffff;
	v6 =	vshrl.u32 v52, $0x10;
	v3 =	vand.u32 $0xFF, v3;
	v2 =	vor.u32 s15, v2  }
0x80: {  	v60 =	vld.idx.msk [tilespmem:v60+s11+$0x0], $0xffff;
	v63 =	vshrl.u32 v52, $0x8;
	v49 =	vor.u32 v49, v62;
	v3 =	vor.u32 s15, v3  }
0x81: {  	v52 =	vand.u32 $0x7F, v52;
	v61 =	vand.u32 $0xFF, v6;
	v49 =	vor.u32 s15, v49;
	v51 =	vld.idx.msk [tilespmem:v51+s11+$0x0], $0xffff  }
0x82: {  	v63 =	vand.u32 $0xFF, v63;
	v50 =	vor.u32 v52, v50;
	v61 =	vor.u32 s15, v61;
	v52 =	vld.idx.msk [tilespmem:v8+s11+$0x0], $0xffff  }
0x83: {  	v48 =	vor.u32 v58, v48;
	v63 =	vor.u32 s15, v63;
	v53 =	vld.idx.msk [tilespmem:v53+s11+$0x0], $0xffff  }
0x84: {  	v58 =	vor.u32 v29, v48;
	v50 =	vor.u32 s15, v50;
	v2 =	vld.idx.msk [tilespmem:v2+s11+$0x0], $0xffff  }
0x85: {  	v12 =	vor.u32 v30, v48;
	v3 =	vld.idx.msk [tilespmem:v3+s11+$0x0], $0xffff  }
0x86: {  	v4 =	vor.u32 v31, v48;
	v49 =	vld.idx.msk [tilespmem:v49+s11+$0x0], $0xffff  }
0x87: {  	v5 =	vor.u32 v32, v48;
	v61 =	vld.idx.msk [tilespmem:v61+s11+$0x0], $0xffff  }
0x88: {  	v6 =	vor.u32 v33, v48;
	v11 =	vld.idx.msk [tilespmem:v63+s11+$0x0], $0xffff  }
0x89: {  	v13 =	vor.u32 v34, v48;
	v50 =	vld.idx.msk [tilespmem:v50+s11+$0x0], $0xffff;
	[tilespmem:v58+s12+$0x0] =	vst.idx.msk $0xffff, v54  }
0x8a: {  	v14 =	vor.u32 v35, v48;
	[tilespmem:v12+s12+$0x0] =	vst.idx.msk $0xffff, v56  }
0x8b: {  	v58 =	vor.u32 v36, v48;
	[tilespmem:v4+s12+$0x0] =	vst.idx.msk $0xffff, v57  }
0x8c: {  	[tilespmem:v5+s12+$0x0] =	vst.idx.msk $0xffff, v1;
	v1 =	vor.u32 v37, v48  }
0x8d: {  	[tilespmem:v6+s12+$0x0] =	vst.idx.msk $0xffff, v59;
	v59 =	vor.u32 v38, v48  }
0x8e: {  	[tilespmem:v13+s12+$0x0] =	vst.idx.msk $0xffff, v60;
	v60 =	vor.u32 v39, v48  }
0x8f: {  	v63 =	vor.u32 v40, v48;
	[tilespmem:v14+s12+$0x0] =	vst.idx.msk $0xffff, v51  }
0x90: {  	[tilespmem:v58+s12+$0x0] =	vst.idx.msk $0xffff, v9;
	v9 =	vor.u32 v41, v48  }
0x91: {  	[tilespmem:v1+s12+$0x0] =	vst.idx.msk $0xffff, v53;
	v1 =	vor.u32 v42, v48  }
0x92: {  	v10 =	vor.u32 v43, v48;
	[tilespmem:v59+s12+$0x0] =	vst.idx.msk $0xffff, v61  }
0x93: {  	[tilespmem:v60+s12+$0x0] =	vst.idx.msk $0xffff, v11;
	v11 =	vor.u32 v44, v48  }
0x94: {  	[tilespmem:v63+s12+$0x0] =	vst.idx.msk $0xffff, v50  }
0x95: {  	[tilespmem:v9+s12+$0x0] =	vst.idx.msk $0xffff, v52  }
0x96: {  	[tilespmem:v1+s12+$0x0] =	vst.idx.msk $0xffff, v2  }
0x97: {  	[tilespmem:v10+s12+$0x0] =	vst.idx.msk $0xffff, v3  }
0x98: {  	[tilespmem:v11+s12+$0x0] =	vst.idx.msk $0xffff, v49  }
0x99: {  	v1 =	vld [tilespmem:s18+$0x20]  }
0x9a: {  	v2 =	vld [tilespmem:s18+$0xC20]  }
0x9b: {  	v3 =	vld [tilespmem:s18+$0x3020]  }
0x9c: {  	v4 =	vld [tilespmem:s18+$0x3C20]  }
0x9d: {  	v5 =	vld [tilespmem:s18+$0x4820]  }
0x9e: {  	v6 =	vld [tilespmem:s18+$0x1820]  }
0x9f: {  	v49 =	vld [tilespmem:s18+$0x5420]  }
0xa0: {  	v50 =	vld [tilespmem:s18+$0x2420]  }
0xa1: {  	v1 =	vshll.u32 v1, $0x18;
	v3 =	vshll.u32 v3, $0x18;
	v4 =	vshll.u32 v4, $0x10  }
0xa2: {  	v2 =	vshll.u32 v2, $0x10;
	v12 =	vshll.u32 v5, $0x8;
	v3 =	vor.u32 v3, v4  }
0xa3: {  	v1 =	vor.u32 v1, v2;
	v2 =	vshll.u32 v6, $0x8;
	v3 =	vor.u32 v12, v3  }
0xa4: {  	v1 =	vor.u32 v2, v1;
	v2 =	vor.u32 v49, v3  }
0xa5: {  	v52 =	vld [tilespmem:s18+$0x3C30];
	v1 =	vor.u32 v50, v1;
	v3 =	vshrl.u32 v2, $0x7  }
0xa6: {  	v13 =	vshrl.u32 v1, $0x7;
	v3 =	vxor.u32 v2, v3  }
0xa7: {  	v14 =	vld [tilespmem:s18+$0x30];
	v4 =	vxor.u32 v1, v13;
	v3 =	vand.u32 $0xAA00AA, v3  }
0xa8: {  	v56 =	vld [tilespmem:s18+$0x1830];
	v4 =	vand.u32 $0xAA00AA, v4;
	v3 =	vmul.u32 $0x81, v3  }
0xa9: {  	v51 =	vld [tilespmem:s18+$0x3030];
	v4 =	vmul.u32 $0x81, v4  }
0xaa: {  	v11 =	vshll.u32 v52, $0x10;
	v52 =	vld [tilespmem:s18+$0x6080];
	v2 =	vxor.u32 v2, v3  }
0xab: {  	v3 =	vld [tilespmem:s18+$0xC30];
	v1 =	vxor.u32 v1, v4;
	v55 =	vshrl.u32 v2, $0xE  }
0xac: {  	v59 =	vld [tilespmem:s18+$0x4830];
	v5 =	vshll.u32 v14, $0x18;
	v57 =	vshrl.u32 v1, $0xE;
	v4 =	vxor.u32 v2, v55  }
0xad: {  	v60 =	vshll.u32 v56, $0x8;
	v49 =	vxor.u32 v1, v57;
	v4 =	vand.u32 $0xCCCC, v4  }
0xae: {  	v58 =	vld [tilespmem:s18+$0x2430];
	v10 =	vshll.u32 v51, $0x18;
	v49 =	vand.u32 $0xCCCC, v49;
	v4 =	vmul.u32 $0x4001, v4  }
0xaf: {  	v50 =	vor.u32 v10, v11;
	v14 =	vbroadcast v52, $0x0;
	v49 =	vmul.u32 $0x4001, v49  }
0xb0: {  	v7 =	vbroadcast v52, $0x6;
	v3 =	vshll.u32 v3, $0x10;
	v2 =	vxor.u32 v2, v4  }
0xb1: {  	v3 =	vor.u32 v5, v3;
	v1 =	vxor.u32 v1, v49;
	v4 =	vshll.u32 v59, $0x8  }
0xb2: {  	v59 =	vbroadcast v52, $0x2;
	v61 =	vshrl.u32 v2, $0x4;
	v3 =	vor.u32 v60, v3  }
0xb3: {  	v63 =	vld [tilespmem:s18+$0x5430];
	v62 =	vand.u32 $0xF0F0F0F0, v1;
	v51 =	vshll.u32 v1, $0x4;
	v3 =	vor.u32 v58, v3  }
0xb4: {  	v4 =	vor.u32 v4, v50;
	v6 =	vand.u32 $0xF0F0F0F, v61;
	v9 =	vshrl.u32 v3, $0x7  }
0xb5: {  	v2 =	vand.u32 $0xF0F0F0F, v2;
	v5 =	vor.u32 v62, v6;
	v6 =	vxor.u32 v3, v9  }
0xb6: {  	v1 =	vand.u32 $0x80, v1;
	v61 =	vbroadcast v52, $0x4;
	v6 =	vand.u32 $0xAA00AA, v6  }
0xb7: {  	v60 =	vbroadcast v52, $0x3;
	v12 =	vand.u32 $0xF0F0F0F0, v51;
	v6 =	vmul.u32 $0x81, v6  }
0xb8: {  	v4 =	vor.u32 v63, v4;
	v58 =	vbroadcast v52, $0x1;
	v8 =	vsub.f32 $0.0e+00, v61  }
0xb9: {  	v49 =	vor.u32 v12, v2;
	v12 =	vsub.f32 $0.0e+00, v14;
	v2 =	vxor.u32 v3, v6  }
0xba: {  	v53 =	vshrl.u32 v5, $0x10;
	v8 =	vsel vm2, v61, v8;
	v13 =	vshrl.u32 v2, $0xE  }
0xbb: {  	v8 =	vadd.f32 $0.0e+00, v8;
	v3 =	vshrl.u32 v4, $0x7;
	v50 =	vxor.u32 v2, v13  }
0xbc: {  	v6 =	vshrl.u32 v5, $0x18;
	v3 =	vxor.u32 v4, v3;
	v50 =	vand.u32 $0xCCCC, v50  }
0xbd: {  	v6 =	vor.u32 s15, v6;
	v3 =	vand.u32 $0xAA00AA, v3;
	v50 =	vmul.u32 $0x4001, v50  }
0xbe: {  	v13 =	vbroadcast v52, $0x5;
	v52 =	vbroadcast v52, $0x7;
	v3 =	vmul.u32 $0x81, v3  }
0xbf: {  	v2 =	vxor.u32 v2, v50;
	v50 =	vsel vm2, v14, v12;
	v14 =	vsub.f32 $0.0e+00, v58  }
0xc0: {  	v9 =	vsub.f32 $0.0e+00, v13;
	v3 =	vxor.u32 v4, v3;
	v50 =	vadd.f32 $0.0e+00, v50  }
0xc1: {  	v4 =	vshrl.u32 v3, $0xE;
	v12 =	vsub.f32 $0.0e+00, v59;
	v58 =	vsel vm0, v58, v14  }
0xc2: {  	v9 =	vsel vm0, v13, v9;
	v13 =	vsub.f32 $0.0e+00, v7;
	v50 =	vadd.f32 v50, v58  }
0xc3: {  	v4 =	vxor.u32 v3, v4;
	v59 =	vsel vm1, v59, v12;
	v14 =	vsub.f32 $0.0e+00, v60  }
0xc4: {  	v8 =	vadd.f32 v8, v9;
	v4 =	vand.u32 $0xCCCC, v4;
	v12 =	vadd.f32 v50, v59  }
0xc5: {  	v7 =	vsel vm1, v7, v13;
	v13 =	vsub.f32 $0.0e+00, v52;
	v14 =	vsel vm3, v60, v14  }
0xc6: {  	v6 =	vld.idx.msk [tilespmem:v6+s11+$0x0], $0xffff;
	v4 =	vmul.u32 $0x4001, v4;
	v59 =	vadd.f32 v8, v7;
	v7 =	vadd.f32 v12, v14  }
0xc7: {  	v54 =	vshrl.u32 v5, $0x8;
	v55 =	vshrl.u32 v49, $0x18;
	v50 =	vsel vm3, v52, v13  }
0xc8: {  	v3 =	vxor.u32 v3, v4;
	v4 =	vadd.f32 v59, v50;
	v62 =	vbroadcast v7, $0x0  }
0xc9: {  	v60 =	vand.u32 $0xF0F0F0F0, v2;
	v61 =	vshrl.u32 v3, $0x4;
	v63 =	vbroadcast v7, $0x1  }
0xca: {  	v9 =	vand.u32 $0xF0F0F0F, v61;
	v12 =	vbroadcast v7, $0x2;
	v50 =	vadd.f32 v62, v4  }
0xcb: {  	[tilespmem:$0x1FE20] =	vst v6;
	v8 =	vor.u32 v60, v9;
	v14 =	vbroadcast v7, $0x3;
	v9 =	vadd.f32 v63, v4  }
0xcc: {  	v56 =	vshrl.u32 v49, $0x10;
	v60 =	vbroadcast v7, $0x4;
	v59 =	vadd.f32 v12, v4;
	[tilespmem:s14+$0x0] =	vst v50  }
0xcd: {  	v54 =	vand.u32 $0xFF, v54;
	v61 =	vadd.f32 v14, v4;
	v62 =	vbroadcast v7, $0x5;
	[tilespmem:s14+$0x10] =	vst v9  }
0xce: {  	v13 =	vand.u32 $0xFF, v53;
	v63 =	vadd.f32 v60, v4;
	v12 =	vbroadcast v7, $0x6;
	[tilespmem:s14+$0x20] =	vst v59  }
0xcf: {  	v52 =	vor.u32 s15, v13;
	v14 =	vbroadcast v7, $0x7;
	[tilespmem:s14+$0x30] =	vst v61;
	v13 =	vadd.f32 v62, v4  }
0xd0: {  	v5 =	vand.u32 $0x7F, v5;
	v60 =	vbroadcast v7, $0x8;
	[tilespmem:s14+$0x40] =	vst v63;
	v59 =	vadd.f32 v12, v4  }
0xd1: {  	v1 =	vor.u32 v5, v1;
	v11 =	vbroadcast v7, $0xD;
	v61 =	vadd.f32 v14, v4;
	[tilespmem:s14+$0x50] =	vst v13  }
0xd2: {  	v1 =	vor.u32 s15, v1;
	v62 =	vbroadcast v7, $0x9;
	v63 =	vadd.f32 v60, v4;
	[tilespmem:s14+$0x60] =	vst v59  }
0xd3: {  	v55 =	vor.u32 s15, v55;
	v12 =	vbroadcast v7, $0xA;
	v50 =	vadd.f32 v11, v4;
	[tilespmem:s14+$0x70] =	vst v61  }
0xd4: {  	v54 =	vor.u32 s15, v54;
	v60 =	vbroadcast v7, $0xB;
	v14 =	vadd.f32 v62, v4;
	[tilespmem:s14+$0x80] =	vst v63  }
0xd5: {  	v13 =	vand.u32 $0xFF, v56;
	v61 =	vadd.f32 v12, v4;
	v62 =	vbroadcast v7, $0xC;
	[tilespmem:s14+$0xD0] =	vst v50  }
0xd6: {  	v9 =	vadd.f32 v60, v4;
	v56 =	vor.u32 s15, v13;
	v13 =	vbroadcast v7, $0xE;
	[tilespmem:s14+$0x90] =	vst v14  }
0xd7: {  	v53 =	vld.idx.msk [tilespmem:v1+s11+$0x0], $0xffff;
	v7 =	vbroadcast v7, $0xF;
	[tilespmem:s14+$0xA0] =	vst v61;
	v12 =	vadd.f32 v62, v4  }
0xd8: {  	v25 =	vadd.s32 v24, v48;
	v58 =	vand.u32 $0x80, v51;
	v51 =	vld.idx.msk [tilespmem:v52+s11+$0x0], $0xffff;
	[tilespmem:s14+$0xB0] =	vst v9;
	v1 =	vadd.f32 v13, v4  }
0xd9: {  	v57 =	vshrl.u32 v49, $0x8;
	v49 =	vand.u32 $0x7F, v49;
	v52 =	vld.idx.msk [tilespmem:v54+s11+$0x0], $0xffff;
	v4 =	vadd.f32 v7, v4;
	[tilespmem:s14+$0xC0] =	vst v12  }
0xda: {  	v10 =	vadd.s32 v46, v48;
	v49 =	vor.u32 v49, v58;
	v54 =	vld.idx.msk [tilespmem:v55+s11+$0x0], $0xffff;
	v63 =	vand.u32 $0xFF, v57;
	[tilespmem:s14+$0xE0] =	vst v1  }
0xdb: {  	v49 =	vor.u32 s15, v49;
	v3 =	vand.u32 $0xF0F0F0F, v3;
	v6 =	vor.u32 s15, v63;
	[tilespmem:s14+$0xF0] =	vst v4;
	v55 =	vld.idx.msk [tilespmem:v56+s11+$0x0], $0xffff  }
0xdc: {  	v63 =	vshrl.u32 v8, $0x8;
	v14 =	vshll.u32 v2, $0x4;
	v61 =	vshrl.u32 v8, $0x18;
	v58 =	vld [tilespmem:s18+$0x80]  }
0xdd: {  	v62 =	vshrl.u32 v8, $0x10;
	v2 =	vand.u32 $0x80, v2;
	v8 =	vand.u32 $0x7F, v8;
	v59 =	vld [tilespmem:s18+$0xC80]  }
0xde: {  	v11 =	vadd.s32 v47, v48;
	v57 =	vand.u32 $0xF0F0F0F0, v14;
	v2 =	vor.u32 v8, v2;
	v8 =	vld [tilespmem:s18+$0x1880]  }
0xdf: {  	v9 =	vand.u32 $0xFF, v63;
	v5 =	vor.u32 s15, v61;
	v3 =	vor.u32 v57, v3;
	v61 =	vld [tilespmem:s18+$0x3080]  }
0xe0: {  	v14 =	vand.u32 $0x80, v14;
	v7 =	vand.u32 $0xFF, v62;
	v12 =	vshrl.u32 v3, $0x10;
	v57 =	vld [tilespmem:s18+$0x3C80]  }
0xe1: {  	v9 =	vor.u32 s15, v9;
	v56 =	vand.u32 $0xFF, v12;
	v12 =	vadd.s32 v0, v48;
	v0 =	vld [tilespmem:$0x1FE40]  }
0xe2: {  	v62 =	vadd.s32 v45, v48;
	v7 =	vor.u32 s15, v7;
	v2 =	vor.u32 s15, v2;
	v63 =	vld [tilespmem:s18+$0x4880]  }
0xe3: {  	v1 =	vshrl.u32 v3, $0x18;
	v13 =	vshrl.u32 v3, $0x8;
	v3 =	vand.u32 $0x7F, v3;
	v24 =	vld [tilespmem:s18+$0x4890]  }
0xe4: {  	v1 =	vor.u32 s15, v1;
	v4 =	vand.u32 $0xFF, v13;
	v3 =	vor.u32 v3, v14  }
0xe5: {  	v50 =	vld.idx.msk [tilespmem:v49+s11+$0x0], $0xffff;
	v56 =	vor.u32 s15, v56;
	v4 =	vor.u32 s15, v4;
	v3 =	vor.u32 s15, v3  }
0xe6: {  	v60 =	vld [tilespmem:s18+$0x2480];
	v13 =	vadd.s32 v0, v48;
	v58 =	vshll.u32 v58, $0x18;
	v59 =	vshll.u32 v59, $0x10  }
0xe7: {  	v14 =	vld [tilespmem:s18+$0x5480];
	v8 =	vshll.u32 v8, $0x8;
	v61 =	vshll.u32 v61, $0x18;
	v57 =	vshll.u32 v57, $0x10  }
0xe8: {  	v6 =	vld.idx.msk [tilespmem:v6+s11+$0x0], $0xffff;
	v63 =	vshll.u32 v63, $0x8;
	v24 =	vshll.u32 v24, $0x8;
	v58 =	vor.u32 v58, v59  }
0xe9: {  	v0 =	vld [tilespmem:$0x1FE50];
	v57 =	vor.u32 v61, v57;
	v59 =	vadd.s32 v16, v48;
	v61 =	vadd.s32 v17, v48  }
0xea: {  	v27 =	vld [tilespmem:s18+$0x5490];
	v16 =	vadd.s32 v19, v48;
	v19 =	vadd.s32 v21, v48;
	v8 =	vor.u32 v8, v58  }
0xeb: {  	v5 =	vld.idx.msk [tilespmem:v5+s11+$0x0], $0xffff;
	v21 =	vadd.s32 v22, v48;
	v57 =	vor.u32 v63, v57;
	v8 =	vor.u32 v60, v8  }
0xec: {  	v22 =	vadd.s32 v23, v48;
	v60 =	vld.idx.msk [tilespmem:v1+s11+$0x0], $0xffff;
	v1 =	vor.u32 v14, v57;
	v49 =	vshrl.u32 v8, $0x7  }
0xed: {  	v17 =	vld [tilespmem:s18+$0x3C90];
	v57 =	vadd.s32 v18, v48;
	v18 =	vadd.s32 v20, v48;
	v63 =	vxor.u32 v8, v49  }
0xee: {  	v15 =	vadd.s32 v0, v48;
	v49 =	vshrl.u32 v1, $0x7;
	v14 =	vand.u32 $0xAA00AA, v63;
	v63 =	vld [tilespmem:s18+$0x3090]  }
0xef: {  	v9 =	vld.idx.msk [tilespmem:v9+s11+$0x0], $0xffff;
	v0 =	vmovc v47;
	v47 =	vmovc v46;
	v46 =	vmov v45;
	v58 =	vxor.u32 v1, v49;
	v14 =	vmul.u32 $0x81, v14  }
0xf0: {  	v7 =	vld.idx.msk [tilespmem:v7+s11+$0x0], $0xffff;
	v45 =	vmovc v44;
	v44 =	vmovc v43;
	v43 =	vmov v42;
	v42 =	vmov v41;
	v58 =	vand.u32 $0xAA00AA, v58  }
0xf1: {  	v20 =	vld [tilespmem:s18+$0x90];
	v41 =	vmovc v40;
	v40 =	vmovc v39;
	v39 =	vmov v38;
	v8 =	vxor.u32 v8, v14;
	v14 =	vmul.u32 $0x81, v58  }
0xf2: {  	v38 =	vmovc v37;
	v37 =	vmovc v36;
	v36 =	vmov v35;
	v17 =	vshll.u32 v17, $0x10;
	v58 =	vld [tilespmem:s18+$0xC90];
	v23 =	vshrl.u32 v8, $0xE  }
0xf3: {  	v35 =	vmovc v34;
	v34 =	vmovc v33;
	v14 =	vxor.u32 v1, v14;
	v1 =	vxor.u32 v8, v23;
	v23 =	vld [tilespmem:s18+$0x1890];
	v63 =	vshll.u32 v63, $0x18  }
0xf4: {  	v33 =	vmovc v32;
	v32 =	vmovc v31;
	v31 =	vmov v30;
	v30 =	vmov v29;
	v29 =	vld [tilespmem:s18+$0x2490];
	v17 =	vor.u32 v63, v17  }
0xf5: {  	v17 =	vor.u32 v24, v17;
	v24 =	vld [tilespmem:$0x1FE20]  }
0xf6: {  	v2 =	vld.idx.msk [tilespmem:v2+s11+$0x0], $0xffff;
	v49 =	vadd.s32 v26, v48;
	v20 =	vshll.u32 v20, $0x18;
	v26 =	vshrl.u32 v14, $0xE  }
0xf7: {  	v56 =	vld.idx.msk [tilespmem:v56+s11+$0x0], $0xffff;
	v28 =	vand.u32 $0xCCCC, v1;
	v26 =	vxor.u32 v14, v26;
	v58 =	vshll.u32 v58, $0x10  }
0xf8: {  	v4 =	vld.idx.msk [tilespmem:v4+s11+$0x0], $0xffff;
	v28 =	vmul.u32 $0x4001, v28;
	v20 =	vor.u32 v20, v58;
	v23 =	vshll.u32 v23, $0x8  }
0xf9: {  	v3 =	vld.idx.msk [tilespmem:v3+s11+$0x0], $0xffff;
	v26 =	vand.u32 $0xCCCC, v26;
	v17 =	vor.u32 v27, v17;
	v20 =	vor.u32 v23, v20  }
0xfa: {  	v8 =	vxor.u32 v8, v28;
	[tilespmem:v62+s12+$0x0] =	vst.idx.msk $0xffff, v24;
	v24 =	vmul.u32 $0x4001, v26;
	v63 =	vor.u32 v29, v20  }
0xfb: {  	s19 =	sadd.s32 $0x1, s17;
	v29 =	vmovc v30;
	v30 =	vmovc v31;
	v31 =	vmov v32;
	v32 =	vmov v33;
	v20 =	vshrl.u32 v17, $0x7  }
0xfc: {  	v1 =	vmov s19;
	v33 =	vmovc v34;
	v34 =	vmovc v35;
	v35 =	vmov v36;
	[tilespmem:v10+s12+$0x0] =	vst.idx.msk $0xffff, v51;
	v20 =	vxor.u32 v17, v20  }
0xfd: {  	v36 =	vmovc v37;
	[tilespmem:v11+s12+$0x0] =	vst.idx.msk $0xffff, v52;
	v51 =	vxor.u32 v14, v24;
	v52 =	vshrl.u32 v63, $0x7;
	v20 =	vand.u32 $0xAA00AA, v20  }
0xfe: {  	v37 =	vmovc v38;
	[tilespmem:v12+s12+$0x0] =	vst.idx.msk $0xffff, v53;
	v53 =	vand.u32 $0xF0F0F0F0, v8;
	v14 =	vxor.u32 v63, v52;
	v20 =	vmul.u32 $0x81, v20  }
0xff: {  	v38 =	vmovc v39;
	v39 =	vmovc v40;
	v11 =	vand.u32 $0xF0F0F0F, v51;
	[tilespmem:v13+s12+$0x0] =	vst.idx.msk $0xffff, v54;
	v54 =	vshrl.u32 v51, $0x4;
	v14 =	vand.u32 $0xAA00AA, v14  }
0x100: {  	v40 =	vmovc v41;
	v41 =	vmovc v42;
	[tilespmem:v15+s12+$0x0] =	vst.idx.msk $0xffff, v55;
	v13 =	vand.u32 $0xF0F0F0F, v54;
	v15 =	vshll.u32 v8, $0x4;
	v14 =	vmul.u32 $0x81, v14  }
0x101: {  	v8 =	vand.u32 $0x80, v8;
	[tilespmem:v59+s12+$0x0] =	vst.idx.msk $0xffff, v6;
	v6 =	vor.u32 v53, v13;
	v59 =	vxor.u32 v17, v20  }
0x102: {  	v42 =	vmovc v43;
	v43 =	vmovc v44;
	v58 =	vand.u32 $0xF0F0F0F0, v15;
	v10 =	vxor.u32 v63, v14;
	v62 =	vshrl.u32 v59, $0xE  }
0x103: {  	v44 =	vmovc v45;
	v45 =	vmovc v46;
	v63 =	vor.u32 v58, v11;
	v52 =	vshrl.u32 v6, $0x18;
	v53 =	vshrl.u32 v6, $0x10  }
0x104: {  	v46 =	vmovc v47;
	[tilespmem:v61+s12+$0x0] =	vst.idx.msk $0xffff, v50;
	v50 =	vshrl.u32 v10, $0xE;
	v51 =	vxor.u32 v59, v62;
	v54 =	vshrl.u32 v63, $0x18  }
0x105: {  	s31 =	sadd.s32 $0x100, s15;
	v47 =	vmovc v0;
	[tilespmem:v57+s12+$0x0] =	vst.idx.msk $0xffff, v5;
	v0 =	vshrl.u32 v63, $0x8;
	v5 =	vand.u32 $0x7F, v63;
	v11 =	vxor.u32 v10, v50  }
0x106: {  	[tilespmem:v16+s12+$0x0] =	vst.idx.msk $0xffff, v7;
	v12 =	vand.u32 $0xCCCC, v51;
	v16 =	vshrl.u32 v63, $0x10;
	v7 =	vor.u32 s31, v52  }
0x107: {  	v14 =	vor.u32 s31, v54;
	v0 =	vand.u32 $0xFF, v0;
	v11 =	vand.u32 $0xCCCC, v11  }
0x108: {  	[tilespmem:v18+s12+$0x0] =	vst.idx.msk $0xffff, v9;
	v12 =	vmul.u32 $0x4001, v12;
	v9 =	vand.u32 $0xFF, v53;
	v0 =	vor.u32 s31, v0  }
0x109: {  	v16 =	vand.u32 $0xFF, v16;
	[tilespmem:v19+s12+$0x0] =	vst.idx.msk $0xffff, v2;
	v2 =	vshrl.u32 v6, $0x8;
	v11 =	vmul.u32 $0x4001, v11  }
0x10a: {  	v9 =	vor.u32 s31, v9;
	v6 =	vand.u32 $0x7F, v6;
	[tilespmem:v21+s12+$0x0] =	vst.idx.msk $0xffff, v60;
	v12 =	vxor.u32 v59, v12  }
0x10b: {  	v16 =	vor.u32 s31, v16;
	v2 =	vand.u32 $0xFF, v2;
	v6 =	vor.u32 v6, v8;
	[tilespmem:v22+s12+$0x0] =	vst.idx.msk $0xffff, v56;
	v7 =	vld.idx.msk [tilespmem:v7+s11+$0x0], $0xffff  }
0x10c: {  	v10 =	vxor.u32 v10, v11;
	v55 =	vshrl.u32 v12, $0x4;
	v12 =	vand.u32 $0xF0F0F0F, v12;
	[tilespmem:v25+s12+$0x0] =	vst.idx.msk $0xffff, v4;
	v14 =	vld.idx.msk [tilespmem:v14+s11+$0x0], $0xffff  }
0x10d: {  	v2 =	vor.u32 s31, v2;
	v6 =	vor.u32 s31, v6;
	v56 =	vand.u32 $0xF0F0F0F0, v10;
	[tilespmem:v49+s12+$0x0] =	vst.idx.msk $0xffff, v3;
	v0 =	vld.idx.msk [tilespmem:v0+s11+$0x0], $0xffff  }
0x10e: {  	v11 =	vand.u32 $0xF0F0F0F, v55;
	v57 =	vshll.u32 v10, $0x4;
	v3 =	vand.u32 $0x80, v15;
	v15 =	vld [tilespmem:s18+$0x40]  }
0x10f: {  	v10 =	vand.u32 $0x80, v10;
	v4 =	vor.u32 v56, v11;
	v58 =	vand.u32 $0xF0F0F0F0, v57;
	v17 =	vld [tilespmem:s18+$0xC40]  }
0x110: {  	v13 =	vand.u32 $0x80, v57;
	v18 =	vld [tilespmem:s18+$0x1840];
	v11 =	vor.u32 v58, v12;
	v60 =	vshrl.u32 v4, $0x18  }
0x111: {  	v59 =	vld [tilespmem:s18+$0x3040];
	v19 =	vshrl.u32 v4, $0x10;
	v21 =	vshrl.u32 v4, $0x8;
	v3 =	vor.u32 v5, v3  }
0x112: {  	v20 =	vld [tilespmem:s18+$0x3C40];
	v4 =	vand.u32 $0x7F, v4;
	v61 =	vshrl.u32 v11, $0x18;
	v3 =	vor.u32 s31, v3  }
0x113: {  	v9 =	vld.idx.msk [tilespmem:v9+s11+$0x0], $0xffff;
	v22 =	vshrl.u32 v11, $0x10;
	v12 =	vor.u32 s31, v60;
	v19 =	vand.u32 $0xFF, v19  }
0x114: {  	v16 =	vld.idx.msk [tilespmem:v16+s11+$0x0], $0xffff;
	v21 =	vand.u32 $0xFF, v21;
	v4 =	vor.u32 v4, v10;
	v19 =	vor.u32 s31, v19  }
0x115: {  	v23 =	vshrl.u32 v11, $0x8;
	v2 =	vld.idx.msk [tilespmem:v2+s11+$0x0], $0xffff;
	v21 =	vor.u32 s31, v21;
	v4 =	vor.u32 s31, v4  }
0x116: {  	v6 =	vld.idx.msk [tilespmem:v6+s11+$0x0], $0xffff;
	v62 =	vand.u32 $0xFF, v22;
	v22 =	vand.u32 $0xFF, v23;
	v23 =	vshrl.u32 v1, $0x3  }
0x117: {  	v5 =	vor.u32 s31, v61;
	v1 =	vshll.u32 v1, $0x7;
	v23 =	vmul.u32 $0x1800, v23;
	v3 =	vld.idx.msk [tilespmem:v3+s11+$0x0], $0xffff  }
0x118: {  	v11 =	vand.u32 $0x7F, v11;
	v10 =	vor.u32 s31, v62;
	v1 =	vand.u32 $0x380, v1;
	v12 =	vld.idx.msk [tilespmem:v12+s11+$0x0], $0xffff  }
0x119: {  	v11 =	vor.u32 v11, v13;
	v22 =	vor.u32 s31, v22;
	v49 =	vor.u32 v1, v23;
	v19 =	vld.idx.msk [tilespmem:v19+s11+$0x0], $0xffff  }
0x11a: {  	v11 =	vor.u32 s31, v11;
	v52 =	vor.u32 v29, v49;
	v63 =	vld.idx.msk [tilespmem:v21+s11+$0x0], $0xffff  }
0x11b: {  	v1 =	vld.idx.msk [tilespmem:v4+s11+$0x0], $0xffff;
	v21 =	vor.u32 v30, v49  }
0x11c: {  	v23 =	vor.u32 v31, v49;
	v5 =	vld.idx.msk [tilespmem:v5+s11+$0x0], $0xffff  }
0x11d: {  	v24 =	vor.u32 v32, v49;
	v10 =	vld.idx.msk [tilespmem:v10+s11+$0x0], $0xffff  }
0x11e: {  	v25 =	vor.u32 v33, v49;
	v22 =	vld.idx.msk [tilespmem:v22+s11+$0x0], $0xffff  }
0x11f: {  	v53 =	vor.u32 v34, v49;
	v11 =	vld.idx.msk [tilespmem:v11+s11+$0x0], $0xffff;
	[tilespmem:v52+s12+$0x0] =	vst.idx.msk $0xffff, v7  }
0x120: {  	v26 =	vld [tilespmem:s18+$0x4840];
	v54 =	vshll.u32 v15, $0x18;
	v15 =	vshll.u32 v17, $0x10;
	v55 =	vor.u32 v35, v49;
	[tilespmem:v21+s12+$0x0] =	vst.idx.msk $0xffff, v9  }
0x121: {  	v7 =	vor.u32 v54, v15;
	v15 =	vshll.u32 v18, $0x8;
	v18 =	vld [tilespmem:s18+$0x2440];
	[tilespmem:v23+s12+$0x0] =	vst.idx.msk $0xffff, v2;
	v2 =	vor.u32 v36, v49  }
0x122: {  	v56 =	vor.u32 v37, v49;
	[tilespmem:v24+s12+$0x0] =	vst.idx.msk $0xffff, v6  }
0x123: {  	v17 =	vld [tilespmem:s18+$0x5440];
	v8 =	vshll.u32 v59, $0x18;
	v57 =	vor.u32 v38, v49;
	v58 =	vor.u32 v39, v49;
	[tilespmem:v25+s12+$0x0] =	vst.idx.msk $0xffff, v14  }
0x124: {  	v60 =	vor.u32 v42, v49;
	v7 =	vor.u32 v15, v7;
	v15 =	vshll.u32 v20, $0x10;
	[tilespmem:v53+s12+$0x0] =	vst.idx.msk $0xffff, v16  }
0x125: {  	v8 =	vor.u32 v8, v15;
	[tilespmem:v55+s12+$0x0] =	vst.idx.msk $0xffff, v0;
	v0 =	vor.u32 v40, v49  }
0x126: {  	v15 =	vshll.u32 v26, $0x8;
	[tilespmem:v2+s12+$0x0] =	vst.idx.msk $0xffff, v3;
	v2 =	vor.u32 v41, v49;
	v3 =	vor.u32 v18, v7  }
0x127: {  	v62 =	vor.u32 v43, v49;
	v8 =	vor.u32 v15, v8;
	[tilespmem:v56+s12+$0x0] =	vst.idx.msk $0xffff, v12;
	v61 =	vshrl.u32 v3, $0x7  }
0x128: {  	v8 =	vor.u32 v17, v8;
	[tilespmem:v57+s12+$0x0] =	vst.idx.msk $0xffff, v19;
	v9 =	vxor.u32 v3, v61  }
0x129: {  	v59 =	vshrl.u32 v8, $0x7;
	[tilespmem:v58+s12+$0x0] =	vst.idx.msk $0xffff, v63;
	v63 =	vor.u32 v44, v49;
	v9 =	vand.u32 $0xAA00AA, v9  }
0x12a: {  	v7 =	vxor.u32 v8, v59;
	[tilespmem:v0+s12+$0x0] =	vst.idx.msk $0xffff, v1;
	v0 =	vmul.u32 $0x81, v9  }
0x12b: {  	v6 =	vld [tilespmem:s18+$0xC50];
	v7 =	vand.u32 $0xAA00AA, v7;
	[tilespmem:v2+s12+$0x0] =	vst.idx.msk $0xffff, v5  }
0x12c: {  	v7 =	vmul.u32 $0x81, v7;
	[tilespmem:v60+s12+$0x0] =	vst.idx.msk $0xffff, v10;
	v0 =	vxor.u32 v3, v0;
	v3 =	vld [tilespmem:s18+$0x50]  }
0x12d: {  	[tilespmem:v62+s12+$0x0] =	vst.idx.msk $0xffff, v22;
	v62 =	vld [tilespmem:s18+$0x1850]  }
0x12e: {  	v1 =	vxor.u32 v8, v7;
	[tilespmem:v63+s12+$0x0] =	vst.idx.msk $0xffff, v11;
	v63 =	vld [tilespmem:s18+$0x2450]  }
0x12f: {  	v2 =	vshrl.u32 v1, $0xE;
	v12 =	vld [tilespmem:s18+$0xA0]  }
0x130: {  	v2 =	vxor.u32 v1, v2;
	v10 =	vshrl.u32 v0, $0xE;
	v13 =	vld [tilespmem:s18+$0xCA0]  }
0x131: {  	v2 =	vand.u32 $0xCCCC, v2;
	v11 =	vxor.u32 v0, v10;
	v14 =	vld [tilespmem:s18+$0x18A0]  }
0x132: {  	v2 =	vmul.u32 $0x4001, v2;
	v4 =	vand.u32 $0xCCCC, v11;
	v58 =	vld [tilespmem:s18+$0x3CA0]  }
0x133: {  	v10 =	vld [tilespmem:s18+$0x48A0];
	v4 =	vmul.u32 $0x4001, v4  }
0x134: {  	v6 =	vshll.u32 v6, $0x10;
	v60 =	vld [tilespmem:s18+$0x24A0];
	v1 =	vxor.u32 v1, v2  }
0x135: {  	v5 =	vld [tilespmem:s18+$0x30B0];
	v3 =	vshll.u32 v3, $0x18;
	v56 =	vxor.u32 v0, v4;
	v0 =	vshrl.u32 v1, $0x4  }
0x136: {  	v2 =	vld [tilespmem:s18+$0x30A0];
	v1 =	vand.u32 $0xF0F0F0F, v1;
	v3 =	vor.u32 v3, v6;
	v7 =	vshll.u32 v62, $0x8  }
0x137: {  	v59 =	vand.u32 $0xF0F0F0F0, v56;
	v0 =	vand.u32 $0xF0F0F0F, v0;
	v3 =	vor.u32 v7, v3;
	v7 =	vld [tilespmem:s18+$0xCB0]  }
0x138: {  	v54 =	vshll.u32 v56, $0x4;
	v51 =	vor.u32 v59, v0;
	v8 =	vshll.u32 v14, $0x8;
	v14 =	vld [tilespmem:s18+$0x3C50]  }
0x139: {  	v0 =	vand.u32 $0xF0F0F0F0, v54;
	v61 =	vshll.u32 v13, $0x10;
	v13 =	vshll.u32 v10, $0x8;
	v10 =	vld [tilespmem:s18+$0xB0]  }
0x13a: {  	v50 =	vor.u32 v0, v1;
	v0 =	vld [tilespmem:s18+$0x54A0]  }
0x13b: {  	v4 =	vshll.u32 v58, $0x10;
	v1 =	vshll.u32 v12, $0x18;
	v12 =	vld [tilespmem:s18+$0x3050]  }
0x13c: {  	v57 =	vor.u32 v63, v3;
	v63 =	vld [tilespmem:s18+$0x3CB0];
	v2 =	vshll.u32 v2, $0x18;
	v1 =	vor.u32 v1, v61  }
0x13d: {  	v5 =	vshll.u32 v5, $0x18;
	v2 =	vor.u32 v2, v4;
	v1 =	vor.u32 v8, v1  }
0x13e: {  	v2 =	vor.u32 v13, v2;
	v1 =	vor.u32 v60, v1;
	v60 =	vld [tilespmem:s18+$0x4850];
	v7 =	vshll.u32 v7, $0x10  }
0x13f: {  	v58 =	vld [tilespmem:s18+$0x48B0];
	v8 =	vshll.u32 v14, $0x10;
	v0 =	vor.u32 v0, v2;
	v2 =	vshrl.u32 v1, $0x7  }
0x140: {  	v10 =	vshll.u32 v10, $0x18;
	v62 =	vshll.u32 v12, $0x18;
	v12 =	vld [tilespmem:s18+$0x18B0];
	v2 =	vxor.u32 v1, v2  }
0x141: {  	v11 =	vshll.u32 v63, $0x10;
	v61 =	vshrl.u32 v0, $0x7;
	v2 =	vand.u32 $0xAA00AA, v2  }
0x142: {  	v9 =	vld [tilespmem:s18+$0x5450];
	v5 =	vor.u32 v5, v11;
	v6 =	vxor.u32 v0, v61;
	v2 =	vmul.u32 $0x81, v2  }
0x143: {  	v7 =	vor.u32 v10, v7;
	v61 =	vld [tilespmem:s18+$0x54B0];
	v6 =	vand.u32 $0xAA00AA, v6;
	v4 =	vshll.u32 v60, $0x8  }
0x144: {  	v3 =	vmul.u32 $0x81, v6;
	v6 =	vshll.u32 v58, $0x8;
	v2 =	vxor.u32 v1, v2  }
0x145: {  	v1 =	vor.u32 v62, v8;
	v63 =	vshll.u32 v12, $0x8;
	v5 =	vor.u32 v6, v5  }
0x146: {  	v0 =	vxor.u32 v0, v3;
	v3 =	vshrl.u32 v2, $0xE;
	v1 =	vor.u32 v4, v1  }
0x147: {  	v62 =	vld [tilespmem:s18+$0x24B0];
	v12 =	vor.u32 v63, v7;
	v3 =	vxor.u32 v2, v3;
	v59 =	vshrl.u32 v0, $0xE  }
0x148: {  	v1 =	vor.u32 v9, v1;
	v5 =	vor.u32 v61, v5;
	v3 =	vand.u32 $0xCCCC, v3  }
0x149: {  	v60 =	vxor.u32 v0, v59;
	v13 =	vshrl.u32 v5, $0x7;
	v18 =	vshrl.u32 v1, $0x7  }
0x14a: {  	v3 =	vmul.u32 $0x4001, v3;
	v4 =	vand.u32 $0xCCCC, v60;
	v6 =	vxor.u32 v5, v13  }
0x14b: {  	v18 =	vxor.u32 v1, v18;
	v4 =	vmul.u32 $0x4001, v4;
	v6 =	vand.u32 $0xAA00AA, v6  }
0x14c: {  	v18 =	vand.u32 $0xAA00AA, v18;
	v2 =	vxor.u32 v2, v3;
	v3 =	vor.u32 v62, v12  }
0x14d: {  	v6 =	vmul.u32 $0x81, v6;
	v18 =	vmul.u32 $0x81, v18;
	v0 =	vxor.u32 v0, v4  }
0x14e: {  	v14 =	vshrl.u32 v3, $0x7;
	v58 =	vand.u32 $0xF0F0F0F0, v2;
	v9 =	vshll.u32 v2, $0x4  }
0x14f: {  	v2 =	vand.u32 $0x80, v2;
	v4 =	vxor.u32 v3, v14;
	v59 =	vshrl.u32 v0, $0x4  }
0x150: {  	v60 =	vand.u32 $0xF0F0F0F0, v9;
	v5 =	vxor.u32 v5, v6;
	v0 =	vand.u32 $0xF0F0F0F, v0  }
0x151: {  	v9 =	vand.u32 $0x80, v9;
	v1 =	vxor.u32 v1, v18;
	v4 =	vand.u32 $0xAA00AA, v4  }
0x152: {  	v8 =	vand.u32 $0xF0F0F0F, v59;
	v61 =	vshrl.u32 v5, $0xE;
	v0 =	vor.u32 v60, v0  }
0x153: {  	v4 =	vmul.u32 $0x81, v4;
	v7 =	vor.u32 v58, v8;
	v58 =	vshrl.u32 v0, $0x18  }
0x154: {  	v59 =	vshrl.u32 v0, $0x10;
	v60 =	vshrl.u32 v0, $0x8;
	v0 =	vand.u32 $0x7F, v0  }
0x155: {  	v8 =	vshrl.u32 v7, $0x18;
	v10 =	vshrl.u32 v7, $0x10;
	v63 =	vshrl.u32 v7, $0x8  }
0x156: {  	v7 =	vand.u32 $0x7F, v7;
	v58 =	vor.u32 s31, v58;
	v59 =	vand.u32 $0xFF, v59  }
0x157: {  	v0 =	vor.u32 v0, v9;
	v3 =	vxor.u32 v3, v4;
	v4 =	vxor.u32 v5, v61  }
0x158: {  	v8 =	vor.u32 s31, v8;
	v10 =	vand.u32 $0xFF, v10;
	v11 =	vand.u32 $0xFF, v63  }
0x159: {  	v2 =	vor.u32 v7, v2;
	v62 =	vshrl.u32 v3, $0xE;
	v4 =	vand.u32 $0xCCCC, v4  }
0x15a: {  	v12 =	vor.u32 s31, v59;
	v6 =	vxor.u32 v3, v62;
	v4 =	vmul.u32 $0x4001, v4  }
0x15b: {  	v0 =	vor.u32 s31, v0;
	v10 =	vor.u32 s31, v10;
	v6 =	vand.u32 $0xCCCC, v6  }
0x15c: {  	v25 =	vld [tilespmem:$0x1FE40];
	v11 =	vor.u32 s31, v11;
	v6 =	vmul.u32 $0x4001, v6;
	v4 =	vxor.u32 v5, v4  }
0x15d: {  	v18 =	vld [tilespmem:$0x1FE30];
	v2 =	vor.u32 s31, v2;
	v5 =	vand.u32 $0xFF, v60;
	v61 =	vshrl.u32 v4, $0x4  }
0x15e: {  	v7 =	vld.idx.msk [tilespmem:v58+s11+$0x0], $0xffff;
	v4 =	vand.u32 $0xF0F0F0F, v4;
	v5 =	vor.u32 s31, v5;
	v3 =	vxor.u32 v3, v6  }
0x15f: {  	v58 =	vld [tilespmem:$0x1FE50];
	v6 =	vand.u32 $0xF0F0F0F, v61;
	v62 =	vand.u32 $0xF0F0F0F0, v3;
	v14 =	vshll.u32 v3, $0x4  }
0x160: {  	v8 =	vld.idx.msk [tilespmem:v8+s11+$0x0], $0xffff;
	v3 =	vand.u32 $0x80, v3;
	v6 =	vor.u32 v62, v6;
	v63 =	vand.u32 $0xF0F0F0F0, v14  }
0x161: {  	v12 =	vld.idx.msk [tilespmem:v12+s11+$0x0], $0xffff;
	v14 =	vand.u32 $0x80, v14;
	v60 =	vshrl.u32 v6, $0x18;
	v61 =	vshrl.u32 v6, $0x10  }
0x162: {  	v0 =	vld.idx.msk [tilespmem:v0+s11+$0x0], $0xffff;
	v15 =	vshrl.u32 v6, $0x8;
	v13 =	vor.u32 s31, v60;
	v9 =	vand.u32 $0xFF, v61  }
0x163: {  	v10 =	vld.idx.msk [tilespmem:v10+s11+$0x0], $0xffff;
	v6 =	vand.u32 $0x7F, v6;
	v15 =	vand.u32 $0xFF, v15;
	v9 =	vor.u32 s31, v9  }
0x164: {  	v11 =	vld.idx.msk [tilespmem:v11+s11+$0x0], $0xffff;
	v4 =	vor.u32 v63, v4;
	v3 =	vor.u32 v6, v3;
	v15 =	vor.u32 s31, v15  }
0x165: {  	v2 =	vld.idx.msk [tilespmem:v2+s11+$0x0], $0xffff;
	v16 =	vshrl.u32 v4, $0x18;
	v62 =	vshrl.u32 v4, $0x10;
	v3 =	vor.u32 s31, v3  }
0x166: {  	v17 =	vshrl.u32 v4, $0x8;
	v5 =	vld.idx.msk [tilespmem:v5+s11+$0x0], $0xffff;
	v16 =	vor.u32 s31, v16;
	v6 =	vand.u32 $0xFF, v62  }
0x167: {  	v4 =	vand.u32 $0x7F, v4;
	v17 =	vand.u32 $0xFF, v17;
	v6 =	vor.u32 s31, v6;
	v13 =	vld.idx.msk [tilespmem:v13+s11+$0x0], $0xffff  }
0x168: {  	v4 =	vor.u32 v4, v14;
	v17 =	vor.u32 s31, v17;
	v9 =	vld.idx.msk [tilespmem:v9+s11+$0x0], $0xffff  }
0x169: {  	v19 =	vadd.s32 v45, v49;
	v4 =	vor.u32 s31, v4;
	v15 =	vld.idx.msk [tilespmem:v15+s11+$0x0], $0xffff  }
0x16a: {  	v20 =	vadd.s32 v46, v49;
	v3 =	vld.idx.msk [tilespmem:v3+s11+$0x0], $0xffff  }
0x16b: {  	v22 =	vadd.s32 v47, v49;
	v16 =	vld.idx.msk [tilespmem:v16+s11+$0x0], $0xffff  }
0x16c: {  	v18 =	vadd.s32 v18, v49;
	v6 =	vld.idx.msk [tilespmem:v6+s11+$0x0], $0xffff  }
0x16d: {  	v17 =	vld.idx.msk [tilespmem:v17+s11+$0x0], $0xffff  }
0x16e: {  	v4 =	vld.idx.msk [tilespmem:v4+s11+$0x0], $0xffff;
	[tilespmem:v19+s12+$0x0] =	vst.idx.msk $0xffff, v8  }
0x16f: {  	v59 =	vld [tilespmem:$0x1FE60];
	[tilespmem:v20+s12+$0x0] =	vst.idx.msk $0xffff, v10  }
0x170: {  	v60 =	vld [tilespmem:$0x1FE70];
	[tilespmem:v22+s12+$0x0] =	vst.idx.msk $0xffff, v11  }
0x171: {  	[tilespmem:v18+s12+$0x0] =	vst.idx.msk $0xffff, v2;
	v2 =	vld [tilespmem:$0x1FE80]  }
0x172: {  	v25 =	vadd.s32 v25, v49  }
0x173: {  	v8 =	vadd.s32 v58, v49  }
0x174: {  	v10 =	vadd.s32 v59, v49  }
0x175: {  	v11 =	vadd.s32 v60, v49  }
0x176: {  	v2 =	vadd.s32 v2, v49  }
0x177: {  	v63 =	vshrl.u32 v57, $0x7;
	v61 =	vld [tilespmem:$0x1FE90];
	[tilespmem:v25+s12+$0x0] =	vst.idx.msk $0xffff, v7  }
0x178: {  	v14 =	vxor.u32 v57, v63;
	v62 =	vld [tilespmem:$0x1FEA0];
	[tilespmem:v8+s12+$0x0] =	vst.idx.msk $0xffff, v12  }
0x179: {  	v14 =	vand.u32 $0xAA00AA, v14;
	[tilespmem:v10+s12+$0x0] =	vst.idx.msk $0xffff, v5;
	v10 =	vld [tilespmem:$0x1FEB0]  }
0x17a: {  	v14 =	vmul.u32 $0x81, v14;
	[tilespmem:v11+s12+$0x0] =	vst.idx.msk $0xffff, v0;
	v0 =	vld [tilespmem:$0x1FEC0]  }
0x17b: {  	v21 =	vand.u32 $0x80, v56;
	v52 =	vshrl.u32 v51, $0x18;
	[tilespmem:v2+s12+$0x0] =	vst.idx.msk $0xffff, v13;
	v2 =	vld [tilespmem:$0x1FED0]  }
0x17c: {  	v53 =	vshrl.u32 v51, $0x10;
	v14 =	vxor.u32 v57, v14;
	v59 =	vld [tilespmem:$0x1FEE0];
	v7 =	vadd.s32 v61, v49  }
0x17d: {  	v55 =	vshrl.u32 v51, $0x8;
	v26 =	vshrl.u32 v14, $0xE;
	v8 =	vadd.s32 v62, v49;
	v62 =	vld [tilespmem:$0x1FEF0]  }
0x17e: {  	v24 =	vshrl.u32 v1, $0xE;
	v19 =	vxor.u32 v14, v26;
	v5 =	vadd.s32 v10, v49  }
0x17f: {  	v24 =	vxor.u32 v1, v24;
	v19 =	vand.u32 $0xCCCC, v19;
	v0 =	vadd.s32 v0, v49  }
0x180: {  	v24 =	vand.u32 $0xCCCC, v24;
	v19 =	vmul.u32 $0x4001, v19;
	v2 =	vadd.s32 v2, v49  }
0x181: {  	v23 =	vshrl.u32 v50, $0x18;
	v20 =	vmul.u32 $0x4001, v24;
	v24 =	vld [tilespmem:$0x1FF20];
	[tilespmem:v7+s12+$0x0] =	vst.idx.msk $0xffff, v9;
	v7 =	vadd.s32 v59, v49  }
0x182: {  	v58 =	vand.u32 $0x80, v54;
	v14 =	vxor.u32 v14, v19;
	[tilespmem:v8+s12+$0x0] =	vst.idx.msk $0xffff, v15;
	v8 =	vadd.s32 v62, v49  }
0x183: {  	v22 =	vshrl.u32 v50, $0x10;
	v1 =	vxor.u32 v1, v20;
	v56 =	vshll.u32 v14, $0x4;
	[tilespmem:v5+s12+$0x0] =	vst.idx.msk $0xffff, v3  }
0x184: {  	v19 =	vshrl.u32 v1, $0x4;
	v1 =	vand.u32 $0xF0F0F0F, v1;
	v57 =	vand.u32 $0xF0F0F0F0, v56;
	[tilespmem:v0+s12+$0x0] =	vst.idx.msk $0xffff, v16  }
0x185: {  	v26 =	vld [tilespmem:$0x1FFC0];
	v20 =	vand.u32 $0x7F, v51;
	v1 =	vor.u32 v57, v1;
	v16 =	vand.u32 $0xFF, v53;
	[tilespmem:v2+s12+$0x0] =	vst.idx.msk $0xffff, v6  }
0x186: {  	v57 =	vadd.s32 v24, v48;
	v24 =	vld [tilespmem:$0x1FF90];
	v2 =	vor.u32 s15, v16;
	v16 =	vor.u32 v20, v21;
	[tilespmem:v7+s12+$0x0] =	vst.idx.msk $0xffff, v17  }
0x187: {  	v18 =	vshrl.u32 v50, $0x8;
	v7 =	vor.u32 s15, v16;
	v16 =	vor.u32 s15, v23;
	v23 =	vld [tilespmem:$0x1FF00];
	[tilespmem:v8+s12+$0x0] =	vst.idx.msk $0xffff, v4  }
0x188: {  	v51 =	vand.u32 $0xFF, v55;
	v53 =	vand.u32 $0xFF, v18;
	v17 =	vand.u32 $0x7F, v50;
	v18 =	vld [tilespmem:s18+$0xC0]  }
0x189: {  	v63 =	vand.u32 $0xF0F0F0F0, v14;
	v19 =	vand.u32 $0xF0F0F0F, v19;
	v13 =	vor.u32 v17, v58;
	v17 =	vld [tilespmem:s18+$0xCC0]  }
0x18a: {  	v14 =	vand.u32 $0x80, v14;
	v10 =	vor.u32 v63, v19;
	v19 =	vshrl.u32 v1, $0x18;
	v20 =	vld [tilespmem:s18+$0x18C0]  }
0x18b: {  	v12 =	vand.u32 $0x80, v56;
	v61 =	vshrl.u32 v10, $0x10;
	v19 =	vor.u32 s15, v19;
	v54 =	vld [tilespmem:s18+$0x24C0]  }
0x18c: {  	v60 =	vshrl.u32 v10, $0x18;
	v11 =	vand.u32 $0xFF, v61;
	v62 =	vadd.s32 v23, v48;
	v23 =	vld [tilespmem:$0x1FF10]  }
0x18d: {  	v63 =	vshrl.u32 v1, $0x8;
	v9 =	vor.u32 s15, v60;
	v11 =	vor.u32 s15, v11;
	v21 =	vld [tilespmem:s18+$0x30C0]  }
0x18e: {  	v15 =	vshrl.u32 v10, $0x8;
	v0 =	vor.u32 s15, v52;
	v52 =	vand.u32 $0xFF, v22;
	v22 =	vld [tilespmem:s18+$0x3CC0]  }
0x18f: {  	v10 =	vand.u32 $0x7F, v10;
	v3 =	vshrl.u32 v1, $0x10;
	v1 =	vand.u32 $0x7F, v1;
	v55 =	vld [tilespmem:s18+$0x48C0]  }
0x190: {  	v10 =	vor.u32 v10, v14;
	v1 =	vor.u32 v1, v12;
	v19 =	vld.idx.msk [tilespmem:v19+s11+$0x0], $0xffff;
	v6 =	vor.u32 s15, v51  }
0x191: {  	v18 =	vshll.u32 v18, $0x18;
	v17 =	vshll.u32 v17, $0x10;
	v59 =	vadd.s32 v23, v48;
	v23 =	vld [tilespmem:s18+$0x54C0]  }
0x192: {  	v9 =	vld.idx.msk [tilespmem:v9+s11+$0x0], $0xffff;
	v51 =	vadd.s32 v26, v48;
	v17 =	vor.u32 v18, v17;
	v18 =	vshll.u32 v20, $0x8  }
0x193: {  	v11 =	vld.idx.msk [tilespmem:v11+s11+$0x0], $0xffff;
	v20 =	vshll.u32 v22, $0x10;
	v17 =	vor.u32 v18, v17;
	v18 =	vshll.u32 v21, $0x18  }
0x194: {  	v26 =	vld [tilespmem:$0x1FFD0];
	v12 =	vshll.u32 v55, $0x8;
	v14 =	vor.u32 v54, v17;
	v17 =	vor.u32 v18, v20  }
0x195: {  	v18 =	vld [tilespmem:$0x1FF30];
	v12 =	vor.u32 v12, v17  }
0x196: {  	v12 =	vor.u32 v23, v12;
	v23 =	vld [tilespmem:$0x1FF70]  }
0x197: {  	v20 =	vld [tilespmem:$0x1FF50]  }
0x198: {  	v54 =	vadd.s32 v24, v48;
	v24 =	vld [tilespmem:$0x1FFA0]  }
0x199: {  	v15 =	vand.u32 $0xFF, v15;
	v22 =	vld [tilespmem:$0x1FF60];
	v17 =	vshrl.u32 v14, $0x7  }
0x19a: {  	v5 =	vand.u32 $0xFF, v63;
	v15 =	vor.u32 s15, v15;
	v21 =	vld [tilespmem:s18+$0xCD0];
	v17 =	vxor.u32 v14, v17  }
0x19b: {  	v8 =	vor.u32 s15, v53;
	v17 =	vand.u32 $0xAA00AA, v17;
	v56 =	vadd.s32 v23, v48;
	v23 =	vld [tilespmem:$0x1FF80]  }
0x19c: {  	v63 =	vadd.s32 v18, v48;
	v18 =	vld [tilespmem:$0x1FF40];
	v60 =	vadd.s32 v20, v48;
	v20 =	vshrl.u32 v12, $0x7  }
0x19d: {  	v17 =	vmul.u32 $0x81, v17;
	v53 =	vadd.s32 v24, v48;
	v24 =	vld [tilespmem:$0x1FFB0];
	v20 =	vxor.u32 v12, v20  }
0x19e: {  	v10 =	vor.u32 s15, v10;
	v58 =	vadd.s32 v22, v48;
	v22 =	vld [tilespmem:s18+$0x30D0];
	v20 =	vand.u32 $0xAA00AA, v20  }
0x19f: {  	v3 =	vand.u32 $0xFF, v3;
	v14 =	vxor.u32 v14, v17;
	v17 =	vmul.u32 $0x81, v20;
	v20 =	vld [tilespmem:s18+$0x48D0]  }
0x1a0: {  	v5 =	vor.u32 s15, v5;
	v3 =	vor.u32 s15, v3;
	v55 =	vadd.s32 v23, v48;
	v23 =	vld [tilespmem:s18+$0x3CD0]  }
0x1a1: {  	v1 =	vor.u32 s15, v1;
	v4 =	vor.u32 s15, v52;
	v61 =	vadd.s32 v18, v48;
	v18 =	vld [tilespmem:s18+$0xD0]  }
0x1a2: {  	v13 =	vor.u32 s15, v13;
	v25 =	vld [tilespmem:s18+$0x18D0];
	v50 =	vadd.s32 v24, v48;
	v24 =	vshrl.u32 v14, $0xE  }
0x1a3: {  	v52 =	vadd.s32 v26, v48;
	v12 =	vxor.u32 v12, v17;
	v17 =	vxor.u32 v14, v24;
	v24 =	vld [tilespmem:s18+$0x54D0]  }
0x1a4: {  	v27 =	vld [tilespmem:s18+$0x24D0];
	v21 =	vshll.u32 v21, $0x10;
	v22 =	vshll.u32 v22, $0x18;
	v17 =	vand.u32 $0xCCCC, v17  }
0x1a5: {  	v0 =	vld.idx.msk [tilespmem:v0+s11+$0x0], $0xffff;
	v26 =	vshrl.u32 v12, $0xE;
	v17 =	vmul.u32 $0x4001, v17;
	v23 =	vshll.u32 v23, $0x10  }
0x1a6: {  	v15 =	vld.idx.msk [tilespmem:v15+s11+$0x0], $0xffff;
	v20 =	vshll.u32 v20, $0x8;
	v18 =	vshll.u32 v18, $0x18;
	v22 =	vor.u32 v22, v23  }
0x1a7: {  	v10 =	vld.idx.msk [tilespmem:v10+s11+$0x0], $0xffff;
	v18 =	vor.u32 v18, v21;
	v21 =	vshll.u32 v25, $0x8;
	v20 =	vor.u32 v20, v22  }
0x1a8: {  	v5 =	vld.idx.msk [tilespmem:v5+s11+$0x0], $0xffff;
	v18 =	vor.u32 v21, v18;
	v22 =	vxor.u32 v12, v26;
	v20 =	vor.u32 v24, v20  }
0x1a9: {  	v3 =	vld.idx.msk [tilespmem:v3+s11+$0x0], $0xffff;
	v18 =	vor.u32 v27, v18;
	v21 =	vand.u32 $0xCCCC, v22;
	v22 =	vshrl.u32 v20, $0x7  }
0x1aa: {  	v1 =	vld.idx.msk [tilespmem:v1+s11+$0x0], $0xffff;
	v23 =	vshrl.u32 v18, $0x7;
	v21 =	vmul.u32 $0x4001, v21;
	v22 =	vxor.u32 v20, v22  }
0x1ab: {  	v2 =	vld.idx.msk [tilespmem:v2+s11+$0x0], $0xffff;
	v14 =	vxor.u32 v14, v17;
	v23 =	vxor.u32 v18, v23;
	v22 =	vand.u32 $0xAA00AA, v22  }
0x1ac: {  	v6 =	vld.idx.msk [tilespmem:v6+s11+$0x0], $0xffff;
	v12 =	vxor.u32 v12, v21;
	v21 =	vand.u32 $0xAA00AA, v23;
	v22 =	vmul.u32 $0x81, v22  }
0x1ad: {  	v7 =	vld.idx.msk [tilespmem:v7+s11+$0x0], $0xffff;
	v23 =	vand.u32 $0xF0F0F0F0, v14;
	v17 =	vshrl.u32 v12, $0x4;
	v21 =	vmul.u32 $0x81, v21  }
0x1ae: {  	v16 =	vld.idx.msk [tilespmem:v16+s11+$0x0], $0xffff;
	v12 =	vand.u32 $0xF0F0F0F, v12;
	v17 =	vand.u32 $0xF0F0F0F, v17;
	v20 =	vxor.u32 v20, v22  }
0x1af: {  	v4 =	vld.idx.msk [tilespmem:v4+s11+$0x0], $0xffff;
	v17 =	vor.u32 v23, v17;
	v18 =	vxor.u32 v18, v21;
	v22 =	vshll.u32 v14, $0x4  }
0x1b0: {  	v8 =	vld.idx.msk [tilespmem:v8+s11+$0x0], $0xffff;
	v14 =	vand.u32 $0x80, v14;
	v21 =	vshrl.u32 v20, $0xE;
	v23 =	vshrl.u32 v18, $0xE  }
0x1b1: {  	v13 =	vld.idx.msk [tilespmem:v13+s11+$0x0], $0xffff;
	v24 =	vand.u32 $0xF0F0F0F0, v22;
	v25 =	vshrl.u32 v17, $0x10;
	v26 =	vshrl.u32 v17, $0x8  }
0x1b2: {  	[tilespmem:v62+s12+$0x0] =	vst.idx.msk $0xffff, v0;
	v0 =	vand.u32 $0x80, v22;
	v21 =	vxor.u32 v20, v21;
	v23 =	vxor.u32 v18, v23  }
0x1b3: {  	[tilespmem:v59+s12+$0x0] =	vst.idx.msk $0xffff, v2;
	v12 =	vor.u32 v24, v12;
	v24 =	vshrl.u32 v17, $0x18;
	v25 =	vand.u32 $0xFF, v25  }
0x1b4: {  	[tilespmem:v57+s12+$0x0] =	vst.idx.msk $0xffff, v6;
	v17 =	vand.u32 $0x7F, v17;
	v26 =	vand.u32 $0xFF, v26;
	v21 =	vand.u32 $0xCCCC, v21  }
0x1b5: {  	[tilespmem:v63+s12+$0x0] =	vst.idx.msk $0xffff, v7;
	v23 =	vand.u32 $0xCCCC, v23;
	v28 =	vshrl.u32 v12, $0x10;
	v24 =	vor.u32 s31, v24  }
0x1b6: {  	[tilespmem:v61+s12+$0x0] =	vst.idx.msk $0xffff, v16;
	v14 =	vor.u32 v17, v14;
	v21 =	vmul.u32 $0x4001, v21;
	v23 =	vmul.u32 $0x4001, v23  }
0x1b7: {  	v57 =	vld [tilespmem:$0x1FFF0];
	[tilespmem:v60+s12+$0x0] =	vst.idx.msk $0xffff, v4;
	v25 =	vor.u32 s31, v25;
	v26 =	vor.u32 s31, v26;
	v14 =	vor.u32 s31, v14  }
0x1b8: {  	[tilespmem:v58+s12+$0x0] =	vst.idx.msk $0xffff, v8;
	v58 =	vld [tilespmem:$0x1FF30];
	v20 =	vxor.u32 v20, v21;
	v18 =	vxor.u32 v18, v23;
	v23 =	vshrl.u32 v12, $0x18  }
0x1b9: {  	[tilespmem:v56+s12+$0x0] =	vst.idx.msk $0xffff, v13;
	v56 =	vld [tilespmem:$0x1FFE0];
	v21 =	vshrl.u32 v20, $0x4;
	v27 =	vand.u32 $0xF0F0F0F0, v18;
	v20 =	vand.u32 $0xF0F0F0F, v20  }
0x1ba: {  	v22 =	vor.u32 s31, v23;
	v23 =	vand.u32 $0xFF, v28;
	v28 =	vld [tilespmem:$0x1FF10];
	v21 =	vand.u32 $0xF0F0F0F, v21  }
0x1bb: {  	v16 =	vand.u32 $0x80, v18;
	v2 =	vld.idx.msk [tilespmem:v24+s11+$0x0], $0xffff;
	v21 =	vor.u32 v27, v21;
	v27 =	vshll.u32 v18, $0x4  }
0x1bc: {  	v23 =	vor.u32 s31, v23;
	v14 =	vld.idx.msk [tilespmem:v14+s11+$0x0], $0xffff;
	v17 =	vand.u32 $0xF0F0F0F0, v27;
	v61 =	vand.u32 $0x80, v27  }
0x1bd: {  	v27 =	vld [tilespmem:$0x1FF00];
	v17 =	vor.u32 v17, v20;
	v20 =	vshrl.u32 v12, $0x8;
	v12 =	vand.u32 $0x7F, v12  }
0x1be: {  	v59 =	vshrl.u32 v21, $0x18;
	v62 =	vshrl.u32 v21, $0x10;
	v0 =	vor.u32 v12, v0;
	v12 =	vld.idx.msk [tilespmem:v25+s11+$0x0], $0xffff  }
0x1bf: {  	v24 =	vshrl.u32 v21, $0x8;
	v21 =	vand.u32 $0x7F, v21;
	v6 =	vor.u32 s31, v59;
	v25 =	vld.idx.msk [tilespmem:v26+s11+$0x0], $0xffff  }
0x1c0: {  	v7 =	vand.u32 $0xFF, v62;
	v18 =	vand.u32 $0xFF, v24;
	v63 =	vor.u32 v21, v16;
	v4 =	vld.idx.msk [tilespmem:v22+s11+$0x0], $0xffff  }
0x1c1: {  	v20 =	vand.u32 $0xFF, v20;
	v7 =	vor.u32 s31, v7;
	v8 =	vor.u32 s31, v63;
	v63 =	vld [tilespmem:$0x1FF20]  }
0x1c2: {  	v16 =	vshrl.u32 v17, $0x18;
	v18 =	vor.u32 s31, v18;
	v60 =	vshrl.u32 v17, $0x10;
	v21 =	vld.idx.msk [tilespmem:v23+s11+$0x0], $0xffff  }
0x1c3: {  	v22 =	vshrl.u32 v17, $0x8;
	v17 =	vand.u32 $0x7F, v17;
	v13 =	vand.u32 $0xFF, v60;
	v60 =	vld [tilespmem:$0x1FF40]  }
0x1c4: {  	[tilespmem:v55+s12+$0x0] =	vst.idx.msk $0xffff, v9;
	v20 =	vor.u32 s31, v20;
	v9 =	vor.u32 v17, v61;
	v61 =	vld [tilespmem:$0x1FF50]  }
0x1c5: {  	v0 =	vor.u32 s31, v0;
	v6 =	vld.idx.msk [tilespmem:v6+s11+$0x0], $0xffff  }
0x1c6: {  	v16 =	vor.u32 s31, v16;
	v7 =	vld.idx.msk [tilespmem:v7+s11+$0x0], $0xffff  }
0x1c7: {  	[tilespmem:v54+s12+$0x0] =	vst.idx.msk $0xffff, v11;
	v62 =	vand.u32 $0xFF, v22;
	v17 =	vadd.s32 v56, v48;
	v11 =	vor.u32 s31, v13;
	v18 =	vld.idx.msk [tilespmem:v18+s11+$0x0], $0xffff  }
0x1c8: {  	[tilespmem:v53+s12+$0x0] =	vst.idx.msk $0xffff, v15;
	v15 =	vadd.s32 v57, v48;
	v13 =	vor.u32 s31, v62;
	v8 =	vld.idx.msk [tilespmem:v8+s11+$0x0], $0xffff  }
0x1c9: {  	[tilespmem:v50+s12+$0x0] =	vst.idx.msk $0xffff, v10;
	v9 =	vor.u32 s31, v9;
	v59 =	vadd.s32 v27, v49;
	v20 =	vld.idx.msk [tilespmem:v20+s11+$0x0], $0xffff  }
0x1ca: {  	[tilespmem:v51+s12+$0x0] =	vst.idx.msk $0xffff, v19;
	v19 =	vadd.s32 v28, v49;
	v0 =	vld.idx.msk [tilespmem:v0+s11+$0x0], $0xffff  }
0x1cb: {  	[tilespmem:v52+s12+$0x0] =	vst.idx.msk $0xffff, v3;
	v62 =	vadd.s32 v63, v49;
	v16 =	vld.idx.msk [tilespmem:v16+s11+$0x0], $0xffff  }
0x1cc: {  	[tilespmem:v17+s12+$0x0] =	vst.idx.msk $0xffff, v5;
	v3 =	vld.idx.msk [tilespmem:v11+s11+$0x0], $0xffff  }
0x1cd: {  	v5 =	vld.idx.msk [tilespmem:v13+s11+$0x0], $0xffff;
	[tilespmem:v15+s12+$0x0] =	vst.idx.msk $0xffff, v1  }
0x1ce: {  	v1 =	vld.idx.msk [tilespmem:v9+s11+$0x0], $0xffff;
	[tilespmem:v59+s12+$0x0] =	vst.idx.msk $0xffff, v2  }
0x1cf: {  	v53 =	vld [tilespmem:$0x1FF60];
	[tilespmem:v19+s12+$0x0] =	vst.idx.msk $0xffff, v12  }
0x1d0: {  	[tilespmem:v62+s12+$0x0] =	vst.idx.msk $0xffff, v25;
	v25 =	vld [tilespmem:$0x1FF70]  }
0x1d1: {  	v52 =	vld [tilespmem:$0x1FF80];
	v63 =	vadd.s32 v58, v49  }
0x1d2: {  	v54 =	vld [tilespmem:$0x1FF90];
	v48 =	vadd.s32 v60, v49  }
0x1d3: {  	v55 =	vld [tilespmem:$0x1FFA0];
	v2 =	vadd.s32 v61, v49  }
0x1d4: {  	v50 =	vadd.s32 v53, v49;
	v58 =	vld [tilespmem:$0x1FFB0]  }
0x1d5: {  	v60 =	vld [tilespmem:$0x1FFC0];
	v51 =	vadd.s32 v25, v49  }
0x1d6: {  	v53 =	vadd.s32 v52, v49;
	v61 =	vld [tilespmem:$0x1FFD0];
	[tilespmem:v63+s12+$0x0] =	vst.idx.msk $0xffff, v14  }
0x1d7: {  	v54 =	vadd.s32 v54, v49;
	[tilespmem:v48+s12+$0x0] =	vst.idx.msk $0xffff, v4  }
0x1d8: {  	v24 =	vld [tilespmem:$0x1FEE0];
	[tilespmem:v2+s12+$0x0] =	vst.idx.msk $0xffff, v21;
	v2 =	vadd.s32 v55, v49  }
0x1d9: {  	v26 =	vld [tilespmem:$0x1FEF0];
	v59 =	vadd.s32 v58, v49;
	[tilespmem:v50+s12+$0x0] =	vst.idx.msk $0xffff, v20  }
0x1da: {  	v23 =	vld [tilespmem:$0x1FED0];
	[tilespmem:v51+s12+$0x0] =	vst.idx.msk $0xffff, v0;
	v0 =	vadd.s32 v60, v49  }
0x1db: {  	v22 =	vld [tilespmem:$0x1FEC0];
	v62 =	vadd.s32 v61, v49;
	[tilespmem:v53+s12+$0x0] =	vst.idx.msk $0xffff, v6  }
0x1dc: {  	v17 =	vld [tilespmem:$0x1FE70];
	v63 =	vadd.s32 v56, v49;
	[tilespmem:v54+s12+$0x0] =	vst.idx.msk $0xffff, v7  }
0x1dd: {  	p0 =	slt.u32 s17, $0x16;
	v19 =	vld [tilespmem:$0x1FE90];
	[tilespmem:v2+s12+$0x0] =	vst.idx.msk $0xffff, v18;
	v2 =	vadd.s32 v57, v49  }
.Ltmp0:
0x1de: {  	v21 =	vld [tilespmem:$0x1FEB0];
	[tilespmem:v59+s12+$0x0] =	vst.idx.msk $0xffff, v8;
	(pc) =	sbr.rel @p0 .LBB2_2-.Ltmp0, $4  }
0x1df: {  	v20 =	vld [tilespmem:$0x1FEA0];
	[tilespmem:v0+s12+$0x0] =	vst.idx.msk $0xffff, v16  }
0x1e0: {  	v18 =	vld [tilespmem:$0x1FE80];
	[tilespmem:v62+s12+$0x0] =	vst.idx.msk $0xffff, v3  }
0x1e1: {  	s16 =	sadd.s32 $0x400, s16;
	v16 =	vld [tilespmem:$0x1FE60];
	[tilespmem:v63+s12+$0x0] =	vst.idx.msk $0xffff, v5  }
0x1e2: {  	s17 =	sadd.s32 $0x2, s17;
	s14 =	sadd.s32 $0x200, s14;
	s15 =	sadd.s32 $0x200, s15;
	v0 =	vld [tilespmem:$0x1FE30];
	[tilespmem:v2+s12+$0x0] =	vst.idx.msk $0xffff, v1  }
0x1e3: {  	s13 =	sadd.s32 $0x1, s13  }
0x1e4: {  	p0 =	sne.s32 s13, s6  }
.Ltmp1:
0x1e5: {  	_ = 	snop;
	(pc) =	sbr.rel @p0 .LBB2_1-.Ltmp1, $4  }
0x1e6: {  	[hbm4b:s5+s2] =	stream.linear.scatter [tilespmem:s12], [sflag:$0x1], $0x4800, $0x38;
	[tilespmem:$0xCC00] =	vst v63  }
0x1e7: {  	_ =	swait.ge [sflag:s8], $0x4800  }
0x1e8: {  	[sflag:s8] =	ssyncset.done $0x0  }
0x1e9: {  	[sflag:s8] =	ssyncadd.s32 $0xFFFFB800  }
0x1ea: {  	_ =	sfence.sel $0x180000  }
0x1eb: {  	[bflag:$0x0] =	sbarrier.arrive $0xFFFF  }
0x1ec: {  	p0 =	sne.s32 s0, $0x0;
	_ =	strace $0x90000047  }
0x1ed: {  	s0 =	sadd.s32 @!p0 $0x100000, s1;
	[bflag:$0x2] =	sbarrier.arrive $0xFFFF  }
0x1ee: {  	[sflag:s0] =	ssyncadd.tile.s32 @!p0 $0x1;
	_ =	shalt  }
.Lfunc_end2:
_tile_overlayer_lowered:
.L_overlay_start_2:
0x1ef: {  	(tag) =	ssettag $0x2  }
0x1f0: {  	s0 =	rddreg [dreg:$0x0];
	s2 =	stileid.u32  }
0x1f1: {  	s1 =	rddreg [dreg:$0x1];
	p0 =	sne.s32 s2, $0x0  }
0x1f2: {  	s3 =	rddreg [dreg:$0x2];
	[bflag:$0x3] =	sbarrier.arrive $0xFFFF;
	s2 =	simm.s32 @!p0 $0x1C01  }
0x1f3: {  	[timem:s3], [sflag:s2] =	dma.local @!p0 [hbm:s0], s1  }
0x1f4: {  	s0 =	simm.s32 @!p0 $0x1  }
0x1f5: {  	_ =	swait.ge @!p0 [sflag:s0], s1  }
0x1f6: {  	s1 =	ssub.s32 @!p0 $0x0, s1;
	[sflag:s0] =	ssyncset.done @!p0 $0x0  }
0x1f7: {  	[sflag:s0] =	ssyncadd.s32 @!p0 s1  }
0x1f8: {  	[bflag:$0x3] =	sbarrier.arrive $0xFFFF  }
0x1f9: {  	_ =	shalt  }

</sc_bundles>
